<compile_context>
chip_gen: v7x
topology: tpu7x:2x2x1
jax: 0.10.2.dev20260603
libtpu: 0.0.44.dev20260713+nightly
codegen_flags: <defaults>
</compile_context>

<pallas_src>
import functools

import jax
import jax.numpy as jnp
from jax import lax
from jax.experimental import pallas as pl
from jax.experimental.pallas import tpu as pltpu
from jax.experimental.pallas import tpu_sc as plsc


_RATIO = 4


_TILE = 128
_W = 1024


def _fps_body(x_ref, y_ref, z_ref, f0_ref, cent_ref, sx_ref, sy_ref, sz_ref,
              d_ref):
    B, N = x_ref.shape
    M = cent_ref.shape[1]
    nblk = N // _W
    f0 = f0_ref[...]
    iota_t = lax.broadcasted_iota(jnp.int32, (B, _TILE), 1)
    iota_w = lax.broadcasted_iota(jnp.int32, (B, _W), 1)
    sent = jnp.full((B, 1), N, jnp.int32)
    d_ref[...] = jnp.full((B, N), 1e10, dtype=jnp.float32)

    def coords_of(f):
        cx = jnp.zeros((B, 1), jnp.float32)
        cy = jnp.zeros((B, 1), jnp.float32)
        cz = jnp.zeros((B, 1), jnp.float32)
        for k in range(nblk):
            sl = pl.ds(k * _W, _W)
            mb = (iota_w + (k * _W)) == f
            cx += jnp.sum(jnp.where(mb, x_ref[:, sl], 0.0), axis=1,
                          keepdims=True)
            cy += jnp.sum(jnp.where(mb, y_ref[:, sl], 0.0), axis=1,
                          keepdims=True)
            cz += jnp.sum(jnp.where(mb, z_ref[:, sl], 0.0), axis=1,
                          keepdims=True)
        return cx, cy, cz

    def inner(j, carry):
        f, cx, cy, cz, tc, tx, ty, tz = carry
        sel = iota_t == j
        tc = jnp.where(sel, f, tc)
        tx = jnp.where(sel, cx, tx)
        ty = jnp.where(sel, cy, ty)
        tz = jnp.where(sel, cz, tz)
        best_m = jnp.full((B, 1), -1.0, jnp.float32)
        bi = sent
        bx = jnp.zeros((B, 1), jnp.float32)
        by = jnp.zeros((B, 1), jnp.float32)
        bz = jnp.zeros((B, 1), jnp.float32)
        for k in range(nblk):
            sl = pl.ds(k * _W, _W)
            xb = x_ref[:, sl]
            yb = y_ref[:, sl]
            zb = z_ref[:, sl]
            dx = xb - cx
            dy = yb - cy
            dz = zb - cz
            dist = (dx * dx + dz * dz) + dy * dy
            db = jnp.minimum(d_ref[:, sl], dist)
            d_ref[:, sl] = db
            bm = jnp.max(db, axis=1, keepdims=True)
            selb = db == bm
            idxb = jnp.min(jnp.where(selb, iota_w, _W), axis=1, keepdims=True)
            mb = iota_w == idxb
            cxb = jnp.sum(jnp.where(mb, xb, 0.0), axis=1, keepdims=True)
            cyb = jnp.sum(jnp.where(mb, yb, 0.0), axis=1, keepdims=True)
            czb = jnp.sum(jnp.where(mb, zb, 0.0), axis=1, keepdims=True)
            better = bm > best_m
            best_m = jnp.where(better, bm, best_m)
            bi = jnp.where(better, idxb + (k * _W), bi)
            bx = jnp.where(better, cxb, bx)
            by = jnp.where(better, cyb, by)
            bz = jnp.where(better, czb, bz)
        return bi, bx, by, bz, tc, tx, ty, tz

    def outer(k, carry):
        f, cx, cy, cz = carry
        zc = jnp.zeros((B, _TILE), jnp.int32)
        zf = jnp.zeros((B, _TILE), jnp.float32)
        f, cx, cy, cz, tc, tx, ty, tz = lax.fori_loop(
            0, _TILE, inner, (f, cx, cy, cz, zc, zf, zf, zf), unroll=4)
        base = pl.multiple_of(k * _TILE, _TILE)
        cent_ref[:, pl.ds(base, _TILE)] = tc
        sx_ref[:, pl.ds(base, _TILE)] = tx
        sy_ref[:, pl.ds(base, _TILE)] = ty
        sz_ref[:, pl.ds(base, _TILE)] = tz
        return f, cx, cy, cz

    cx0, cy0, cz0 = coords_of(f0)
    lax.fori_loop(0, M // _TILE, outer, (f0, cx0, cy0, cz0))


def _run_fps(x, y, z, f0):
    B, N = x.shape
    M = N // _RATIO
    return pl.pallas_call(
        _fps_body,
        out_shape=(
            jax.ShapeDtypeStruct((B, M), jnp.int32),
            jax.ShapeDtypeStruct((B, M), jnp.float32),
            jax.ShapeDtypeStruct((B, M), jnp.float32),
            jax.ShapeDtypeStruct((B, M), jnp.float32),
        ),
        scratch_shapes=[pltpu.VMEM((B, N), jnp.float32)],
    )(x, y, z, f0)


def _sc_gather(table, idx2, n_rows, feat_dim):
    nw = 32
    rows_per_w = n_rows // nw
    chunks = rows_per_w // 128
    mesh = plsc.VectorSubcoreMesh(core_axis_name="c", subcore_axis_name="s")

    @functools.partial(
        pl.kernel,
        mesh=mesh,
        out_type=jax.ShapeDtypeStruct((n_rows, feat_dim), jnp.float32),
        scratch_types=[
            pltpu.VMEM((chunks, 128), jnp.int32),
            pltpu.VMEM((rows_per_w, feat_dim), jnp.float32),
            pltpu.SemaphoreType.DMA,
        ],
    )
    def gather_kernel(table_hbm, idx_hbm, out_hbm, idx_v, rows_v, sem):
        wid = lax.axis_index("c") * 16 + lax.axis_index("s")
        pltpu.sync_copy(idx_hbm.at[pl.ds(wid * chunks, chunks)], idx_v)
        copies = [
            pltpu.async_copy(table_hbm.at[idx_v.at[j]],
                             rows_v.at[pl.ds(j * 128, 128)], sem)
            for j in range(chunks)
        ]
        for cp in copies:
            cp.wait()
        pltpu.sync_copy(rows_v, out_hbm.at[pl.ds(wid * rows_per_w, rows_per_w)])

    return gather_kernel(table, idx2)


def kernel(xyz, feature):
    B, _, N = xyz.shape
    Cf = feature.shape[1]
    M = N // _RATIO

    fkey = jax.random.key(1)
    f0 = jax.random.randint(fkey, (B,), 0, N).astype(jnp.int32).reshape(B, 1)

    x = xyz[:, 0, :]
    y = xyz[:, 1, :]
    z = xyz[:, 2, :]
    cent, sx, sy, sz = _run_fps(x, y, z, f0)
    sampled_xyz = jnp.stack([sx, sy, sz], axis=1)

    table = feature.transpose(0, 2, 1).reshape(B * N, Cf)
    flat_idx = (cent + jnp.arange(B, dtype=jnp.int32)[:, None] * N)
    idx2 = flat_idx.reshape((B * M) // 128, 128)
    gathered = _sc_gather(table, idx2, B * M, Cf)
    sampled_feature = gathered.reshape(B, M, Cf).transpose(0, 2, 1)

    return sampled_xyz, sampled_feature

# --- scband reference (transcript-rebuilt; emitter-appended) ---
"""Pipeline reference for scband-down-sampling-58961311040322 (READ-ONLY COPY).

The authoritative reference and input builder live on the scoring server;
editing this copy changes nothing except your own understanding.
"""

import jax, jax.numpy as jnp
import numpy as np


def farthest_point_sample_batch(xyz, npoint):
    # xyz: [B, N, 3] -> centroids: int32 [B, npoint]
    B, N, C = xyz.shape
    key = jax.random.key(1)
    farthest = jax.random.randint(key, (B,), 0, N)
    distance = jnp.full((B, N), 1e10, dtype=xyz.dtype)
    centroids = jnp.zeros((B, npoint), dtype=jnp.int32)
    batch_idx = jnp.arange(B)

    def body(i, state):
        centroids, distance, farthest = state
        centroids = centroids.at[:, i].set(farthest.astype(jnp.int32))
        centroid = xyz[batch_idx, farthest, :][:, None, :]
        dist = jnp.sum((xyz - centroid) ** 2, axis=-1)
        distance = jnp.where(dist < distance, dist, distance)
        farthest = jnp.argmax(distance, axis=-1)
        return (centroids, distance, farthest)

    centroids, _, _ = jax.lax.fori_loop(0, npoint, body, (centroids, distance, farthest))
    return centroids


def index_points(points, idx):
    # points: [B, N, C], idx: [B, S] -> [B, S, C]
    return jnp.take_along_axis(points, idx[:, :, None].astype(jnp.int32), axis=1)


def setup_inputs(seed: int = 0):
    key = jax.random.key(seed)
    k1, k2 = jax.random.split(key)
    xyz = jax.random.normal(k1, (8, 3, 8192), dtype=jnp.float32)
    feature = jax.random.normal(k2, (8, 128, 8192), dtype=jnp.float32)
    return {"xyz": xyz, "feature": feature}


def reference(xyz, feature):
    ratio = 4
    B, _, N = xyz.shape
    xyz_t = jnp.transpose(xyz, (0, 2, 1))       # [B, N, 3]
    feat_t = jnp.transpose(feature, (0, 2, 1))  # [B, N, Cin]
    M = N // ratio
    sampled_idx = farthest_point_sample_batch(xyz_t, M)
    sampled = index_points(xyz_t, sampled_idx)          # [B, M, 3]
    sampled_feature = index_points(feat_t, sampled_idx)  # [B, M, Cin]
    return (jnp.transpose(sampled, (0, 2, 1)), jnp.transpose(sampled_feature, (0, 2, 1)))

if __name__ == "__main__":
    import jax
    _d = setup_inputs()
    print(jax.jit(kernel)(*tuple(_d.values())))

</pallas_src>

<mosaic_0001>
#map = affine_map<(d0, d1) -> (0, 0)>
module attributes {stable_mosaic.version = 14 : i64} {
  func.func @gather_kernel(%arg0: i32, %arg1: i32, %arg2: memref<65536x128xf32, #tpu.memory_space<hbm>>, %arg3: memref<128x128xi32, #tpu.memory_space<hbm>>, %arg4: memref<16384x128xf32, #tpu.memory_space<hbm>>, %arg5: memref<4x128xi32, #tpu.memory_space<vmem>>, %arg6: memref<512x128xf32, #tpu.memory_space<vmem>>, %arg7: memref<!tpu.dma_semaphore, #tpu.memory_space<semaphore_mem>>) attributes {dimension_semantics = [#tpu.dimension_semantics<core_parallel>, #tpu.dimension_semantics<subcore_parallel>], iteration_bounds = array<i64: 2, 16>, scalar_prefetch = 0 : i64, scratch_operands = 3 : i64, tpu.core_type = #tpu.core_type<sc_vector_subcore>, window_params = [{transform_indices = #map}, {transform_indices = #map}, {transform_indices = #map}]} {
    %mul3A = arith.constant 16 : i32
    %mul3A_0 = arith.muli %arg0, %mul3A : i32
    %add3A = arith.addi %mul3A_0, %arg1 : i32
    %mul3A_1 = arith.constant 4 : i32
    %mul3A_2 = arith.muli %add3A, %mul3A_1 : i32
    "tpu.region"() ({
      %run_scoped3A = tpu.sem_alloc : memref<!tpu.dma_semaphore, #tpu.memory_space<semaphore_mem>>
      %dma_start3A_83 = arith.constant 0 : i32
      %dma_start3A_84 = tpu.memref_slice %arg3[%mul3A_2, %dma_start3A_83] : memref<128x128xi32, #tpu.memory_space<hbm>> -> memref<4x128xi32, #tpu.memory_space<hbm>>
      %dma_start3A_85 = arith.constant 0 : i32
      %dma_start3A_86 = tpu.memref_slice %arg3[%mul3A_2, %dma_start3A_85] : memref<128x128xi32, #tpu.memory_space<hbm>> -> memref<4x128xi32, #tpu.memory_space<hbm>>
      tpu.enqueue_dma source(%dma_start3A_86 : memref<4x128xi32, #tpu.memory_space<hbm>>) target(%arg5 : memref<4x128xi32, #tpu.memory_space<vmem>>) target_semaphore(%run_scoped3A : memref<!tpu.dma_semaphore, #tpu.memory_space<semaphore_mem>>)
      %dma_wait3A_87 = arith.constant 0 : i32
      %dma_wait3A_88 = tpu.memref_slice %arg3[%mul3A_2, %dma_wait3A_87] : memref<128x128xi32, #tpu.memory_space<hbm>> -> memref<4x128xi32, #tpu.memory_space<hbm>>
      %dma_wait3A_89 = arith.constant 0 : i32
      %dma_wait3A_90 = tpu.memref_slice %arg3[%mul3A_2, %dma_wait3A_89] : memref<128x128xi32, #tpu.memory_space<hbm>> -> memref<4x128xi32, #tpu.memory_space<hbm>>
      tpu.wait_dma2 semaphore(%run_scoped3A : memref<!tpu.dma_semaphore, #tpu.memory_space<semaphore_mem>>) src(%dma_wait3A_90 : memref<4x128xi32, #tpu.memory_space<hbm>>) dst(%arg5 : memref<4x128xi32, #tpu.memory_space<vmem>>)
      tpu.yield
    }) : () -> ()
    %dma_start3A = arith.constant 0 : i32
    %dma_start3A_3 = arith.constant 0 : i32
    %dma_start3A_4 = arith.constant 0 : i32
    %dma_start3A_5 = tpu.memref_slice %arg6[%dma_start3A_3, %dma_start3A_4] : memref<512x128xf32, #tpu.memory_space<vmem>> -> memref<128x128xf32, #tpu.memory_space<vmem>>
    %dma_start3A_6 = arith.constant 0 : i32
    %dma_start3A_7 = tpu.memref_slice %arg5[%dma_start3A, %dma_start3A_6] : memref<4x128xi32, #tpu.memory_space<vmem>> -> memref<1x128xi32, #tpu.memory_space<vmem>>
    %dma_start3A_8 = tpu.memref_squeeze %dma_start3A_7 : memref<1x128xi32, #tpu.memory_space<vmem>> -> memref<128xi32, #tpu.memory_space<vmem>>
    %dma_start3A_9 = arith.constant 0 : i32
    %dma_start3A_10 = arith.constant 0 : i32
    %dma_start3A_11 = tpu.memref_slice %arg2[%dma_start3A_9, %dma_start3A_10] : memref<65536x128xf32, #tpu.memory_space<hbm>> -> memref<65536x128xf32, #tpu.memory_space<hbm>>
    tpu.enqueue_indirect_dma source(%dma_start3A_11 : memref<65536x128xf32, #tpu.memory_space<hbm>>) target(%dma_start3A_5 : memref<128x128xf32, #tpu.memory_space<vmem>>) offsets(%dma_start3A_8 : memref<128xi32, #tpu.memory_space<vmem>>) semaphore(%arg7 : memref<!tpu.dma_semaphore, #tpu.memory_space<semaphore_mem>>)
    %dma_start3A_12 = arith.constant 1 : i32
    %dma_start3A_13 = arith.constant 128 : i32
    %dma_start3A_14 = arith.constant 0 : i32
    %dma_start3A_15 = tpu.memref_slice %arg6[%dma_start3A_13, %dma_start3A_14] : memref<512x128xf32, #tpu.memory_space<vmem>> -> memref<128x128xf32, #tpu.memory_space<vmem>>
    %dma_start3A_16 = arith.constant 0 : i32
    %dma_start3A_17 = tpu.memref_slice %arg5[%dma_start3A_12, %dma_start3A_16] : memref<4x128xi32, #tpu.memory_space<vmem>> -> memref<1x128xi32, #tpu.memory_space<vmem>>
    %dma_start3A_18 = tpu.memref_squeeze %dma_start3A_17 : memref<1x128xi32, #tpu.memory_space<vmem>> -> memref<128xi32, #tpu.memory_space<vmem>>
    %dma_start3A_19 = arith.constant 0 : i32
    %dma_start3A_20 = arith.constant 0 : i32
    %dma_start3A_21 = tpu.memref_slice %arg2[%dma_start3A_19, %dma_start3A_20] : memref<65536x128xf32, #tpu.memory_space<hbm>> -> memref<65536x128xf32, #tpu.memory_space<hbm>>
    tpu.enqueue_indirect_dma source(%dma_start3A_21 : memref<65536x128xf32, #tpu.memory_space<hbm>>) target(%dma_start3A_15 : memref<128x128xf32, #tpu.memory_space<vmem>>) offsets(%dma_start3A_18 : memref<128xi32, #tpu.memory_space<vmem>>) semaphore(%arg7 : memref<!tpu.dma_semaphore, #tpu.memory_space<semaphore_mem>>)
    %dma_start3A_22 = arith.constant 2 : i32
    %dma_start3A_23 = arith.constant 256 : i32
    %dma_start3A_24 = arith.constant 0 : i32
    %dma_start3A_25 = tpu.memref_slice %arg6[%dma_start3A_23, %dma_start3A_24] : memref<512x128xf32, #tpu.memory_space<vmem>> -> memref<128x128xf32, #tpu.memory_space<vmem>>
    %dma_start3A_26 = arith.constant 0 : i32
    %dma_start3A_27 = tpu.memref_slice %arg5[%dma_start3A_22, %dma_start3A_26] : memref<4x128xi32, #tpu.memory_space<vmem>> -> memref<1x128xi32, #tpu.memory_space<vmem>>
    %dma_start3A_28 = tpu.memref_squeeze %dma_start3A_27 : memref<1x128xi32, #tpu.memory_space<vmem>> -> memref<128xi32, #tpu.memory_space<vmem>>
    %dma_start3A_29 = arith.constant 0 : i32
    %dma_start3A_30 = arith.constant 0 : i32
    %dma_start3A_31 = tpu.memref_slice %arg2[%dma_start3A_29, %dma_start3A_30] : memref<65536x128xf32, #tpu.memory_space<hbm>> -> memref<65536x128xf32, #tpu.memory_space<hbm>>
    tpu.enqueue_indirect_dma source(%dma_start3A_31 : memref<65536x128xf32, #tpu.memory_space<hbm>>) target(%dma_start3A_25 : memref<128x128xf32, #tpu.memory_space<vmem>>) offsets(%dma_start3A_28 : memref<128xi32, #tpu.memory_space<vmem>>) semaphore(%arg7 : memref<!tpu.dma_semaphore, #tpu.memory_space<semaphore_mem>>)
    %dma_start3A_32 = arith.constant 3 : i32
    %dma_start3A_33 = arith.constant 384 : i32
    %dma_start3A_34 = arith.constant 0 : i32
    %dma_start3A_35 = tpu.memref_slice %arg6[%dma_start3A_33, %dma_start3A_34] : memref<512x128xf32, #tpu.memory_space<vmem>> -> memref<128x128xf32, #tpu.memory_space<vmem>>
    %dma_start3A_36 = arith.constant 0 : i32
    %dma_start3A_37 = tpu.memref_slice %arg5[%dma_start3A_32, %dma_start3A_36] : memref<4x128xi32, #tpu.memory_space<vmem>> -> memref<1x128xi32, #tpu.memory_space<vmem>>
    %dma_start3A_38 = tpu.memref_squeeze %dma_start3A_37 : memref<1x128xi32, #tpu.memory_space<vmem>> -> memref<128xi32, #tpu.memory_space<vmem>>
    %dma_start3A_39 = arith.constant 0 : i32
    %dma_start3A_40 = arith.constant 0 : i32
    %dma_start3A_41 = tpu.memref_slice %arg2[%dma_start3A_39, %dma_start3A_40] : memref<65536x128xf32, #tpu.memory_space<hbm>> -> memref<65536x128xf32, #tpu.memory_space<hbm>>
    tpu.enqueue_indirect_dma source(%dma_start3A_41 : memref<65536x128xf32, #tpu.memory_space<hbm>>) target(%dma_start3A_35 : memref<128x128xf32, #tpu.memory_space<vmem>>) offsets(%dma_start3A_38 : memref<128xi32, #tpu.memory_space<vmem>>) semaphore(%arg7 : memref<!tpu.dma_semaphore, #tpu.memory_space<semaphore_mem>>)
    %dma_wait3A = arith.constant 0 : i32
    %dma_wait3A_42 = arith.constant 0 : i32
    %dma_wait3A_43 = arith.constant 0 : i32
    %dma_wait3A_44 = tpu.memref_slice %arg6[%dma_wait3A_42, %dma_wait3A_43] : memref<512x128xf32, #tpu.memory_space<vmem>> -> memref<128x128xf32, #tpu.memory_space<vmem>>
    %dma_wait3A_45 = arith.constant 0 : i32
    %dma_wait3A_46 = tpu.memref_slice %arg5[%dma_wait3A, %dma_wait3A_45] : memref<4x128xi32, #tpu.memory_space<vmem>> -> memref<1x128xi32, #tpu.memory_space<vmem>>
    %dma_wait3A_47 = tpu.memref_squeeze %dma_wait3A_46 : memref<1x128xi32, #tpu.memory_space<vmem>> -> memref<128xi32, #tpu.memory_space<vmem>>
    %dma_wait3A_48 = arith.constant 0 : i32
    %dma_wait3A_49 = arith.constant 0 : i32
    %dma_wait3A_50 = tpu.memref_slice %arg2[%dma_wait3A_48, %dma_wait3A_49] : memref<65536x128xf32, #tpu.memory_space<hbm>> -> memref<65536x128xf32, #tpu.memory_space<hbm>>
    tpu.wait_indirect_dma semaphore(%arg7 : memref<!tpu.dma_semaphore, #tpu.memory_space<semaphore_mem>>) src(%dma_wait3A_50 : memref<65536x128xf32, #tpu.memory_space<hbm>>) dst(%dma_wait3A_44 : memref<128x128xf32, #tpu.memory_space<vmem>>)
    %dma_wait3A_51 = arith.constant 1 : i32
    %dma_wait3A_52 = arith.constant 128 : i32
    %dma_wait3A_53 = arith.constant 0 : i32
    %dma_wait3A_54 = tpu.memref_slice %arg6[%dma_wait3A_52, %dma_wait3A_53] : memref<512x128xf32, #tpu.memory_space<vmem>> -> memref<128x128xf32, #tpu.memory_space<vmem>>
    %dma_wait3A_55 = arith.constant 0 : i32
    %dma_wait3A_56 = tpu.memref_slice %arg5[%dma_wait3A_51, %dma_wait3A_55] : memref<4x128xi32, #tpu.memory_space<vmem>> -> memref<1x128xi32, #tpu.memory_space<vmem>>
    %dma_wait3A_57 = tpu.memref_squeeze %dma_wait3A_56 : memref<1x128xi32, #tpu.memory_space<vmem>> -> memref<128xi32, #tpu.memory_space<vmem>>
    %dma_wait3A_58 = arith.constant 0 : i32
    %dma_wait3A_59 = arith.constant 0 : i32
    %dma_wait3A_60 = tpu.memref_slice %arg2[%dma_wait3A_58, %dma_wait3A_59] : memref<65536x128xf32, #tpu.memory_space<hbm>> -> memref<65536x128xf32, #tpu.memory_space<hbm>>
    tpu.wait_indirect_dma semaphore(%arg7 : memref<!tpu.dma_semaphore, #tpu.memory_space<semaphore_mem>>) src(%dma_wait3A_60 : memref<65536x128xf32, #tpu.memory_space<hbm>>) dst(%dma_wait3A_54 : memref<128x128xf32, #tpu.memory_space<vmem>>)
    %dma_wait3A_61 = arith.constant 2 : i32
    %dma_wait3A_62 = arith.constant 256 : i32
    %dma_wait3A_63 = arith.constant 0 : i32
    %dma_wait3A_64 = tpu.memref_slice %arg6[%dma_wait3A_62, %dma_wait3A_63] : memref<512x128xf32, #tpu.memory_space<vmem>> -> memref<128x128xf32, #tpu.memory_space<vmem>>
    %dma_wait3A_65 = arith.constant 0 : i32
    %dma_wait3A_66 = tpu.memref_slice %arg5[%dma_wait3A_61, %dma_wait3A_65] : memref<4x128xi32, #tpu.memory_space<vmem>> -> memref<1x128xi32, #tpu.memory_space<vmem>>
    %dma_wait3A_67 = tpu.memref_squeeze %dma_wait3A_66 : memref<1x128xi32, #tpu.memory_space<vmem>> -> memref<128xi32, #tpu.memory_space<vmem>>
    %dma_wait3A_68 = arith.constant 0 : i32
    %dma_wait3A_69 = arith.constant 0 : i32
    %dma_wait3A_70 = tpu.memref_slice %arg2[%dma_wait3A_68, %dma_wait3A_69] : memref<65536x128xf32, #tpu.memory_space<hbm>> -> memref<65536x128xf32, #tpu.memory_space<hbm>>
    tpu.wait_indirect_dma semaphore(%arg7 : memref<!tpu.dma_semaphore, #tpu.memory_space<semaphore_mem>>) src(%dma_wait3A_70 : memref<65536x128xf32, #tpu.memory_space<hbm>>) dst(%dma_wait3A_64 : memref<128x128xf32, #tpu.memory_space<vmem>>)
    %dma_wait3A_71 = arith.constant 3 : i32
    %dma_wait3A_72 = arith.constant 384 : i32
    %dma_wait3A_73 = arith.constant 0 : i32
    %dma_wait3A_74 = tpu.memref_slice %arg6[%dma_wait3A_72, %dma_wait3A_73] : memref<512x128xf32, #tpu.memory_space<vmem>> -> memref<128x128xf32, #tpu.memory_space<vmem>>
    %dma_wait3A_75 = arith.constant 0 : i32
    %dma_wait3A_76 = tpu.memref_slice %arg5[%dma_wait3A_71, %dma_wait3A_75] : memref<4x128xi32, #tpu.memory_space<vmem>> -> memref<1x128xi32, #tpu.memory_space<vmem>>
    %dma_wait3A_77 = tpu.memref_squeeze %dma_wait3A_76 : memref<1x128xi32, #tpu.memory_space<vmem>> -> memref<128xi32, #tpu.memory_space<vmem>>
    %dma_wait3A_78 = arith.constant 0 : i32
    %dma_wait3A_79 = arith.constant 0 : i32
    %dma_wait3A_80 = tpu.memref_slice %arg2[%dma_wait3A_78, %dma_wait3A_79] : memref<65536x128xf32, #tpu.memory_space<hbm>> -> memref<65536x128xf32, #tpu.memory_space<hbm>>
    tpu.wait_indirect_dma semaphore(%arg7 : memref<!tpu.dma_semaphore, #tpu.memory_space<semaphore_mem>>) src(%dma_wait3A_80 : memref<65536x128xf32, #tpu.memory_space<hbm>>) dst(%dma_wait3A_74 : memref<128x128xf32, #tpu.memory_space<vmem>>)
    %mul3A_81 = arith.constant 512 : i32
    %mul3A_82 = arith.muli %add3A, %mul3A_81 : i32
    "tpu.region"() ({
      %run_scoped3A = tpu.sem_alloc : memref<!tpu.dma_semaphore, #tpu.memory_space<semaphore_mem>>
      %dma_start3A_83 = arith.constant 0 : i32
      %dma_start3A_84 = tpu.memref_slice %arg4[%mul3A_82, %dma_start3A_83] : memref<16384x128xf32, #tpu.memory_space<hbm>> -> memref<512x128xf32, #tpu.memory_space<hbm>>
      %dma_start3A_85 = arith.constant 0 : i32
      %dma_start3A_86 = tpu.memref_slice %arg4[%mul3A_82, %dma_start3A_85] : memref<16384x128xf32, #tpu.memory_space<hbm>> -> memref<512x128xf32, #tpu.memory_space<hbm>>
      tpu.enqueue_dma source(%arg6 : memref<512x128xf32, #tpu.memory_space<vmem>>) target(%dma_start3A_86 : memref<512x128xf32, #tpu.memory_space<hbm>>) target_semaphore(%run_scoped3A : memref<!tpu.dma_semaphore, #tpu.memory_space<semaphore_mem>>)
      %dma_wait3A_87 = arith.constant 0 : i32
      %dma_wait3A_88 = tpu.memref_slice %arg4[%mul3A_82, %dma_wait3A_87] : memref<16384x128xf32, #tpu.memory_space<hbm>> -> memref<512x128xf32, #tpu.memory_space<hbm>>
      %dma_wait3A_89 = arith.constant 0 : i32
      %dma_wait3A_90 = tpu.memref_slice %arg4[%mul3A_82, %dma_wait3A_89] : memref<16384x128xf32, #tpu.memory_space<hbm>> -> memref<512x128xf32, #tpu.memory_space<hbm>>
      tpu.wait_dma2 semaphore(%run_scoped3A : memref<!tpu.dma_semaphore, #tpu.memory_space<semaphore_mem>>) src(%arg6 : memref<512x128xf32, #tpu.memory_space<vmem>>) dst(%dma_wait3A_90 : memref<512x128xf32, #tpu.memory_space<hbm>>)
      tpu.yield
    }) : () -> ()
    return
  }
}

module attributes {stable_mosaic.version = 14 : i64} {
  func.func @_fps_body(%arg0: memref<8x8192xf32, #tpu.memory_space<vmem>>, %arg1: memref<8x8192xf32, #tpu.memory_space<vmem>>, %arg2: memref<8x8192xf32, #tpu.memory_space<vmem>>, %arg3: memref<8x1xi32, #tpu.memory_space<vmem>>, %arg4: memref<8x2048xi32, #tpu.memory_space<vmem>>, %arg5: memref<8x2048xf32, #tpu.memory_space<vmem>>, %arg6: memref<8x2048xf32, #tpu.memory_space<vmem>>, %arg7: memref<8x2048xf32, #tpu.memory_space<vmem>>, %arg8: memref<8x8192xf32, #tpu.memory_space<vmem>>) attributes {dimension_semantics = [], scalar_prefetch = 0 : i64, scratch_operands = 1 : i64, tpu.core_type = #tpu.core_type<tc>} {
    %get3A = arith.constant 0 : index
    %get3A_0 = arith.constant 0 : index
    %get3A_1 = vector.load %arg3[%get3A, %get3A_0] : memref<8x1xi32, #tpu.memory_space<vmem>>, vector<8x1xi32>
    %iota3A = tpu.iota {dimensions = array<i32: 1>} : vector<8x128xi32>
    %iota3A_2 = tpu.iota {dimensions = array<i32: 1>} : vector<8x1024xi32>
    %broadcast_in_dim3A = arith.constant 8192 : i32
    %broadcast_in_dim3A_3 = vector.broadcast %broadcast_in_dim3A : i32 to vector<8x1xi32>
    %broadcast_in_dim3A_4 = arith.constant 1.000000e+10 : f32
    %broadcast_in_dim3A_5 = vector.broadcast %broadcast_in_dim3A_4 : f32 to vector<8x8192xf32>
    %swap3A = arith.constant 0 : index
    %swap3A_6 = arith.constant 0 : index
    %swap3A_7 = vector.load %arg8[%swap3A, %swap3A_6] : memref<8x8192xf32, #tpu.memory_space<vmem>>, vector<8x8192xf32>
    tpu.vector_store %arg8[%swap3A, %swap3A_6], %broadcast_in_dim3A_5 {strides = array<i32>} : memref<8x8192xf32, #tpu.memory_space<vmem>>, vector<8x8192xf32>,
    %broadcast_in_dim3A_8 = arith.constant 0.000000e+00 : f32
    %broadcast_in_dim3A_9 = vector.broadcast %broadcast_in_dim3A_8 : f32 to vector<8x1xf32>
    %broadcast_in_dim3A_10 = arith.constant 0.000000e+00 : f32
    %broadcast_in_dim3A_11 = vector.broadcast %broadcast_in_dim3A_10 : f32 to vector<8x1xf32>
    %broadcast_in_dim3A_12 = arith.constant 0.000000e+00 : f32
    %broadcast_in_dim3A_13 = vector.broadcast %broadcast_in_dim3A_12 : f32 to vector<8x1xf32>
    %add3A = arith.constant 0 : i32
    %add3A_14 = vector.broadcast %add3A : i32 to vector<8x1024xi32>
    %add3A_15 = arith.addi %iota3A_2, %add3A_14 : vector<8x1024xi32>
    %eq3A = vector.broadcast %get3A_1 : vector<8x1xi32> to vector<8x1024xi32>
    %eq3A_16 = arith.cmpi eq, %add3A_15, %eq3A : vector<8x1024xi32>
    %get3A_17 = arith.constant 0 : index
    %get3A_18 = arith.constant 0 : index
    %get3A_19 = vector.load %arg0[%get3A_17, %get3A_18] : memref<8x8192xf32, #tpu.memory_space<vmem>>, vector<8x1024xf32>
    %jit3A = arith.constant 0.000000e+00 : f32
    %broadcast_in_dim3A_20 = vector.broadcast %jit3A : f32 to vector<8x1024xf32>
    %select_n3A = arith.select %eq3A_16, %get3A_19, %broadcast_in_dim3A_20 : vector<8x1024xi1>, vector<8x1024xf32>
    %reduce_sum3A = arith.constant dense<0.000000e+00> : vector<8xf32>
    %reduce_sum3A_21 = vector.multi_reduction <add>, %select_n3A, %reduce_sum3A [1] : vector<8x1024xf32> to vector<8xf32>
    %broadcast_in_dim3A_22 = vector.shape_cast %reduce_sum3A_21 : vector<8xf32> to vector<8x1xf32>
    %add3A_23 = arith.addf %broadcast_in_dim3A_9, %broadcast_in_dim3A_22 : vector<8x1xf32>
    %get3A_24 = arith.constant 0 : index
    %get3A_25 = arith.constant 0 : index
    %get3A_26 = vector.load %arg1[%get3A_24, %get3A_25] : memref<8x8192xf32, #tpu.memory_space<vmem>>, vector<8x1024xf32>
    %jit3A_27 = arith.constant 0.000000e+00 : f32
    %broadcast_in_dim3A_28 = vector.broadcast %jit3A_27 : f32 to vector<8x1024xf32>
    %select_n3A_29 = arith.select %eq3A_16, %get3A_26, %broadcast_in_dim3A_28 : vector<8x1024xi1>, vector<8x1024xf32>
    %reduce_sum3A_30 = arith.constant dense<0.000000e+00> : vector<8xf32>
    %reduce_sum3A_31 = vector.multi_reduction <add>, %select_n3A_29, %reduce_sum3A_30 [1] : vector<8x1024xf32> to vector<8xf32>
    %broadcast_in_dim3A_32 = vector.shape_cast %reduce_sum3A_31 : vector<8xf32> to vector<8x1xf32>
    %add3A_33 = arith.addf %broadcast_in_dim3A_11, %broadcast_in_dim3A_32 : vector<8x1xf32>
    %get3A_34 = arith.constant 0 : index
    %get3A_35 = arith.constant 0 : index
    %get3A_36 = vector.load %arg2[%get3A_34, %get3A_35] : memref<8x8192xf32, #tpu.memory_space<vmem>>, vector<8x1024xf32>
    %jit3A_37 = arith.constant 0.000000e+00 : f32
    %broadcast_in_dim3A_38 = vector.broadcast %jit3A_37 : f32 to vector<8x1024xf32>
    %select_n3A_39 = arith.select %eq3A_16, %get3A_36, %broadcast_in_dim3A_38 : vector<8x1024xi1>, vector<8x1024xf32>
    %reduce_sum3A_40 = arith.constant dense<0.000000e+00> : vector<8xf32>
    %reduce_sum3A_41 = vector.multi_reduction <add>, %select_n3A_39, %reduce_sum3A_40 [1] : vector<8x1024xf32> to vector<8xf32>
    %broadcast_in_dim3A_42 = vector.shape_cast %reduce_sum3A_41 : vector<8xf32> to vector<8x1xf32>
    %add3A_43 = arith.addf %broadcast_in_dim3A_13, %broadcast_in_dim3A_42 : vector<8x1xf32>
    %add3A_44 = arith.constant 1024 : i32
    %add3A_45 = vector.broadcast %add3A_44 : i32 to vector<8x1024xi32>
    %add3A_46 = arith.addi %iota3A_2, %add3A_45 : vector<8x1024xi32>
    %eq3A_47 = vector.broadcast %get3A_1 : vector<8x1xi32> to vector<8x1024xi32>
    %eq3A_48 = arith.cmpi eq, %add3A_46, %eq3A_47 : vector<8x1024xi32>
    %get3A_49 = arith.constant 0 : index
    %get3A_50 = arith.constant 1024 : index
    %get3A_51 = vector.load %arg0[%get3A_49, %get3A_50] : memref<8x8192xf32, #tpu.memory_space<vmem>>, vector<8x1024xf32>
    %jit3A_52 = arith.constant 0.000000e+00 : f32
    %broadcast_in_dim3A_53 = vector.broadcast %jit3A_52 : f32 to vector<8x1024xf32>
    %select_n3A_54 = arith.select %eq3A_48, %get3A_51, %broadcast_in_dim3A_53 : vector<8x1024xi1>, vector<8x1024xf32>
    %reduce_sum3A_55 = arith.constant dense<0.000000e+00> : vector<8xf32>
    %reduce_sum3A_56 = vector.multi_reduction <add>, %select_n3A_54, %reduce_sum3A_55 [1] : vector<8x1024xf32> to vector<8xf32>
    %broadcast_in_dim3A_57 = vector.shape_cast %reduce_sum3A_56 : vector<8xf32> to vector<8x1xf32>
    %add3A_58 = arith.addf %add3A_23, %broadcast_in_dim3A_57 : vector<8x1xf32>
    %get3A_59 = arith.constant 0 : index
    %get3A_60 = arith.constant 1024 : index
    %get3A_61 = vector.load %arg1[%get3A_59, %get3A_60] : memref<8x8192xf32, #tpu.memory_space<vmem>>, vector<8x1024xf32>
    %jit3A_62 = arith.constant 0.000000e+00 : f32
    %broadcast_in_dim3A_63 = vector.broadcast %jit3A_62 : f32 to vector<8x1024xf32>
    %select_n3A_64 = arith.select %eq3A_48, %get3A_61, %broadcast_in_dim3A_63 : vector<8x1024xi1>, vector<8x1024xf32>
    %reduce_sum3A_65 = arith.constant dense<0.000000e+00> : vector<8xf32>
    %reduce_sum3A_66 = vector.multi_reduction <add>, %select_n3A_64, %reduce_sum3A_65 [1] : vector<8x1024xf32> to vector<8xf32>
    %broadcast_in_dim3A_67 = vector.shape_cast %reduce_sum3A_66 : vector<8xf32> to vector<8x1xf32>
    %add3A_68 = arith.addf %add3A_33, %broadcast_in_dim3A_67 : vector<8x1xf32>
    %get3A_69 = arith.constant 0 : index
    %get3A_70 = arith.constant 1024 : index
    %get3A_71 = vector.load %arg2[%get3A_69, %get3A_70] : memref<8x8192xf32, #tpu.memory_space<vmem>>, vector<8x1024xf32>
    %jit3A_72 = arith.constant 0.000000e+00 : f32
    %broadcast_in_dim3A_73 = vector.broadcast %jit3A_72 : f32 to vector<8x1024xf32>
    %select_n3A_74 = arith.select %eq3A_48, %get3A_71, %broadcast_in_dim3A_73 : vector<8x1024xi1>, vector<8x1024xf32>
    %reduce_sum3A_75 = arith.constant dense<0.000000e+00> : vector<8xf32>
    %reduce_sum3A_76 = vector.multi_reduction <add>, %select_n3A_74, %reduce_sum3A_75 [1] : vector<8x1024xf32> to vector<8xf32>
    %broadcast_in_dim3A_77 = vector.shape_cast %reduce_sum3A_76 : vector<8xf32> to vector<8x1xf32>
    %add3A_78 = arith.addf %add3A_43, %broadcast_in_dim3A_77 : vector<8x1xf32>
    %add3A_79 = arith.constant 2048 : i32
    %add3A_80 = vector.broadcast %add3A_79 : i32 to vector<8x1024xi32>
    %add3A_81 = arith.addi %iota3A_2, %add3A_80 : vector<8x1024xi32>
    %eq3A_82 = vector.broadcast %get3A_1 : vector<8x1xi32> to vector<8x1024xi32>
    %eq3A_83 = arith.cmpi eq, %add3A_81, %eq3A_82 : vector<8x1024xi32>
    %get3A_84 = arith.constant 0 : index
    %get3A_85 = arith.constant 2048 : index
    %get3A_86 = vector.load %arg0[%get3A_84, %get3A_85] : memref<8x8192xf32, #tpu.memory_space<vmem>>, vector<8x1024xf32>
    %jit3A_87 = arith.constant 0.000000e+00 : f32
    %broadcast_in_dim3A_88 = vector.broadcast %jit3A_87 : f32 to vector<8x1024xf32>
    %select_n3A_89 = arith.select %eq3A_83, %get3A_86, %broadcast_in_dim3A_88 : vector<8x1024xi1>, vector<8x1024xf32>
    %reduce_sum3A_90 = arith.constant dense<0.000000e+00> : vector<8xf32>
    %reduce_sum3A_91 = vector.multi_reduction <add>, %select_n3A_89, %reduce_sum3A_90 [1] : vector<8x1024xf32> to vector<8xf32>
    %broadcast_in_dim3A_92 = vector.shape_cast %reduce_sum3A_91 : vector<8xf32> to vector<8x1xf32>
    %add3A_93 = arith.addf %add3A_58, %broadcast_in_dim3A_92 : vector<8x1xf32>
    %get3A_94 = arith.constant 0 : index
    %get3A_95 = arith.constant 2048 : index
    %get3A_96 = vector.load %arg1[%get3A_94, %get3A_95] : memref<8x8192xf32, #tpu.memory_space<vmem>>, vector<8x1024xf32>
    %jit3A_97 = arith.constant 0.000000e+00 : f32
    %broadcast_in_dim3A_98 = vector.broadcast %jit3A_97 : f32 to vector<8x1024xf32>
    %select_n3A_99 = arith.select %eq3A_83, %get3A_96, %broadcast_in_dim3A_98 : vector<8x1024xi1>, vector<8x1024xf32>
    %reduce_sum3A_100 = arith.constant dense<0.000000e+00> : vector<8xf32>
    %reduce_sum3A_101 = vector.multi_reduction <add>, %select_n3A_99, %reduce_sum3A_100 [1] : vector<8x1024xf32> to vector<8xf32>
    %broadcast_in_dim3A_102 = vector.shape_cast %reduce_sum3A_101 : vector<8xf32> to vector<8x1xf32>
    %add3A_103 = arith.addf %add3A_68, %broadcast_in_dim3A_102 : vector<8x1xf32>
    %get3A_104 = arith.constant 0 : index
    %get3A_105 = arith.constant 2048 : index
    %get3A_106 = vector.load %arg2[%get3A_104, %get3A_105] : memref<8x8192xf32, #tpu.memory_space<vmem>>, vector<8x1024xf32>
    %jit3A_107 = arith.constant 0.000000e+00 : f32
    %broadcast_in_dim3A_108 = vector.broadcast %jit3A_107 : f32 to vector<8x1024xf32>
    %select_n3A_109 = arith.select %eq3A_83, %get3A_106, %broadcast_in_dim3A_108 : vector<8x1024xi1>, vector<8x1024xf32>
    %reduce_sum3A_110 = arith.constant dense<0.000000e+00> : vector<8xf32>
    %reduce_sum3A_111 = vector.multi_reduction <add>, %select_n3A_109, %reduce_sum3A_110 [1] : vector<8x1024xf32> to vector<8xf32>
    %broadcast_in_dim3A_112 = vector.shape_cast %reduce_sum3A_111 : vector<8xf32> to vector<8x1xf32>
    %add3A_113 = arith.addf %add3A_78, %broadcast_in_dim3A_112 : vector<8x1xf32>
    %add3A_114 = arith.constant 3072 : i32
    %add3A_115 = vector.broadcast %add3A_114 : i32 to vector<8x1024xi32>
    %add3A_116 = arith.addi %iota3A_2, %add3A_115 : vector<8x1024xi32>
    %eq3A_117 = vector.broadcast %get3A_1 : vector<8x1xi32> to vector<8x1024xi32>
    %eq3A_118 = arith.cmpi eq, %add3A_116, %eq3A_117 : vector<8x1024xi32>
    %get3A_119 = arith.constant 0 : index
    %get3A_120 = arith.constant 3072 : index
    %get3A_121 = vector.load %arg0[%get3A_119, %get3A_120] : memref<8x8192xf32, #tpu.memory_space<vmem>>, vector<8x1024xf32>
    %jit3A_122 = arith.constant 0.000000e+00 : f32
    %broadcast_in_dim3A_123 = vector.broadcast %jit3A_122 : f32 to vector<8x1024xf32>
    %select_n3A_124 = arith.select %eq3A_118, %get3A_121, %broadcast_in_dim3A_123 : vector<8x1024xi1>, vector<8x1024xf32>
    %reduce_sum3A_125 = arith.constant dense<0.000000e+00> : vector<8xf32>
    %reduce_sum3A_126 = vector.multi_reduction <add>, %select_n3A_124, %reduce_sum3A_125 [1] : vector<8x1024xf32> to vector<8xf32>
    %broadcast_in_dim3A_127 = vector.shape_cast %reduce_sum3A_126 : vector<8xf32> to vector<8x1xf32>
    %add3A_128 = arith.addf %add3A_93, %broadcast_in_dim3A_127 : vector<8x1xf32>
    %get3A_129 = arith.constant 0 : index
    %get3A_130 = arith.constant 3072 : index
    %get3A_131 = vector.load %arg1[%get3A_129, %get3A_130] : memref<8x8192xf32, #tpu.memory_space<vmem>>, vector<8x1024xf32>
    %jit3A_132 = arith.constant 0.000000e+00 : f32
    %broadcast_in_dim3A_133 = vector.broadcast %jit3A_132 : f32 to vector<8x1024xf32>
    %select_n3A_134 = arith.select %eq3A_118, %get3A_131, %broadcast_in_dim3A_133 : vector<8x1024xi1>, vector<8x1024xf32>
    %reduce_sum3A_135 = arith.constant dense<0.000000e+00> : vector<8xf32>
    %reduce_sum3A_136 = vector.multi_reduction <add>, %select_n3A_134, %reduce_sum3A_135 [1] : vector<8x1024xf32> to vector<8xf32>
    %broadcast_in_dim3A_137 = vector.shape_cast %reduce_sum3A_136 : vector<8xf32> to vector<8x1xf32>
    %add3A_138 = arith.addf %add3A_103, %broadcast_in_dim3A_137 : vector<8x1xf32>
    %get3A_139 = arith.constant 0 : index
    %get3A_140 = arith.constant 3072 : index
    %get3A_141 = vector.load %arg2[%get3A_139, %get3A_140] : memref<8x8192xf32, #tpu.memory_space<vmem>>, vector<8x1024xf32>
    %jit3A_142 = arith.constant 0.000000e+00 : f32
    %broadcast_in_dim3A_143 = vector.broadcast %jit3A_142 : f32 to vector<8x1024xf32>
    %select_n3A_144 = arith.select %eq3A_118, %get3A_141, %broadcast_in_dim3A_143 : vector<8x1024xi1>, vector<8x1024xf32>
    %reduce_sum3A_145 = arith.constant dense<0.000000e+00> : vector<8xf32>
    %reduce_sum3A_146 = vector.multi_reduction <add>, %select_n3A_144, %reduce_sum3A_145 [1] : vector<8x1024xf32> to vector<8xf32>
    %broadcast_in_dim3A_147 = vector.shape_cast %reduce_sum3A_146 : vector<8xf32> to vector<8x1xf32>
    %add3A_148 = arith.addf %add3A_113, %broadcast_in_dim3A_147 : vector<8x1xf32>
    %add3A_149 = arith.constant 4096 : i32
    %add3A_150 = vector.broadcast %add3A_149 : i32 to vector<8x1024xi32>
    %add3A_151 = arith.addi %iota3A_2, %add3A_150 : vector<8x1024xi32>
    %eq3A_152 = vector.broadcast %get3A_1 : vector<8x1xi32> to vector<8x1024xi32>
    %eq3A_153 = arith.cmpi eq, %add3A_151, %eq3A_152 : vector<8x1024xi32>
    %get3A_154 = arith.constant 0 : index
    %get3A_155 = arith.constant 4096 : index
    %get3A_156 = vector.load %arg0[%get3A_154, %get3A_155] : memref<8x8192xf32, #tpu.memory_space<vmem>>, vector<8x1024xf32>
    %jit3A_157 = arith.constant 0.000000e+00 : f32
    %broadcast_in_dim3A_158 = vector.broadcast %jit3A_157 : f32 to vector<8x1024xf32>
    %select_n3A_159 = arith.select %eq3A_153, %get3A_156, %broadcast_in_dim3A_158 : vector<8x1024xi1>, vector<8x1024xf32>
    %reduce_sum3A_160 = arith.constant dense<0.000000e+00> : vector<8xf32>
    %reduce_sum3A_161 = vector.multi_reduction <add>, %select_n3A_159, %reduce_sum3A_160 [1] : vector<8x1024xf32> to vector<8xf32>
    %broadcast_in_dim3A_162 = vector.shape_cast %reduce_sum3A_161 : vector<8xf32> to vector<8x1xf32>
    %add3A_163 = arith.addf %add3A_128, %broadcast_in_dim3A_162 : vector<8x1xf32>
    %get3A_164 = arith.constant 0 : index
    %get3A_165 = arith.constant 4096 : index
    %get3A_166 = vector.load %arg1[%get3A_164, %get3A_165] : memref<8x8192xf32, #tpu.memory_space<vmem>>, vector<8x1024xf32>
    %jit3A_167 = arith.constant 0.000000e+00 : f32
    %broadcast_in_dim3A_168 = vector.broadcast %jit3A_167 : f32 to vector<8x1024xf32>
    %select_n3A_169 = arith.select %eq3A_153, %get3A_166, %broadcast_in_dim3A_168 : vector<8x1024xi1>, vector<8x1024xf32>
    %reduce_sum3A_170 = arith.constant dense<0.000000e+00> : vector<8xf32>
    %reduce_sum3A_171 = vector.multi_reduction <add>, %select_n3A_169, %reduce_sum3A_170 [1] : vector<8x1024xf32> to vector<8xf32>
    %broadcast_in_dim3A_172 = vector.shape_cast %reduce_sum3A_171 : vector<8xf32> to vector<8x1xf32>
    %add3A_173 = arith.addf %add3A_138, %broadcast_in_dim3A_172 : vector<8x1xf32>
    %get3A_174 = arith.constant 0 : index
    %get3A_175 = arith.constant 4096 : index
    %get3A_176 = vector.load %arg2[%get3A_174, %get3A_175] : memref<8x8192xf32, #tpu.memory_space<vmem>>, vector<8x1024xf32>
    %jit3A_177 = arith.constant 0.000000e+00 : f32
    %broadcast_in_dim3A_178 = vector.broadcast %jit3A_177 : f32 to vector<8x1024xf32>
    %select_n3A_179 = arith.select %eq3A_153, %get3A_176, %broadcast_in_dim3A_178 : vector<8x1024xi1>, vector<8x1024xf32>
    %reduce_sum3A_180 = arith.constant dense<0.000000e+00> : vector<8xf32>
    %reduce_sum3A_181 = vector.multi_reduction <add>, %select_n3A_179, %reduce_sum3A_180 [1] : vector<8x1024xf32> to vector<8xf32>
    %broadcast_in_dim3A_182 = vector.shape_cast %reduce_sum3A_181 : vector<8xf32> to vector<8x1xf32>
    %add3A_183 = arith.addf %add3A_148, %broadcast_in_dim3A_182 : vector<8x1xf32>
    %add3A_184 = arith.constant 5120 : i32
    %add3A_185 = vector.broadcast %add3A_184 : i32 to vector<8x1024xi32>
    %add3A_186 = arith.addi %iota3A_2, %add3A_185 : vector<8x1024xi32>
    %eq3A_187 = vector.broadcast %get3A_1 : vector<8x1xi32> to vector<8x1024xi32>
    %eq3A_188 = arith.cmpi eq, %add3A_186, %eq3A_187 : vector<8x1024xi32>
    %get3A_189 = arith.constant 0 : index
    %get3A_190 = arith.constant 5120 : index
    %get3A_191 = vector.load %arg0[%get3A_189, %get3A_190] : memref<8x8192xf32, #tpu.memory_space<vmem>>, vector<8x1024xf32>
    %jit3A_192 = arith.constant 0.000000e+00 : f32
    %broadcast_in_dim3A_193 = vector.broadcast %jit3A_192 : f32 to vector<8x1024xf32>
    %select_n3A_194 = arith.select %eq3A_188, %get3A_191, %broadcast_in_dim3A_193 : vector<8x1024xi1>, vector<8x1024xf32>
    %reduce_sum3A_195 = arith.constant dense<0.000000e+00> : vector<8xf32>
    %reduce_sum3A_196 = vector.multi_reduction <add>, %select_n3A_194, %reduce_sum3A_195 [1] : vector<8x1024xf32> to vector<8xf32>
    %broadcast_in_dim3A_197 = vector.shape_cast %reduce_sum3A_196 : vector<8xf32> to vector<8x1xf32>
    %add3A_198 = arith.addf %add3A_163, %broadcast_in_dim3A_197 : vector<8x1xf32>
    %get3A_199 = arith.constant 0 : index
    %get3A_200 = arith.constant 5120 : index
    %get3A_201 = vector.load %arg1[%get3A_199, %get3A_200] : memref<8x8192xf32, #tpu.memory_space<vmem>>, vector<8x1024xf32>
    %jit3A_202 = arith.constant 0.000000e+00 : f32
    %broadcast_in_dim3A_203 = vector.broadcast %jit3A_202 : f32 to vector<8x1024xf32>
    %select_n3A_204 = arith.select %eq3A_188, %get3A_201, %broadcast_in_dim3A_203 : vector<8x1024xi1>, vector<8x1024xf32>
    %reduce_sum3A_205 = arith.constant dense<0.000000e+00> : vector<8xf32>
    %reduce_sum3A_206 = vector.multi_reduction <add>, %select_n3A_204, %reduce_sum3A_205 [1] : vector<8x1024xf32> to vector<8xf32>
    %broadcast_in_dim3A_207 = vector.shape_cast %reduce_sum3A_206 : vector<8xf32> to vector<8x1xf32>
    %add3A_208 = arith.addf %add3A_173, %broadcast_in_dim3A_207 : vector<8x1xf32>
    %get3A_209 = arith.constant 0 : index
    %get3A_210 = arith.constant 5120 : index
    %get3A_211 = vector.load %arg2[%get3A_209, %get3A_210] : memref<8x8192xf32, #tpu.memory_space<vmem>>, vector<8x1024xf32>
    %jit3A_212 = arith.constant 0.000000e+00 : f32
    %broadcast_in_dim3A_213 = vector.broadcast %jit3A_212 : f32 to vector<8x1024xf32>
    %select_n3A_214 = arith.select %eq3A_188, %get3A_211, %broadcast_in_dim3A_213 : vector<8x1024xi1>, vector<8x1024xf32>
    %reduce_sum3A_215 = arith.constant dense<0.000000e+00> : vector<8xf32>
    %reduce_sum3A_216 = vector.multi_reduction <add>, %select_n3A_214, %reduce_sum3A_215 [1] : vector<8x1024xf32> to vector<8xf32>
    %broadcast_in_dim3A_217 = vector.shape_cast %reduce_sum3A_216 : vector<8xf32> to vector<8x1xf32>
    %add3A_218 = arith.addf %add3A_183, %broadcast_in_dim3A_217 : vector<8x1xf32>
    %add3A_219 = arith.constant 6144 : i32
    %add3A_220 = vector.broadcast %add3A_219 : i32 to vector<8x1024xi32>
    %add3A_221 = arith.addi %iota3A_2, %add3A_220 : vector<8x1024xi32>
    %eq3A_222 = vector.broadcast %get3A_1 : vector<8x1xi32> to vector<8x1024xi32>
    %eq3A_223 = arith.cmpi eq, %add3A_221, %eq3A_222 : vector<8x1024xi32>
    %get3A_224 = arith.constant 0 : index
    %get3A_225 = arith.constant 6144 : index
    %get3A_226 = vector.load %arg0[%get3A_224, %get3A_225] : memref<8x8192xf32, #tpu.memory_space<vmem>>, vector<8x1024xf32>
    %jit3A_227 = arith.constant 0.000000e+00 : f32
    %broadcast_in_dim3A_228 = vector.broadcast %jit3A_227 : f32 to vector<8x1024xf32>
    %select_n3A_229 = arith.select %eq3A_223, %get3A_226, %broadcast_in_dim3A_228 : vector<8x1024xi1>, vector<8x1024xf32>
    %reduce_sum3A_230 = arith.constant dense<0.000000e+00> : vector<8xf32>
    %reduce_sum3A_231 = vector.multi_reduction <add>, %select_n3A_229, %reduce_sum3A_230 [1] : vector<8x1024xf32> to vector<8xf32>
    %broadcast_in_dim3A_232 = vector.shape_cast %reduce_sum3A_231 : vector<8xf32> to vector<8x1xf32>
    %add3A_233 = arith.addf %add3A_198, %broadcast_in_dim3A_232 : vector<8x1xf32>
    %get3A_234 = arith.constant 0 : index
    %get3A_235 = arith.constant 6144 : index
    %get3A_236 = vector.load %arg1[%get3A_234, %get3A_235] : memref<8x8192xf32, #tpu.memory_space<vmem>>, vector<8x1024xf32>
    %jit3A_237 = arith.constant 0.000000e+00 : f32
    %broadcast_in_dim3A_238 = vector.broadcast %jit3A_237 : f32 to vector<8x1024xf32>
    %select_n3A_239 = arith.select %eq3A_223, %get3A_236, %broadcast_in_dim3A_238 : vector<8x1024xi1>, vector<8x1024xf32>
    %reduce_sum3A_240 = arith.constant dense<0.000000e+00> : vector<8xf32>
    %reduce_sum3A_241 = vector.multi_reduction <add>, %select_n3A_239, %reduce_sum3A_240 [1] : vector<8x1024xf32> to vector<8xf32>
    %broadcast_in_dim3A_242 = vector.shape_cast %reduce_sum3A_241 : vector<8xf32> to vector<8x1xf32>
    %add3A_243 = arith.addf %add3A_208, %broadcast_in_dim3A_242 : vector<8x1xf32>
    %get3A_244 = arith.constant 0 : index
    %get3A_245 = arith.constant 6144 : index
    %get3A_246 = vector.load %arg2[%get3A_244, %get3A_245] : memref<8x8192xf32, #tpu.memory_space<vmem>>, vector<8x1024xf32>
    %jit3A_247 = arith.constant 0.000000e+00 : f32
    %broadcast_in_dim3A_248 = vector.broadcast %jit3A_247 : f32 to vector<8x1024xf32>
    %select_n3A_249 = arith.select %eq3A_223, %get3A_246, %broadcast_in_dim3A_248 : vector<8x1024xi1>, vector<8x1024xf32>
    %reduce_sum3A_250 = arith.constant dense<0.000000e+00> : vector<8xf32>
    %reduce_sum3A_251 = vector.multi_reduction <add>, %select_n3A_249, %reduce_sum3A_250 [1] : vector<8x1024xf32> to vector<8xf32>
    %broadcast_in_dim3A_252 = vector.shape_cast %reduce_sum3A_251 : vector<8xf32> to vector<8x1xf32>
    %add3A_253 = arith.addf %add3A_218, %broadcast_in_dim3A_252 : vector<8x1xf32>
    %add3A_254 = arith.constant 7168 : i32
    %add3A_255 = vector.broadcast %add3A_254 : i32 to vector<8x1024xi32>
    %add3A_256 = arith.addi %iota3A_2, %add3A_255 : vector<8x1024xi32>
    %eq3A_257 = vector.broadcast %get3A_1 : vector<8x1xi32> to vector<8x1024xi32>
    %eq3A_258 = arith.cmpi eq, %add3A_256, %eq3A_257 : vector<8x1024xi32>
    %get3A_259 = arith.constant 0 : index
    %get3A_260 = arith.constant 7168 : index
    %get3A_261 = vector.load %arg0[%get3A_259, %get3A_260] : memref<8x8192xf32, #tpu.memory_space<vmem>>, vector<8x1024xf32>
    %jit3A_262 = arith.constant 0.000000e+00 : f32
    %broadcast_in_dim3A_263 = vector.broadcast %jit3A_262 : f32 to vector<8x1024xf32>
    %select_n3A_264 = arith.select %eq3A_258, %get3A_261, %broadcast_in_dim3A_263 : vector<8x1024xi1>, vector<8x1024xf32>
    %reduce_sum3A_265 = arith.constant dense<0.000000e+00> : vector<8xf32>
    %reduce_sum3A_266 = vector.multi_reduction <add>, %select_n3A_264, %reduce_sum3A_265 [1] : vector<8x1024xf32> to vector<8xf32>
    %broadcast_in_dim3A_267 = vector.shape_cast %reduce_sum3A_266 : vector<8xf32> to vector<8x1xf32>
    %add3A_268 = arith.addf %add3A_233, %broadcast_in_dim3A_267 : vector<8x1xf32>
    %get3A_269 = arith.constant 0 : index
    %get3A_270 = arith.constant 7168 : index
    %get3A_271 = vector.load %arg1[%get3A_269, %get3A_270] : memref<8x8192xf32, #tpu.memory_space<vmem>>, vector<8x1024xf32>
    %jit3A_272 = arith.constant 0.000000e+00 : f32
    %broadcast_in_dim3A_273 = vector.broadcast %jit3A_272 : f32 to vector<8x1024xf32>
    %select_n3A_274 = arith.select %eq3A_258, %get3A_271, %broadcast_in_dim3A_273 : vector<8x1024xi1>, vector<8x1024xf32>
    %reduce_sum3A_275 = arith.constant dense<0.000000e+00> : vector<8xf32>
    %reduce_sum3A_276 = vector.multi_reduction <add>, %select_n3A_274, %reduce_sum3A_275 [1] : vector<8x1024xf32> to vector<8xf32>
    %broadcast_in_dim3A_277 = vector.shape_cast %reduce_sum3A_276 : vector<8xf32> to vector<8x1xf32>
    %add3A_278 = arith.addf %add3A_243, %broadcast_in_dim3A_277 : vector<8x1xf32>
    %get3A_279 = arith.constant 0 : index
    %get3A_280 = arith.constant 7168 : index
    %get3A_281 = vector.load %arg2[%get3A_279, %get3A_280] : memref<8x8192xf32, #tpu.memory_space<vmem>>, vector<8x1024xf32>
    %jit3A_282 = arith.constant 0.000000e+00 : f32
    %broadcast_in_dim3A_283 = vector.broadcast %jit3A_282 : f32 to vector<8x1024xf32>
    %select_n3A_284 = arith.select %eq3A_258, %get3A_281, %broadcast_in_dim3A_283 : vector<8x1024xi1>, vector<8x1024xf32>
    %reduce_sum3A_285 = arith.constant dense<0.000000e+00> : vector<8xf32>
    %reduce_sum3A_286 = vector.multi_reduction <add>, %select_n3A_284, %reduce_sum3A_285 [1] : vector<8x1024xf32> to vector<8xf32>
    %broadcast_in_dim3A_287 = vector.shape_cast %reduce_sum3A_286 : vector<8xf32> to vector<8x1xf32>
    %add3A_288 = arith.addf %add3A_253, %broadcast_in_dim3A_287 : vector<8x1xf32>
    %scan3A = arith.constant 0 : i32
    %scan3A_289 = arith.constant 16 : i32
    %scan3A_290 = arith.addi %scan3A, %scan3A_289 : i32
    %scan3A_291 = arith.constant 1 : i32
    %scan3A_292:4 = scf.for %scan3A_294 = %scan3A to %scan3A_290 step %scan3A_291 iter_args(%scan3A_295 = %get3A_1, %scan3A_296 = %add3A_268, %scan3A_297 = %add3A_278, %scan3A_298 = %add3A_288) -> (vector<8x1xi32>, vector<8x1xf32>, vector<8x1xf32>, vector<8x1xf32>)  : i32 {
      %broadcast_in_dim3A_299 = arith.constant 0 : i32
      %broadcast_in_dim3A_300 = vector.broadcast %broadcast_in_dim3A_299 : i32 to vector<8x128xi32>
      %broadcast_in_dim3A_301 = arith.constant 0.000000e+00 : f32
      %broadcast_in_dim3A_302 = vector.broadcast %broadcast_in_dim3A_301 : f32 to vector<8x128xf32>
      %scan3A_303 = arith.constant 0 : i32
      %scan3A_304 = arith.constant 128 : i32
      %scan3A_305 = arith.addi %scan3A_303, %scan3A_304 : i32
      %scan3A_306 = arith.constant 4 : i32
      %scan3A_307:8 = scf.for %scan3A_322 = %scan3A_303 to %scan3A_305 step %scan3A_306 iter_args(%scan3A_323 = %scan3A_295, %scan3A_324 = %scan3A_296, %scan3A_325 = %scan3A_297, %scan3A_326 = %scan3A_298, %scan3A_327 = %broadcast_in_dim3A_300, %scan3A_328 = %broadcast_in_dim3A_302, %scan3A_329 = %broadcast_in_dim3A_302, %scan3A_330 = %broadcast_in_dim3A_302) -> (vector<8x1xi32>, vector<8x1xf32>, vector<8x1xf32>, vector<8x1xf32>, vector<8x128xi32>, vector<8x128xf32>, vector<8x128xf32>, vector<8x128xf32>)  : i32 {
        %eq3A_331 = vector.broadcast %scan3A_322 : i32 to vector<8x128xi32>
        %eq3A_332 = arith.cmpi eq, %iota3A, %eq3A_331 : vector<8x128xi32>
        %broadcast_in_dim3A_333 = vector.shape_cast %scan3A_323 : vector<8x1xi32> to vector<8x1xi32>
        %broadcast_in_dim3A_334 = vector.broadcast %broadcast_in_dim3A_333 : vector<8x1xi32> to vector<8x128xi32>
        %select_n3A_335 = arith.select %eq3A_332, %broadcast_in_dim3A_334, %scan3A_327 : vector<8x128xi1>, vector<8x128xi32>
        %broadcast_in_dim3A_336 = vector.shape_cast %scan3A_324 : vector<8x1xf32> to vector<8x1xf32>
        %broadcast_in_dim3A_337 = vector.broadcast %broadcast_in_dim3A_336 : vector<8x1xf32> to vector<8x128xf32>
        %select_n3A_338 = arith.select %eq3A_332, %broadcast_in_dim3A_337, %scan3A_328 : vector<8x128xi1>, vector<8x128xf32>
        %broadcast_in_dim3A_339 = vector.shape_cast %scan3A_325 : vector<8x1xf32> to vector<8x1xf32>
        %broadcast_in_dim3A_340 = vector.broadcast %broadcast_in_dim3A_339 : vector<8x1xf32> to vector<8x128xf32>
        %select_n3A_341 = arith.select %eq3A_332, %broadcast_in_dim3A_340, %scan3A_329 : vector<8x128xi1>, vector<8x128xf32>
        %broadcast_in_dim3A_342 = vector.shape_cast %scan3A_326 : vector<8x1xf32> to vector<8x1xf32>
        %broadcast_in_dim3A_343 = vector.broadcast %broadcast_in_dim3A_342 : vector<8x1xf32> to vector<8x128xf32>
        %select_n3A_344 = arith.select %eq3A_332, %broadcast_in_dim3A_343, %scan3A_330 : vector<8x128xi1>, vector<8x128xf32>
        %broadcast_in_dim3A_345 = arith.constant -1.000000e+00 : f32
        %broadcast_in_dim3A_346 = vector.broadcast %broadcast_in_dim3A_345 : f32 to vector<8x1xf32>
        %broadcast_in_dim3A_347 = arith.constant 0.000000e+00 : f32
        %broadcast_in_dim3A_348 = vector.broadcast %broadcast_in_dim3A_347 : f32 to vector<8x1xf32>
        %broadcast_in_dim3A_349 = arith.constant 0.000000e+00 : f32
        %broadcast_in_dim3A_350 = vector.broadcast %broadcast_in_dim3A_349 : f32 to vector<8x1xf32>
        %broadcast_in_dim3A_351 = arith.constant 0.000000e+00 : f32
        %broadcast_in_dim3A_352 = vector.broadcast %broadcast_in_dim3A_351 : f32 to vector<8x1xf32>
        %get3A_353 = arith.constant 0 : index
        %get3A_354 = arith.constant 0 : index
        %get3A_355 = vector.load %arg0[%get3A_353, %get3A_354] : memref<8x8192xf32, #tpu.memory_space<vmem>>, vector<8x1024xf32>
        %get3A_356 = arith.constant 0 : index
        %get3A_357 = arith.constant 0 : index
        %get3A_358 = vector.load %arg1[%get3A_356, %get3A_357] : memref<8x8192xf32, #tpu.memory_space<vmem>>, vector<8x1024xf32>
        %get3A_359 = arith.constant 0 : index
        %get3A_360 = arith.constant 0 : index
        %get3A_361 = vector.load %arg2[%get3A_359, %get3A_360] : memref<8x8192xf32, #tpu.memory_space<vmem>>, vector<8x1024xf32>
        %sub3A = vector.broadcast %scan3A_324 : vector<8x1xf32> to vector<8x1024xf32>
        %sub3A_362 = arith.subf %get3A_355, %sub3A : vector<8x1024xf32>
        %sub3A_363 = vector.broadcast %scan3A_325 : vector<8x1xf32> to vector<8x1024xf32>
        %sub3A_364 = arith.subf %get3A_358, %sub3A_363 : vector<8x1024xf32>
        %sub3A_365 = vector.broadcast %scan3A_326 : vector<8x1xf32> to vector<8x1024xf32>
        %sub3A_366 = arith.subf %get3A_361, %sub3A_365 : vector<8x1024xf32>
        %mul3A_367 = arith.mulf %sub3A_362, %sub3A_362 : vector<8x1024xf32>
        %mul3A_368 = arith.mulf %sub3A_366, %sub3A_366 : vector<8x1024xf32>
        %add3A_369 = arith.addf %mul3A_367, %mul3A_368 : vector<8x1024xf32>
        %mul3A_370 = arith.mulf %sub3A_364, %sub3A_364 : vector<8x1024xf32>
        %add3A_371 = arith.addf %add3A_369, %mul3A_370 : vector<8x1024xf32>
        %get3A_372 = arith.constant 0 : index
        %get3A_373 = arith.constant 0 : index
        %get3A_374 = vector.load %arg8[%get3A_372, %get3A_373] : memref<8x8192xf32, #tpu.memory_space<vmem>>, vector<8x1024xf32>
        %min3A = arith.minimumf %get3A_374, %add3A_371 : vector<8x1024xf32>
        %swap3A_375 = arith.constant 0 : index
        %swap3A_376 = arith.constant 0 : index
        %swap3A_377 = vector.load %arg8[%swap3A_375, %swap3A_376] : memref<8x8192xf32, #tpu.memory_space<vmem>>, vector<8x1024xf32>
        tpu.vector_store %arg8[%swap3A_375, %swap3A_376], %min3A {strides = array<i32>} : memref<8x8192xf32, #tpu.memory_space<vmem>>, vector<8x1024xf32>,
        %reduce_max3A = arith.constant dense<0xFF800000> : vector<8xf32>
        %reduce_max3A_378 = vector.multi_reduction <maximumf>, %min3A, %reduce_max3A [1] : vector<8x1024xf32> to vector<8xf32>
        %broadcast_in_dim3A_379 = vector.shape_cast %reduce_max3A_378 : vector<8xf32> to vector<8x1xf32>
        %eq3A_380 = vector.broadcast %broadcast_in_dim3A_379 : vector<8x1xf32> to vector<8x1024xf32>
        %eq3A_381 = arith.cmpf oeq, %min3A, %eq3A_380 : vector<8x1024xf32>
        %jit3A_382 = arith.constant 1024 : i32
        %broadcast_in_dim3A_383 = vector.broadcast %jit3A_382 : i32 to vector<8x1024xi32>
        %select_n3A_384 = arith.select %eq3A_381, %iota3A_2, %broadcast_in_dim3A_383 : vector<8x1024xi1>, vector<8x1024xi32>
        %reduce_min3A = arith.constant dense<2147483647> : vector<8xi32>
        %reduce_min3A_385 = vector.multi_reduction <minsi>, %select_n3A_384, %reduce_min3A [1] : vector<8x1024xi32> to vector<8xi32>
        %broadcast_in_dim3A_386 = vector.shape_cast %reduce_min3A_385 : vector<8xi32> to vector<8x1xi32>
        %eq3A_387 = vector.broadcast %broadcast_in_dim3A_386 : vector<8x1xi32> to vector<8x1024xi32>
        %eq3A_388 = arith.cmpi eq, %iota3A_2, %eq3A_387 : vector<8x1024xi32>
        %jit3A_389 = arith.constant 0.000000e+00 : f32
        %broadcast_in_dim3A_390 = vector.broadcast %jit3A_389 : f32 to vector<8x1024xf32>
        %select_n3A_391 = arith.select %eq3A_388, %get3A_355, %broadcast_in_dim3A_390 : vector<8x1024xi1>, vector<8x1024xf32>
        %reduce_sum3A_392 = arith.constant dense<0.000000e+00> : vector<8xf32>
        %reduce_sum3A_393 = vector.multi_reduction <add>, %select_n3A_391, %reduce_sum3A_392 [1] : vector<8x1024xf32> to vector<8xf32>
        %broadcast_in_dim3A_394 = vector.shape_cast %reduce_sum3A_393 : vector<8xf32> to vector<8x1xf32>
        %jit3A_395 = arith.constant 0.000000e+00 : f32
        %broadcast_in_dim3A_396 = vector.broadcast %jit3A_395 : f32 to vector<8x1024xf32>
        %select_n3A_397 = arith.select %eq3A_388, %get3A_358, %broadcast_in_dim3A_396 : vector<8x1024xi1>, vector<8x1024xf32>
        %reduce_sum3A_398 = arith.constant dense<0.000000e+00> : vector<8xf32>
        %reduce_sum3A_399 = vector.multi_reduction <add>, %select_n3A_397, %reduce_sum3A_398 [1] : vector<8x1024xf32> to vector<8xf32>
        %broadcast_in_dim3A_400 = vector.shape_cast %reduce_sum3A_399 : vector<8xf32> to vector<8x1xf32>
        %jit3A_401 = arith.constant 0.000000e+00 : f32
        %broadcast_in_dim3A_402 = vector.broadcast %jit3A_401 : f32 to vector<8x1024xf32>
        %select_n3A_403 = arith.select %eq3A_388, %get3A_361, %broadcast_in_dim3A_402 : vector<8x1024xi1>, vector<8x1024xf32>
        %reduce_sum3A_404 = arith.constant dense<0.000000e+00> : vector<8xf32>
        %reduce_sum3A_405 = vector.multi_reduction <add>, %select_n3A_403, %reduce_sum3A_404 [1] : vector<8x1024xf32> to vector<8xf32>
        %broadcast_in_dim3A_406 = vector.shape_cast %reduce_sum3A_405 : vector<8xf32> to vector<8x1xf32>
        %gt3A = arith.cmpf ogt, %broadcast_in_dim3A_379, %broadcast_in_dim3A_346 : vector<8x1xf32>
        %select_n3A_407 = arith.select %gt3A, %broadcast_in_dim3A_379, %broadcast_in_dim3A_346 : vector<8x1xi1>, vector<8x1xf32>
        %add3A_408 = arith.constant 0 : i32
        %add3A_409 = vector.broadcast %add3A_408 : i32 to vector<8x1xi32>
        %add3A_410 = arith.addi %broadcast_in_dim3A_386, %add3A_409 : vector<8x1xi32>
        %select_n3A_411 = arith.select %gt3A, %add3A_410, %broadcast_in_dim3A_3 : vector<8x1xi1>, vector<8x1xi32>
        %select_n3A_412 = arith.select %gt3A, %broadcast_in_dim3A_394, %broadcast_in_dim3A_348 : vector<8x1xi1>, vector<8x1xf32>
        %select_n3A_413 = arith.select %gt3A, %broadcast_in_dim3A_400, %broadcast_in_dim3A_350 : vector<8x1xi1>, vector<8x1xf32>
        %select_n3A_414 = arith.select %gt3A, %broadcast_in_dim3A_406, %broadcast_in_dim3A_352 : vector<8x1xi1>, vector<8x1xf32>
        %get3A_415 = arith.constant 0 : index
        %get3A_416 = arith.constant 1024 : index
        %get3A_417 = vector.load %arg0[%get3A_415, %get3A_416] : memref<8x8192xf32, #tpu.memory_space<vmem>>, vector<8x1024xf32>
        %get3A_418 = arith.constant 0 : index
        %get3A_419 = arith.constant 1024 : index
        %get3A_420 = vector.load %arg1[%get3A_418, %get3A_419] : memref<8x8192xf32, #tpu.memory_space<vmem>>, vector<8x1024xf32>
        %get3A_421 = arith.constant 0 : index
        %get3A_422 = arith.constant 1024 : index
        %get3A_423 = vector.load %arg2[%get3A_421, %get3A_422] : memref<8x8192xf32, #tpu.memory_space<vmem>>, vector<8x1024xf32>
        %sub3A_424 = vector.broadcast %scan3A_324 : vector<8x1xf32> to vector<8x1024xf32>
        %sub3A_425 = arith.subf %get3A_417, %sub3A_424 : vector<8x1024xf32>
        %sub3A_426 = vector.broadcast %scan3A_325 : vector<8x1xf32> to vector<8x1024xf32>
        %sub3A_427 = arith.subf %get3A_420, %sub3A_426 : vector<8x1024xf32>
        %sub3A_428 = vector.broadcast %scan3A_326 : vector<8x1xf32> to vector<8x1024xf32>
        %sub3A_429 = arith.subf %get3A_423, %sub3A_428 : vector<8x1024xf32>
        %mul3A_430 = arith.mulf %sub3A_425, %sub3A_425 : vector<8x1024xf32>
        %mul3A_431 = arith.mulf %sub3A_429, %sub3A_429 : vector<8x1024xf32>
        %add3A_432 = arith.addf %mul3A_430, %mul3A_431 : vector<8x1024xf32>
        %mul3A_433 = arith.mulf %sub3A_427, %sub3A_427 : vector<8x1024xf32>
        %add3A_434 = arith.addf %add3A_432, %mul3A_433 : vector<8x1024xf32>
        %get3A_435 = arith.constant 0 : index
        %get3A_436 = arith.constant 1024 : index
        %get3A_437 = vector.load %arg8[%get3A_435, %get3A_436] : memref<8x8192xf32, #tpu.memory_space<vmem>>, vector<8x1024xf32>
        %min3A_438 = arith.minimumf %get3A_437, %add3A_434 : vector<8x1024xf32>
        %swap3A_439 = arith.constant 0 : index
        %swap3A_440 = arith.constant 1024 : index
        %swap3A_441 = vector.load %arg8[%swap3A_439, %swap3A_440] : memref<8x8192xf32, #tpu.memory_space<vmem>>, vector<8x1024xf32>
        tpu.vector_store %arg8[%swap3A_439, %swap3A_440], %min3A_438 {strides = array<i32>} : memref<8x8192xf32, #tpu.memory_space<vmem>>, vector<8x1024xf32>,
        %reduce_max3A_442 = arith.constant dense<0xFF800000> : vector<8xf32>
        %reduce_max3A_443 = vector.multi_reduction <maximumf>, %min3A_438, %reduce_max3A_442 [1] : vector<8x1024xf32> to vector<8xf32>
        %broadcast_in_dim3A_444 = vector.shape_cast %reduce_max3A_443 : vector<8xf32> to vector<8x1xf32>
        %eq3A_445 = vector.broadcast %broadcast_in_dim3A_444 : vector<8x1xf32> to vector<8x1024xf32>
        %eq3A_446 = arith.cmpf oeq, %min3A_438, %eq3A_445 : vector<8x1024xf32>
        %jit3A_447 = arith.constant 1024 : i32
        %broadcast_in_dim3A_448 = vector.broadcast %jit3A_447 : i32 to vector<8x1024xi32>
        %select_n3A_449 = arith.select %eq3A_446, %iota3A_2, %broadcast_in_dim3A_448 : vector<8x1024xi1>, vector<8x1024xi32>
        %reduce_min3A_450 = arith.constant dense<2147483647> : vector<8xi32>
        %reduce_min3A_451 = vector.multi_reduction <minsi>, %select_n3A_449, %reduce_min3A_450 [1] : vector<8x1024xi32> to vector<8xi32>
        %broadcast_in_dim3A_452 = vector.shape_cast %reduce_min3A_451 : vector<8xi32> to vector<8x1xi32>
        %eq3A_453 = vector.broadcast %broadcast_in_dim3A_452 : vector<8x1xi32> to vector<8x1024xi32>
        %eq3A_454 = arith.cmpi eq, %iota3A_2, %eq3A_453 : vector<8x1024xi32>
        %jit3A_455 = arith.constant 0.000000e+00 : f32
        %broadcast_in_dim3A_456 = vector.broadcast %jit3A_455 : f32 to vector<8x1024xf32>
        %select_n3A_457 = arith.select %eq3A_454, %get3A_417, %broadcast_in_dim3A_456 : vector<8x1024xi1>, vector<8x1024xf32>
        %reduce_sum3A_458 = arith.constant dense<0.000000e+00> : vector<8xf32>
        %reduce_sum3A_459 = vector.multi_reduction <add>, %select_n3A_457, %reduce_sum3A_458 [1] : vector<8x1024xf32> to vector<8xf32>
        %broadcast_in_dim3A_460 = vector.shape_cast %reduce_sum3A_459 : vector<8xf32> to vector<8x1xf32>
        %jit3A_461 = arith.constant 0.000000e+00 : f32
        %broadcast_in_dim3A_462 = vector.broadcast %jit3A_461 : f32 to vector<8x1024xf32>
        %select_n3A_463 = arith.select %eq3A_454, %get3A_420, %broadcast_in_dim3A_462 : vector<8x1024xi1>, vector<8x1024xf32>
        %reduce_sum3A_464 = arith.constant dense<0.000000e+00> : vector<8xf32>
        %reduce_sum3A_465 = vector.multi_reduction <add>, %select_n3A_463, %reduce_sum3A_464 [1] : vector<8x1024xf32> to vector<8xf32>
        %broadcast_in_dim3A_466 = vector.shape_cast %reduce_sum3A_465 : vector<8xf32> to vector<8x1xf32>
        %jit3A_467 = arith.constant 0.000000e+00 : f32
        %broadcast_in_dim3A_468 = vector.broadcast %jit3A_467 : f32 to vector<8x1024xf32>
        %select_n3A_469 = arith.select %eq3A_454, %get3A_423, %broadcast_in_dim3A_468 : vector<8x1024xi1>, vector<8x1024xf32>
        %reduce_sum3A_470 = arith.constant dense<0.000000e+00> : vector<8xf32>
        %reduce_sum3A_471 = vector.multi_reduction <add>, %select_n3A_469, %reduce_sum3A_470 [1] : vector<8x1024xf32> to vector<8xf32>
        %broadcast_in_dim3A_472 = vector.shape_cast %reduce_sum3A_471 : vector<8xf32> to vector<8x1xf32>
        %gt3A_473 = arith.cmpf ogt, %broadcast_in_dim3A_444, %select_n3A_407 : vector<8x1xf32>
        %select_n3A_474 = arith.select %gt3A_473, %broadcast_in_dim3A_444, %select_n3A_407 : vector<8x1xi1>, vector<8x1xf32>
        %add3A_475 = arith.constant 1024 : i32
        %add3A_476 = vector.broadcast %add3A_475 : i32 to vector<8x1xi32>
        %add3A_477 = arith.addi %broadcast_in_dim3A_452, %add3A_476 : vector<8x1xi32>
        %select_n3A_478 = arith.select %gt3A_473, %add3A_477, %select_n3A_411 : vector<8x1xi1>, vector<8x1xi32>
        %select_n3A_479 = arith.select %gt3A_473, %broadcast_in_dim3A_460, %select_n3A_412 : vector<8x1xi1>, vector<8x1xf32>
        %select_n3A_480 = arith.select %gt3A_473, %broadcast_in_dim3A_466, %select_n3A_413 : vector<8x1xi1>, vector<8x1xf32>
        %select_n3A_481 = arith.select %gt3A_473, %broadcast_in_dim3A_472, %select_n3A_414 : vector<8x1xi1>, vector<8x1xf32>
        %get3A_482 = arith.constant 0 : index
        %get3A_483 = arith.constant 2048 : index
        %get3A_484 = vector.load %arg0[%get3A_482, %get3A_483] : memref<8x8192xf32, #tpu.memory_space<vmem>>, vector<8x1024xf32>
        %get3A_485 = arith.constant 0 : index
        %get3A_486 = arith.constant 2048 : index
        %get3A_487 = vector.load %arg1[%get3A_485, %get3A_486] : memref<8x8192xf32, #tpu.memory_space<vmem>>, vector<8x1024xf32>
        %get3A_488 = arith.constant 0 : index
        %get3A_489 = arith.constant 2048 : index
        %get3A_490 = vector.load %arg2[%get3A_488, %get3A_489] : memref<8x8192xf32, #tpu.memory_space<vmem>>, vector<8x1024xf32>
        %sub3A_491 = vector.broadcast %scan3A_324 : vector<8x1xf32> to vector<8x1024xf32>
        %sub3A_492 = arith.subf %get3A_484, %sub3A_491 : vector<8x1024xf32>
        %sub3A_493 = vector.broadcast %scan3A_325 : vector<8x1xf32> to vector<8x1024xf32>
        %sub3A_494 = arith.subf %get3A_487, %sub3A_493 : vector<8x1024xf32>
        %sub3A_495 = vector.broadcast %scan3A_326 : vector<8x1xf32> to vector<8x1024xf32>
        %sub3A_496 = arith.subf %get3A_490, %sub3A_495 : vector<8x1024xf32>
        %mul3A_497 = arith.mulf %sub3A_492, %sub3A_492 : vector<8x1024xf32>
        %mul3A_498 = arith.mulf %sub3A_496, %sub3A_496 : vector<8x1024xf32>
        %add3A_499 = arith.addf %mul3A_497, %mul3A_498 : vector<8x1024xf32>
        %mul3A_500 = arith.mulf %sub3A_494, %sub3A_494 : vector<8x1024xf32>
        %add3A_501 = arith.addf %add3A_499, %mul3A_500 : vector<8x1024xf32>
        %get3A_502 = arith.constant 0 : index
        %get3A_503 = arith.constant 2048 : index
        %get3A_504 = vector.load %arg8[%get3A_502, %get3A_503] : memref<8x8192xf32, #tpu.memory_space<vmem>>, vector<8x1024xf32>
        %min3A_505 = arith.minimumf %get3A_504, %add3A_501 : vector<8x1024xf32>
        %swap3A_506 = arith.constant 0 : index
        %swap3A_507 = arith.constant 2048 : index
        %swap3A_508 = vector.load %arg8[%swap3A_506, %swap3A_507] : memref<8x8192xf32, #tpu.memory_space<vmem>>, vector<8x1024xf32>
        tpu.vector_store %arg8[%swap3A_506, %swap3A_507], %min3A_505 {strides = array<i32>} : memref<8x8192xf32, #tpu.memory_space<vmem>>, vector<8x1024xf32>,
        %reduce_max3A_509 = arith.constant dense<0xFF800000> : vector<8xf32>
        %reduce_max3A_510 = vector.multi_reduction <maximumf>, %min3A_505, %reduce_max3A_509 [1] : vector<8x1024xf32> to vector<8xf32>
        %broadcast_in_dim3A_511 = vector.shape_cast %reduce_max3A_510 : vector<8xf32> to vector<8x1xf32>
        %eq3A_512 = vector.broadcast %broadcast_in_dim3A_511 : vector<8x1xf32> to vector<8x1024xf32>
        %eq3A_513 = arith.cmpf oeq, %min3A_505, %eq3A_512 : vector<8x1024xf32>
        %jit3A_514 = arith.constant 1024 : i32
        %broadcast_in_dim3A_515 = vector.broadcast %jit3A_514 : i32 to vector<8x1024xi32>
        %select_n3A_516 = arith.select %eq3A_513, %iota3A_2, %broadcast_in_dim3A_515 : vector<8x1024xi1>, vector<8x1024xi32>
        %reduce_min3A_517 = arith.constant dense<2147483647> : vector<8xi32>
        %reduce_min3A_518 = vector.multi_reduction <minsi>, %select_n3A_516, %reduce_min3A_517 [1] : vector<8x1024xi32> to vector<8xi32>
        %broadcast_in_dim3A_519 = vector.shape_cast %reduce_min3A_518 : vector<8xi32> to vector<8x1xi32>
        %eq3A_520 = vector.broadcast %broadcast_in_dim3A_519 : vector<8x1xi32> to vector<8x1024xi32>
        %eq3A_521 = arith.cmpi eq, %iota3A_2, %eq3A_520 : vector<8x1024xi32>
        %jit3A_522 = arith.constant 0.000000e+00 : f32
        %broadcast_in_dim3A_523 = vector.broadcast %jit3A_522 : f32 to vector<8x1024xf32>
        %select_n3A_524 = arith.select %eq3A_521, %get3A_484, %broadcast_in_dim3A_523 : vector<8x1024xi1>, vector<8x1024xf32>
        %reduce_sum3A_525 = arith.constant dense<0.000000e+00> : vector<8xf32>
        %reduce_sum3A_526 = vector.multi_reduction <add>, %select_n3A_524, %reduce_sum3A_525 [1] : vector<8x1024xf32> to vector<8xf32>
        %broadcast_in_dim3A_527 = vector.shape_cast %reduce_sum3A_526 : vector<8xf32> to vector<8x1xf32>
        %jit3A_528 = arith.constant 0.000000e+00 : f32
        %broadcast_in_dim3A_529 = vector.broadcast %jit3A_528 : f32 to vector<8x1024xf32>
        %select_n3A_530 = arith.select %eq3A_521, %get3A_487, %broadcast_in_dim3A_529 : vector<8x1024xi1>, vector<8x1024xf32>
        %reduce_sum3A_531 = arith.constant dense<0.000000e+00> : vector<8xf32>
        %reduce_sum3A_532 = vector.multi_reduction <add>, %select_n3A_530, %reduce_sum3A_531 [1] : vector<8x1024xf32> to vector<8xf32>
        %broadcast_in_dim3A_533 = vector.shape_cast %reduce_sum3A_532 : vector<8xf32> to vector<8x1xf32>
        %jit3A_534 = arith.constant 0.000000e+00 : f32
        %broadcast_in_dim3A_535 = vector.broadcast %jit3A_534 : f32 to vector<8x1024xf32>
        %select_n3A_536 = arith.select %eq3A_521, %get3A_490, %broadcast_in_dim3A_535 : vector<8x1024xi1>, vector<8x1024xf32>
        %reduce_sum3A_537 = arith.constant dense<0.000000e+00> : vector<8xf32>
        %reduce_sum3A_538 = vector.multi_reduction <add>, %select_n3A_536, %reduce_sum3A_537 [1] : vector<8x1024xf32> to vector<8xf32>
        %broadcast_in_dim3A_539 = vector.shape_cast %reduce_sum3A_538 : vector<8xf32> to vector<8x1xf32>
        %gt3A_540 = arith.cmpf ogt, %broadcast_in_dim3A_511, %select_n3A_474 : vector<8x1xf32>
        %select_n3A_541 = arith.select %gt3A_540, %broadcast_in_dim3A_511, %select_n3A_474 : vector<8x1xi1>, vector<8x1xf32>
        %add3A_542 = arith.constant 2048 : i32
        %add3A_543 = vector.broadcast %add3A_542 : i32 to vector<8x1xi32>
        %add3A_544 = arith.addi %broadcast_in_dim3A_519, %add3A_543 : vector<8x1xi32>
        %select_n3A_545 = arith.select %gt3A_540, %add3A_544, %select_n3A_478 : vector<8x1xi1>, vector<8x1xi32>
        %select_n3A_546 = arith.select %gt3A_540, %broadcast_in_dim3A_527, %select_n3A_479 : vector<8x1xi1>, vector<8x1xf32>
        %select_n3A_547 = arith.select %gt3A_540, %broadcast_in_dim3A_533, %select_n3A_480 : vector<8x1xi1>, vector<8x1xf32>
        %select_n3A_548 = arith.select %gt3A_540, %broadcast_in_dim3A_539, %select_n3A_481 : vector<8x1xi1>, vector<8x1xf32>
        %get3A_549 = arith.constant 0 : index
        %get3A_550 = arith.constant 3072 : index
        %get3A_551 = vector.load %arg0[%get3A_549, %get3A_550] : memref<8x8192xf32, #tpu.memory_space<vmem>>, vector<8x1024xf32>
        %get3A_552 = arith.constant 0 : index
        %get3A_553 = arith.constant 3072 : index
        %get3A_554 = vector.load %arg1[%get3A_552, %get3A_553] : memref<8x8192xf32, #tpu.memory_space<vmem>>, vector<8x1024xf32>
        %get3A_555 = arith.constant 0 : index
        %get3A_556 = arith.constant 3072 : index
        %get3A_557 = vector.load %arg2[%get3A_555, %get3A_556] : memref<8x8192xf32, #tpu.memory_space<vmem>>, vector<8x1024xf32>
        %sub3A_558 = vector.broadcast %scan3A_324 : vector<8x1xf32> to vector<8x1024xf32>
        %sub3A_559 = arith.subf %get3A_551, %sub3A_558 : vector<8x1024xf32>
        %sub3A_560 = vector.broadcast %scan3A_325 : vector<8x1xf32> to vector<8x1024xf32>
        %sub3A_561 = arith.subf %get3A_554, %sub3A_560 : vector<8x1024xf32>
        %sub3A_562 = vector.broadcast %scan3A_326 : vector<8x1xf32> to vector<8x1024xf32>
        %sub3A_563 = arith.subf %get3A_557, %sub3A_562 : vector<8x1024xf32>
        %mul3A_564 = arith.mulf %sub3A_559, %sub3A_559 : vector<8x1024xf32>
        %mul3A_565 = arith.mulf %sub3A_563, %sub3A_563 : vector<8x1024xf32>
        %add3A_566 = arith.addf %mul3A_564, %mul3A_565 : vector<8x1024xf32>
        %mul3A_567 = arith.mulf %sub3A_561, %sub3A_561 : vector<8x1024xf32>
        %add3A_568 = arith.addf %add3A_566, %mul3A_567 : vector<8x1024xf32>
        %get3A_569 = arith.constant 0 : index
        %get3A_570 = arith.constant 3072 : index
        %get3A_571 = vector.load %arg8[%get3A_569, %get3A_570] : memref<8x8192xf32, #tpu.memory_space<vmem>>, vector<8x1024xf32>
        %min3A_572 = arith.minimumf %get3A_571, %add3A_568 : vector<8x1024xf32>
        %swap3A_573 = arith.constant 0 : index
        %swap3A_574 = arith.constant 3072 : index
        %swap3A_575 = vector.load %arg8[%swap3A_573, %swap3A_574] : memref<8x8192xf32, #tpu.memory_space<vmem>>, vector<8x1024xf32>
        tpu.vector_store %arg8[%swap3A_573, %swap3A_574], %min3A_572 {strides = array<i32>} : memref<8x8192xf32, #tpu.memory_space<vmem>>, vector<8x1024xf32>,
        %reduce_max3A_576 = arith.constant dense<0xFF800000> : vector<8xf32>
        %reduce_max3A_577 = vector.multi_reduction <maximumf>, %min3A_572, %reduce_max3A_576 [1] : vector<8x1024xf32> to vector<8xf32>
        %broadcast_in_dim3A_578 = vector.shape_cast %reduce_max3A_577 : vector<8xf32> to vector<8x1xf32>
        %eq3A_579 = vector.broadcast %broadcast_in_dim3A_578 : vector<8x1xf32> to vector<8x1024xf32>
        %eq3A_580 = arith.cmpf oeq, %min3A_572, %eq3A_579 : vector<8x1024xf32>
        %jit3A_581 = arith.constant 1024 : i32
        %broadcast_in_dim3A_582 = vector.broadcast %jit3A_581 : i32 to vector<8x1024xi32>
        %select_n3A_583 = arith.select %eq3A_580, %iota3A_2, %broadcast_in_dim3A_582 : vector<8x1024xi1>, vector<8x1024xi32>
        %reduce_min3A_584 = arith.constant dense<2147483647> : vector<8xi32>
        %reduce_min3A_585 = vector.multi_reduction <minsi>, %select_n3A_583, %reduce_min3A_584 [1] : vector<8x1024xi32> to vector<8xi32>
        %broadcast_in_dim3A_586 = vector.shape_cast %reduce_min3A_585 : vector<8xi32> to vector<8x1xi32>
        %eq3A_587 = vector.broadcast %broadcast_in_dim3A_586 : vector<8x1xi32> to vector<8x1024xi32>
        %eq3A_588 = arith.cmpi eq, %iota3A_2, %eq3A_587 : vector<8x1024xi32>
        %jit3A_589 = arith.constant 0.000000e+00 : f32
        %broadcast_in_dim3A_590 = vector.broadcast %jit3A_589 : f32 to vector<8x1024xf32>
        %select_n3A_591 = arith.select %eq3A_588, %get3A_551, %broadcast_in_dim3A_590 : vector<8x1024xi1>, vector<8x1024xf32>
        %reduce_sum3A_592 = arith.constant dense<0.000000e+00> : vector<8xf32>
        %reduce_sum3A_593 = vector.multi_reduction <add>, %select_n3A_591, %reduce_sum3A_592 [1] : vector<8x1024xf32> to vector<8xf32>
        %broadcast_in_dim3A_594 = vector.shape_cast %reduce_sum3A_593 : vector<8xf32> to vector<8x1xf32>
        %jit3A_595 = arith.constant 0.000000e+00 : f32
        %broadcast_in_dim3A_596 = vector.broadcast %jit3A_595 : f32 to vector<8x1024xf32>
        %select_n3A_597 = arith.select %eq3A_588, %get3A_554, %broadcast_in_dim3A_596 : vector<8x1024xi1>, vector<8x1024xf32>
        %reduce_sum3A_598 = arith.constant dense<0.000000e+00> : vector<8xf32>
        %reduce_sum3A_599 = vector.multi_reduction <add>, %select_n3A_597, %reduce_sum3A_598 [1] : vector<8x1024xf32> to vector<8xf32>
        %broadcast_in_dim3A_600 = vector.shape_cast %reduce_sum3A_599 : vector<8xf32> to vector<8x1xf32>
        %jit3A_601 = arith.constant 0.000000e+00 : f32
        %broadcast_in_dim3A_602 = vector.broadcast %jit3A_601 : f32 to vector<8x1024xf32>
        %select_n3A_603 = arith.select %eq3A_588, %get3A_557, %broadcast_in_dim3A_602 : vector<8x1024xi1>, vector<8x1024xf32>
        %reduce_sum3A_604 = arith.constant dense<0.000000e+00> : vector<8xf32>
        %reduce_sum3A_605 = vector.multi_reduction <add>, %select_n3A_603, %reduce_sum3A_604 [1] : vector<8x1024xf32> to vector<8xf32>
        %broadcast_in_dim3A_606 = vector.shape_cast %reduce_sum3A_605 : vector<8xf32> to vector<8x1xf32>
        %gt3A_607 = arith.cmpf ogt, %broadcast_in_dim3A_578, %select_n3A_541 : vector<8x1xf32>
        %select_n3A_608 = arith.select %gt3A_607, %broadcast_in_dim3A_578, %select_n3A_541 : vector<8x1xi1>, vector<8x1xf32>
        %add3A_609 = arith.constant 3072 : i32
        %add3A_610 = vector.broadcast %add3A_609 : i32 to vector<8x1xi32>
        %add3A_611 = arith.addi %broadcast_in_dim3A_586, %add3A_610 : vector<8x1xi32>
        %select_n3A_612 = arith.select %gt3A_607, %add3A_611, %select_n3A_545 : vector<8x1xi1>, vector<8x1xi32>
        %select_n3A_613 = arith.select %gt3A_607, %broadcast_in_dim3A_594, %select_n3A_546 : vector<8x1xi1>, vector<8x1xf32>
        %select_n3A_614 = arith.select %gt3A_607, %broadcast_in_dim3A_600, %select_n3A_547 : vector<8x1xi1>, vector<8x1xf32>
        %select_n3A_615 = arith.select %gt3A_607, %broadcast_in_dim3A_606, %select_n3A_548 : vector<8x1xi1>, vector<8x1xf32>
        %get3A_616 = arith.constant 0 : index
        %get3A_617 = arith.constant 4096 : index
        %get3A_618 = vector.load %arg0[%get3A_616, %get3A_617] : memref<8x8192xf32, #tpu.memory_space<vmem>>, vector<8x1024xf32>
        %get3A_619 = arith.constant 0 : index
        %get3A_620 = arith.constant 4096 : index
        %get3A_621 = vector.load %arg1[%get3A_619, %get3A_620] : memref<8x8192xf32, #tpu.memory_space<vmem>>, vector<8x1024xf32>
        %get3A_622 = arith.constant 0 : index
        %get3A_623 = arith.constant 4096 : index
        %get3A_624 = vector.load %arg2[%get3A_622, %get3A_623] : memref<8x8192xf32, #tpu.memory_space<vmem>>, vector<8x1024xf32>
        %sub3A_625 = vector.broadcast %scan3A_324 : vector<8x1xf32> to vector<8x1024xf32>
        %sub3A_626 = arith.subf %get3A_618, %sub3A_625 : vector<8x1024xf32>
        %sub3A_627 = vector.broadcast %scan3A_325 : vector<8x1xf32> to vector<8x1024xf32>
        %sub3A_628 = arith.subf %get3A_621, %sub3A_627 : vector<8x1024xf32>
        %sub3A_629 = vector.broadcast %scan3A_326 : vector<8x1xf32> to vector<8x1024xf32>
        %sub3A_630 = arith.subf %get3A_624, %sub3A_629 : vector<8x1024xf32>
        %mul3A_631 = arith.mulf %sub3A_626, %sub3A_626 : vector<8x1024xf32>
        %mul3A_632 = arith.mulf %sub3A_630, %sub3A_630 : vector<8x1024xf32>
        %add3A_633 = arith.addf %mul3A_631, %mul3A_632 : vector<8x1024xf32>
        %mul3A_634 = arith.mulf %sub3A_628, %sub3A_628 : vector<8x1024xf32>
        %add3A_635 = arith.addf %add3A_633, %mul3A_634 : vector<8x1024xf32>
        %get3A_636 = arith.constant 0 : index
        %get3A_637 = arith.constant 4096 : index
        %get3A_638 = vector.load %arg8[%get3A_636, %get3A_637] : memref<8x8192xf32, #tpu.memory_space<vmem>>, vector<8x1024xf32>
        %min3A_639 = arith.minimumf %get3A_638, %add3A_635 : vector<8x1024xf32>
        %swap3A_640 = arith.constant 0 : index
        %swap3A_641 = arith.constant 4096 : index
        %swap3A_642 = vector.load %arg8[%swap3A_640, %swap3A_641] : memref<8x8192xf32, #tpu.memory_space<vmem>>, vector<8x1024xf32>
        tpu.vector_store %arg8[%swap3A_640, %swap3A_641], %min3A_639 {strides = array<i32>} : memref<8x8192xf32, #tpu.memory_space<vmem>>, vector<8x1024xf32>,
        %reduce_max3A_643 = arith.constant dense<0xFF800000> : vector<8xf32>
        %reduce_max3A_644 = vector.multi_reduction <maximumf>, %min3A_639, %reduce_max3A_643 [1] : vector<8x1024xf32> to vector<8xf32>
        %broadcast_in_dim3A_645 = vector.shape_cast %reduce_max3A_644 : vector<8xf32> to vector<8x1xf32>
        %eq3A_646 = vector.broadcast %broadcast_in_dim3A_645 : vector<8x1xf32> to vector<8x1024xf32>
        %eq3A_647 = arith.cmpf oeq, %min3A_639, %eq3A_646 : vector<8x1024xf32>
        %jit3A_648 = arith.constant 1024 : i32
        %broadcast_in_dim3A_649 = vector.broadcast %jit3A_648 : i32 to vector<8x1024xi32>
        %select_n3A_650 = arith.select %eq3A_647, %iota3A_2, %broadcast_in_dim3A_649 : vector<8x1024xi1>, vector<8x1024xi32>
        %reduce_min3A_651 = arith.constant dense<2147483647> : vector<8xi32>
        %reduce_min3A_652 = vector.multi_reduction <minsi>, %select_n3A_650, %reduce_min3A_651 [1] : vector<8x1024xi32> to vector<8xi32>
        %broadcast_in_dim3A_653 = vector.shape_cast %reduce_min3A_652 : vector<8xi32> to vector<8x1xi32>
        %eq3A_654 = vector.broadcast %broadcast_in_dim3A_653 : vector<8x1xi32> to vector<8x1024xi32>
        %eq3A_655 = arith.cmpi eq, %iota3A_2, %eq3A_654 : vector<8x1024xi32>
        %jit3A_656 = arith.constant 0.000000e+00 : f32
        %broadcast_in_dim3A_657 = vector.broadcast %jit3A_656 : f32 to vector<8x1024xf32>
        %select_n3A_658 = arith.select %eq3A_655, %get3A_618, %broadcast_in_dim3A_657 : vector<8x1024xi1>, vector<8x1024xf32>
        %reduce_sum3A_659 = arith.constant dense<0.000000e+00> : vector<8xf32>
        %reduce_sum3A_660 = vector.multi_reduction <add>, %select_n3A_658, %reduce_sum3A_659 [1] : vector<8x1024xf32> to vector<8xf32>
        %broadcast_in_dim3A_661 = vector.shape_cast %reduce_sum3A_660 : vector<8xf32> to vector<8x1xf32>
        %jit3A_662 = arith.constant 0.000000e+00 : f32
        %broadcast_in_dim3A_663 = vector.broadcast %jit3A_662 : f32 to vector<8x1024xf32>
        %select_n3A_664 = arith.select %eq3A_655, %get3A_621, %broadcast_in_dim3A_663 : vector<8x1024xi1>, vector<8x1024xf32>
        %reduce_sum3A_665 = arith.constant dense<0.000000e+00> : vector<8xf32>
        %reduce_sum3A_666 = vector.multi_reduction <add>, %select_n3A_664, %reduce_sum3A_665 [1] : vector<8x1024xf32> to vector<8xf32>
        %broadcast_in_dim3A_667 = vector.shape_cast %reduce_sum3A_666 : vector<8xf32> to vector<8x1xf32>
        %jit3A_668 = arith.constant 0.000000e+00 : f32
        %broadcast_in_dim3A_669 = vector.broadcast %jit3A_668 : f32 to vector<8x1024xf32>
        %select_n3A_670 = arith.select %eq3A_655, %get3A_624, %broadcast_in_dim3A_669 : vector<8x1024xi1>, vector<8x1024xf32>
        %reduce_sum3A_671 = arith.constant dense<0.000000e+00> : vector<8xf32>
        %reduce_sum3A_672 = vector.multi_reduction <add>, %select_n3A_670, %reduce_sum3A_671 [1] : vector<8x1024xf32> to vector<8xf32>
        %broadcast_in_dim3A_673 = vector.shape_cast %reduce_sum3A_672 : vector<8xf32> to vector<8x1xf32>
        %gt3A_674 = arith.cmpf ogt, %broadcast_in_dim3A_645, %select_n3A_608 : vector<8x1xf32>
        %select_n3A_675 = arith.select %gt3A_674, %broadcast_in_dim3A_645, %select_n3A_608 : vector<8x1xi1>, vector<8x1xf32>
        %add3A_676 = arith.constant 4096 : i32
        %add3A_677 = vector.broadcast %add3A_676 : i32 to vector<8x1xi32>
        %add3A_678 = arith.addi %broadcast_in_dim3A_653, %add3A_677 : vector<8x1xi32>
        %select_n3A_679 = arith.select %gt3A_674, %add3A_678, %select_n3A_612 : vector<8x1xi1>, vector<8x1xi32>
        %select_n3A_680 = arith.select %gt3A_674, %broadcast_in_dim3A_661, %select_n3A_613 : vector<8x1xi1>, vector<8x1xf32>
        %select_n3A_681 = arith.select %gt3A_674, %broadcast_in_dim3A_667, %select_n3A_614 : vector<8x1xi1>, vector<8x1xf32>
        %select_n3A_682 = arith.select %gt3A_674, %broadcast_in_dim3A_673, %select_n3A_615 : vector<8x1xi1>, vector<8x1xf32>
        %get3A_683 = arith.constant 0 : index
        %get3A_684 = arith.constant 5120 : index
        %get3A_685 = vector.load %arg0[%get3A_683, %get3A_684] : memref<8x8192xf32, #tpu.memory_space<vmem>>, vector<8x1024xf32>
        %get3A_686 = arith.constant 0 : index
        %get3A_687 = arith.constant 5120 : index
        %get3A_688 = vector.load %arg1[%get3A_686, %get3A_687] : memref<8x8192xf32, #tpu.memory_space<vmem>>, vector<8x1024xf32>
        %get3A_689 = arith.constant 0 : index
        %get3A_690 = arith.constant 5120 : index
        %get3A_691 = vector.load %arg2[%get3A_689, %get3A_690] : memref<8x8192xf32, #tpu.memory_space<vmem>>, vector<8x1024xf32>
        %sub3A_692 = vector.broadcast %scan3A_324 : vector<8x1xf32> to vector<8x1024xf32>
        %sub3A_693 = arith.subf %get3A_685, %sub3A_692 : vector<8x1024xf32>
        %sub3A_694 = vector.broadcast %scan3A_325 : vector<8x1xf32> to vector<8x1024xf32>
        %sub3A_695 = arith.subf %get3A_688, %sub3A_694 : vector<8x1024xf32>
        %sub3A_696 = vector.broadcast %scan3A_326 : vector<8x1xf32> to vector<8x1024xf32>
        %sub3A_697 = arith.subf %get3A_691, %sub3A_696 : vector<8x1024xf32>
        %mul3A_698 = arith.mulf %sub3A_693, %sub3A_693 : vector<8x1024xf32>
        %mul3A_699 = arith.mulf %sub3A_697, %sub3A_697 : vector<8x1024xf32>
        %add3A_700 = arith.addf %mul3A_698, %mul3A_699 : vector<8x1024xf32>
        %mul3A_701 = arith.mulf %sub3A_695, %sub3A_695 : vector<8x1024xf32>
        %add3A_702 = arith.addf %add3A_700, %mul3A_701 : vector<8x1024xf32>
        %get3A_703 = arith.constant 0 : index
        %get3A_704 = arith.constant 5120 : index
        %get3A_705 = vector.load %arg8[%get3A_703, %get3A_704] : memref<8x8192xf32, #tpu.memory_space<vmem>>, vector<8x1024xf32>
        %min3A_706 = arith.minimumf %get3A_705, %add3A_702 : vector<8x1024xf32>
        %swap3A_707 = arith.constant 0 : index
        %swap3A_708 = arith.constant 5120 : index
        %swap3A_709 = vector.load %arg8[%swap3A_707, %swap3A_708] : memref<8x8192xf32, #tpu.memory_space<vmem>>, vector<8x1024xf32>
        tpu.vector_store %arg8[%swap3A_707, %swap3A_708], %min3A_706 {strides = array<i32>} : memref<8x8192xf32, #tpu.memory_space<vmem>>, vector<8x1024xf32>,
        %reduce_max3A_710 = arith.constant dense<0xFF800000> : vector<8xf32>
        %reduce_max3A_711 = vector.multi_reduction <maximumf>, %min3A_706, %reduce_max3A_710 [1] : vector<8x1024xf32> to vector<8xf32>
        %broadcast_in_dim3A_712 = vector.shape_cast %reduce_max3A_711 : vector<8xf32> to vector<8x1xf32>
        %eq3A_713 = vector.broadcast %broadcast_in_dim3A_712 : vector<8x1xf32> to vector<8x1024xf32>
        %eq3A_714 = arith.cmpf oeq, %min3A_706, %eq3A_713 : vector<8x1024xf32>
        %jit3A_715 = arith.constant 1024 : i32
        %broadcast_in_dim3A_716 = vector.broadcast %jit3A_715 : i32 to vector<8x1024xi32>
        %select_n3A_717 = arith.select %eq3A_714, %iota3A_2, %broadcast_in_dim3A_716 : vector<8x1024xi1>, vector<8x1024xi32>
        %reduce_min3A_718 = arith.constant dense<2147483647> : vector<8xi32>
        %reduce_min3A_719 = vector.multi_reduction <minsi>, %select_n3A_717, %reduce_min3A_718 [1] : vector<8x1024xi32> to vector<8xi32>
        %broadcast_in_dim3A_720 = vector.shape_cast %reduce_min3A_719 : vector<8xi32> to vector<8x1xi32>
        %eq3A_721 = vector.broadcast %broadcast_in_dim3A_720 : vector<8x1xi32> to vector<8x1024xi32>
        %eq3A_722 = arith.cmpi eq, %iota3A_2, %eq3A_721 : vector<8x1024xi32>
        %jit3A_723 = arith.constant 0.000000e+00 : f32
        %broadcast_in_dim3A_724 = vector.broadcast %jit3A_723 : f32 to vector<8x1024xf32>
        %select_n3A_725 = arith.select %eq3A_722, %get3A_685, %broadcast_in_dim3A_724 : vector<8x1024xi1>, vector<8x1024xf32>
        %reduce_sum3A_726 = arith.constant dense<0.000000e+00> : vector<8xf32>
        %reduce_sum3A_727 = vector.multi_reduction <add>, %select_n3A_725, %reduce_sum3A_726 [1] : vector<8x1024xf32> to vector<8xf32>
        %broadcast_in_dim3A_728 = vector.shape_cast %reduce_sum3A_727 : vector<8xf32> to vector<8x1xf32>
        %jit3A_729 = arith.constant 0.000000e+00 : f32
        %broadcast_in_dim3A_730 = vector.broadcast %jit3A_729 : f32 to vector<8x1024xf32>
        %select_n3A_731 = arith.select %eq3A_722, %get3A_688, %broadcast_in_dim3A_730 : vector<8x1024xi1>, vector<8x1024xf32>
        %reduce_sum3A_732 = arith.constant dense<0.000000e+00> : vector<8xf32>
        %reduce_sum3A_733 = vector.multi_reduction <add>, %select_n3A_731, %reduce_sum3A_732 [1] : vector<8x1024xf32> to vector<8xf32>
        %broadcast_in_dim3A_734 = vector.shape_cast %reduce_sum3A_733 : vector<8xf32> to vector<8x1xf32>
        %jit3A_735 = arith.constant 0.000000e+00 : f32
        %broadcast_in_dim3A_736 = vector.broadcast %jit3A_735 : f32 to vector<8x1024xf32>
        %select_n3A_737 = arith.select %eq3A_722, %get3A_691, %broadcast_in_dim3A_736 : vector<8x1024xi1>, vector<8x1024xf32>
        %reduce_sum3A_738 = arith.constant dense<0.000000e+00> : vector<8xf32>
        %reduce_sum3A_739 = vector.multi_reduction <add>, %select_n3A_737, %reduce_sum3A_738 [1] : vector<8x1024xf32> to vector<8xf32>
        %broadcast_in_dim3A_740 = vector.shape_cast %reduce_sum3A_739 : vector<8xf32> to vector<8x1xf32>
        %gt3A_741 = arith.cmpf ogt, %broadcast_in_dim3A_712, %select_n3A_675 : vector<8x1xf32>
        %select_n3A_742 = arith.select %gt3A_741, %broadcast_in_dim3A_712, %select_n3A_675 : vector<8x1xi1>, vector<8x1xf32>
        %add3A_743 = arith.constant 5120 : i32
        %add3A_744 = vector.broadcast %add3A_743 : i32 to vector<8x1xi32>
        %add3A_745 = arith.addi %broadcast_in_dim3A_720, %add3A_744 : vector<8x1xi32>
        %select_n3A_746 = arith.select %gt3A_741, %add3A_745, %select_n3A_679 : vector<8x1xi1>, vector<8x1xi32>
        %select_n3A_747 = arith.select %gt3A_741, %broadcast_in_dim3A_728, %select_n3A_680 : vector<8x1xi1>, vector<8x1xf32>
        %select_n3A_748 = arith.select %gt3A_741, %broadcast_in_dim3A_734, %select_n3A_681 : vector<8x1xi1>, vector<8x1xf32>
        %select_n3A_749 = arith.select %gt3A_741, %broadcast_in_dim3A_740, %select_n3A_682 : vector<8x1xi1>, vector<8x1xf32>
        %get3A_750 = arith.constant 0 : index
        %get3A_751 = arith.constant 6144 : index
        %get3A_752 = vector.load %arg0[%get3A_750, %get3A_751] : memref<8x8192xf32, #tpu.memory_space<vmem>>, vector<8x1024xf32>
        %get3A_753 = arith.constant 0 : index
        %get3A_754 = arith.constant 6144 : index
        %get3A_755 = vector.load %arg1[%get3A_753, %get3A_754] : memref<8x8192xf32, #tpu.memory_space<vmem>>, vector<8x1024xf32>
        %get3A_756 = arith.constant 0 : index
        %get3A_757 = arith.constant 6144 : index
        %get3A_758 = vector.load %arg2[%get3A_756, %get3A_757] : memref<8x8192xf32, #tpu.memory_space<vmem>>, vector<8x1024xf32>
        %sub3A_759 = vector.broadcast %scan3A_324 : vector<8x1xf32> to vector<8x1024xf32>
        %sub3A_760 = arith.subf %get3A_752, %sub3A_759 : vector<8x1024xf32>
        %sub3A_761 = vector.broadcast %scan3A_325 : vector<8x1xf32> to vector<8x1024xf32>
        %sub3A_762 = arith.subf %get3A_755, %sub3A_761 : vector<8x1024xf32>
        %sub3A_763 = vector.broadcast %scan3A_326 : vector<8x1xf32> to vector<8x1024xf32>
        %sub3A_764 = arith.subf %get3A_758, %sub3A_763 : vector<8x1024xf32>
        %mul3A_765 = arith.mulf %sub3A_760, %sub3A_760 : vector<8x1024xf32>
        %mul3A_766 = arith.mulf %sub3A_764, %sub3A_764 : vector<8x1024xf32>
        %add3A_767 = arith.addf %mul3A_765, %mul3A_766 : vector<8x1024xf32>
        %mul3A_768 = arith.mulf %sub3A_762, %sub3A_762 : vector<8x1024xf32>
        %add3A_769 = arith.addf %add3A_767, %mul3A_768 : vector<8x1024xf32>
        %get3A_770 = arith.constant 0 : index
        %get3A_771 = arith.constant 6144 : index
        %get3A_772 = vector.load %arg8[%get3A_770, %get3A_771] : memref<8x8192xf32, #tpu.memory_space<vmem>>, vector<8x1024xf32>
        %min3A_773 = arith.minimumf %get3A_772, %add3A_769 : vector<8x1024xf32>
        %swap3A_774 = arith.constant 0 : index
        %swap3A_775 = arith.constant 6144 : index
        %swap3A_776 = vector.load %arg8[%swap3A_774, %swap3A_775] : memref<8x8192xf32, #tpu.memory_space<vmem>>, vector<8x1024xf32>
        tpu.vector_store %arg8[%swap3A_774, %swap3A_775], %min3A_773 {strides = array<i32>} : memref<8x8192xf32, #tpu.memory_space<vmem>>, vector<8x1024xf32>,
        %reduce_max3A_777 = arith.constant dense<0xFF800000> : vector<8xf32>
        %reduce_max3A_778 = vector.multi_reduction <maximumf>, %min3A_773, %reduce_max3A_777 [1] : vector<8x1024xf32> to vector<8xf32>
        %broadcast_in_dim3A_779 = vector.shape_cast %reduce_max3A_778 : vector<8xf32> to vector<8x1xf32>
        %eq3A_780 = vector.broadcast %broadcast_in_dim3A_779 : vector<8x1xf32> to vector<8x1024xf32>
        %eq3A_781 = arith.cmpf oeq, %min3A_773, %eq3A_780 : vector<8x1024xf32>
        %jit3A_782 = arith.constant 1024 : i32
        %broadcast_in_dim3A_783 = vector.broadcast %jit3A_782 : i32 to vector<8x1024xi32>
        %select_n3A_784 = arith.select %eq3A_781, %iota3A_2, %broadcast_in_dim3A_783 : vector<8x1024xi1>, vector<8x1024xi32>
        %reduce_min3A_785 = arith.constant dense<2147483647> : vector<8xi32>
        %reduce_min3A_786 = vector.multi_reduction <minsi>, %select_n3A_784, %reduce_min3A_785 [1] : vector<8x1024xi32> to vector<8xi32>
        %broadcast_in_dim3A_787 = vector.shape_cast %reduce_min3A_786 : vector<8xi32> to vector<8x1xi32>
        %eq3A_788 = vector.broadcast %broadcast_in_dim3A_787 : vector<8x1xi32> to vector<8x1024xi32>
        %eq3A_789 = arith.cmpi eq, %iota3A_2, %eq3A_788 : vector<8x1024xi32>
        %jit3A_790 = arith.constant 0.000000e+00 : f32
        %broadcast_in_dim3A_791 = vector.broadcast %jit3A_790 : f32 to vector<8x1024xf32>
        %select_n3A_792 = arith.select %eq3A_789, %get3A_752, %broadcast_in_dim3A_791 : vector<8x1024xi1>, vector<8x1024xf32>
        %reduce_sum3A_793 = arith.constant dense<0.000000e+00> : vector<8xf32>
        %reduce_sum3A_794 = vector.multi_reduction <add>, %select_n3A_792, %reduce_sum3A_793 [1] : vector<8x1024xf32> to vector<8xf32>
        %broadcast_in_dim3A_795 = vector.shape_cast %reduce_sum3A_794 : vector<8xf32> to vector<8x1xf32>
        %jit3A_796 = arith.constant 0.000000e+00 : f32
        %broadcast_in_dim3A_797 = vector.broadcast %jit3A_796 : f32 to vector<8x1024xf32>
        %select_n3A_798 = arith.select %eq3A_789, %get3A_755, %broadcast_in_dim3A_797 : vector<8x1024xi1>, vector<8x1024xf32>
        %reduce_sum3A_799 = arith.constant dense<0.000000e+00> : vector<8xf32>
        %reduce_sum3A_800 = vector.multi_reduction <add>, %select_n3A_798, %reduce_sum3A_799 [1] : vector<8x1024xf32> to vector<8xf32>
        %broadcast_in_dim3A_801 = vector.shape_cast %reduce_sum3A_800 : vector<8xf32> to vector<8x1xf32>
        %jit3A_802 = arith.constant 0.000000e+00 : f32
        %broadcast_in_dim3A_803 = vector.broadcast %jit3A_802 : f32 to vector<8x1024xf32>
        %select_n3A_804 = arith.select %eq3A_789, %get3A_758, %broadcast_in_dim3A_803 : vector<8x1024xi1>, vector<8x1024xf32>
        %reduce_sum3A_805 = arith.constant dense<0.000000e+00> : vector<8xf32>
        %reduce_sum3A_806 = vector.multi_reduction <add>, %select_n3A_804, %reduce_sum3A_805 [1] : vector<8x1024xf32> to vector<8xf32>
        %broadcast_in_dim3A_807 = vector.shape_cast %reduce_sum3A_806 : vector<8xf32> to vector<8x1xf32>
        %gt3A_808 = arith.cmpf ogt, %broadcast_in_dim3A_779, %select_n3A_742 : vector<8x1xf32>
        %select_n3A_809 = arith.select %gt3A_808, %broadcast_in_dim3A_779, %select_n3A_742 : vector<8x1xi1>, vector<8x1xf32>
        %add3A_810 = arith.constant 6144 : i32
        %add3A_811 = vector.broadcast %add3A_810 : i32 to vector<8x1xi32>
        %add3A_812 = arith.addi %broadcast_in_dim3A_787, %add3A_811 : vector<8x1xi32>
        %select_n3A_813 = arith.select %gt3A_808, %add3A_812, %select_n3A_746 : vector<8x1xi1>, vector<8x1xi32>
        %select_n3A_814 = arith.select %gt3A_808, %broadcast_in_dim3A_795, %select_n3A_747 : vector<8x1xi1>, vector<8x1xf32>
        %select_n3A_815 = arith.select %gt3A_808, %broadcast_in_dim3A_801, %select_n3A_748 : vector<8x1xi1>, vector<8x1xf32>
        %select_n3A_816 = arith.select %gt3A_808, %broadcast_in_dim3A_807, %select_n3A_749 : vector<8x1xi1>, vector<8x1xf32>
        %get3A_817 = arith.constant 0 : index
        %get3A_818 = arith.constant 7168 : index
        %get3A_819 = vector.load %arg0[%get3A_817, %get3A_818] : memref<8x8192xf32, #tpu.memory_space<vmem>>, vector<8x1024xf32>
        %get3A_820 = arith.constant 0 : index
        %get3A_821 = arith.constant 7168 : index
        %get3A_822 = vector.load %arg1[%get3A_820, %get3A_821] : memref<8x8192xf32, #tpu.memory_space<vmem>>, vector<8x1024xf32>
        %get3A_823 = arith.constant 0 : index
        %get3A_824 = arith.constant 7168 : index
        %get3A_825 = vector.load %arg2[%get3A_823, %get3A_824] : memref<8x8192xf32, #tpu.memory_space<vmem>>, vector<8x1024xf32>
        %sub3A_826 = vector.broadcast %scan3A_324 : vector<8x1xf32> to vector<8x1024xf32>
        %sub3A_827 = arith.subf %get3A_819, %sub3A_826 : vector<8x1024xf32>
        %sub3A_828 = vector.broadcast %scan3A_325 : vector<8x1xf32> to vector<8x1024xf32>
        %sub3A_829 = arith.subf %get3A_822, %sub3A_828 : vector<8x1024xf32>
        %sub3A_830 = vector.broadcast %scan3A_326 : vector<8x1xf32> to vector<8x1024xf32>
        %sub3A_831 = arith.subf %get3A_825, %sub3A_830 : vector<8x1024xf32>
        %mul3A_832 = arith.mulf %sub3A_827, %sub3A_827 : vector<8x1024xf32>
        %mul3A_833 = arith.mulf %sub3A_831, %sub3A_831 : vector<8x1024xf32>
        %add3A_834 = arith.addf %mul3A_832, %mul3A_833 : vector<8x1024xf32>
        %mul3A_835 = arith.mulf %sub3A_829, %sub3A_829 : vector<8x1024xf32>
        %add3A_836 = arith.addf %add3A_834, %mul3A_835 : vector<8x1024xf32>
        %get3A_837 = arith.constant 0 : index
        %get3A_838 = arith.constant 7168 : index
        %get3A_839 = vector.load %arg8[%get3A_837, %get3A_838] : memref<8x8192xf32, #tpu.memory_space<vmem>>, vector<8x1024xf32>
        %min3A_840 = arith.minimumf %get3A_839, %add3A_836 : vector<8x1024xf32>
        %swap3A_841 = arith.constant 0 : index
        %swap3A_842 = arith.constant 7168 : index
        %swap3A_843 = vector.load %arg8[%swap3A_841, %swap3A_842] : memref<8x8192xf32, #tpu.memory_space<vmem>>, vector<8x1024xf32>
        tpu.vector_store %arg8[%swap3A_841, %swap3A_842], %min3A_840 {strides = array<i32>} : memref<8x8192xf32, #tpu.memory_space<vmem>>, vector<8x1024xf32>,
        %reduce_max3A_844 = arith.constant dense<0xFF800000> : vector<8xf32>
        %reduce_max3A_845 = vector.multi_reduction <maximumf>, %min3A_840, %reduce_max3A_844 [1] : vector<8x1024xf32> to vector<8xf32>
        %broadcast_in_dim3A_846 = vector.shape_cast %reduce_max3A_845 : vector<8xf32> to vector<8x1xf32>
        %eq3A_847 = vector.broadcast %broadcast_in_dim3A_846 : vector<8x1xf32> to vector<8x1024xf32>
        %eq3A_848 = arith.cmpf oeq, %min3A_840, %eq3A_847 : vector<8x1024xf32>
        %jit3A_849 = arith.constant 1024 : i32
        %broadcast_in_dim3A_850 = vector.broadcast %jit3A_849 : i32 to vector<8x1024xi32>
        %select_n3A_851 = arith.select %eq3A_848, %iota3A_2, %broadcast_in_dim3A_850 : vector<8x1024xi1>, vector<8x1024xi32>
        %reduce_min3A_852 = arith.constant dense<2147483647> : vector<8xi32>
        %reduce_min3A_853 = vector.multi_reduction <minsi>, %select_n3A_851, %reduce_min3A_852 [1] : vector<8x1024xi32> to vector<8xi32>
        %broadcast_in_dim3A_854 = vector.shape_cast %reduce_min3A_853 : vector<8xi32> to vector<8x1xi32>
        %eq3A_855 = vector.broadcast %broadcast_in_dim3A_854 : vector<8x1xi32> to vector<8x1024xi32>
        %eq3A_856 = arith.cmpi eq, %iota3A_2, %eq3A_855 : vector<8x1024xi32>
        %jit3A_857 = arith.constant 0.000000e+00 : f32
        %broadcast_in_dim3A_858 = vector.broadcast %jit3A_857 : f32 to vector<8x1024xf32>
        %select_n3A_859 = arith.select %eq3A_856, %get3A_819, %broadcast_in_dim3A_858 : vector<8x1024xi1>, vector<8x1024xf32>
        %reduce_sum3A_860 = arith.constant dense<0.000000e+00> : vector<8xf32>
        %reduce_sum3A_861 = vector.multi_reduction <add>, %select_n3A_859, %reduce_sum3A_860 [1] : vector<8x1024xf32> to vector<8xf32>
        %broadcast_in_dim3A_862 = vector.shape_cast %reduce_sum3A_861 : vector<8xf32> to vector<8x1xf32>
        %jit3A_863 = arith.constant 0.000000e+00 : f32
        %broadcast_in_dim3A_864 = vector.broadcast %jit3A_863 : f32 to vector<8x1024xf32>
        %select_n3A_865 = arith.select %eq3A_856, %get3A_822, %broadcast_in_dim3A_864 : vector<8x1024xi1>, vector<8x1024xf32>
        %reduce_sum3A_866 = arith.constant dense<0.000000e+00> : vector<8xf32>
        %reduce_sum3A_867 = vector.multi_reduction <add>, %select_n3A_865, %reduce_sum3A_866 [1] : vector<8x1024xf32> to vector<8xf32>
        %broadcast_in_dim3A_868 = vector.shape_cast %reduce_sum3A_867 : vector<8xf32> to vector<8x1xf32>
        %jit3A_869 = arith.constant 0.000000e+00 : f32
        %broadcast_in_dim3A_870 = vector.broadcast %jit3A_869 : f32 to vector<8x1024xf32>
        %select_n3A_871 = arith.select %eq3A_856, %get3A_825, %broadcast_in_dim3A_870 : vector<8x1024xi1>, vector<8x1024xf32>
        %reduce_sum3A_872 = arith.constant dense<0.000000e+00> : vector<8xf32>
        %reduce_sum3A_873 = vector.multi_reduction <add>, %select_n3A_871, %reduce_sum3A_872 [1] : vector<8x1024xf32> to vector<8xf32>
        %broadcast_in_dim3A_874 = vector.shape_cast %reduce_sum3A_873 : vector<8xf32> to vector<8x1xf32>
        %gt3A_875 = arith.cmpf ogt, %broadcast_in_dim3A_846, %select_n3A_809 : vector<8x1xf32>
        %add3A_876 = arith.constant 7168 : i32
        %add3A_877 = vector.broadcast %add3A_876 : i32 to vector<8x1xi32>
        %add3A_878 = arith.addi %broadcast_in_dim3A_854, %add3A_877 : vector<8x1xi32>
        %select_n3A_879 = arith.select %gt3A_875, %add3A_878, %select_n3A_813 : vector<8x1xi1>, vector<8x1xi32>
        %select_n3A_880 = arith.select %gt3A_875, %broadcast_in_dim3A_862, %select_n3A_814 : vector<8x1xi1>, vector<8x1xf32>
        %select_n3A_881 = arith.select %gt3A_875, %broadcast_in_dim3A_868, %select_n3A_815 : vector<8x1xi1>, vector<8x1xf32>
        %select_n3A_882 = arith.select %gt3A_875, %broadcast_in_dim3A_874, %select_n3A_816 : vector<8x1xi1>, vector<8x1xf32>
        %scan3A_883 = arith.constant 1 : i32
        %scan3A_884 = arith.addi %scan3A_322, %scan3A_883 : i32
        %eq3A_885 = vector.broadcast %scan3A_884 : i32 to vector<8x128xi32>
        %eq3A_886 = arith.cmpi eq, %iota3A, %eq3A_885 : vector<8x128xi32>
        %broadcast_in_dim3A_887 = vector.shape_cast %select_n3A_879 : vector<8x1xi32> to vector<8x1xi32>
        %broadcast_in_dim3A_888 = vector.broadcast %broadcast_in_dim3A_887 : vector<8x1xi32> to vector<8x128xi32>
        %select_n3A_889 = arith.select %eq3A_886, %broadcast_in_dim3A_888, %select_n3A_335 : vector<8x128xi1>, vector<8x128xi32>
        %broadcast_in_dim3A_890 = vector.shape_cast %select_n3A_880 : vector<8x1xf32> to vector<8x1xf32>
        %broadcast_in_dim3A_891 = vector.broadcast %broadcast_in_dim3A_890 : vector<8x1xf32> to vector<8x128xf32>
        %select_n3A_892 = arith.select %eq3A_886, %broadcast_in_dim3A_891, %select_n3A_338 : vector<8x128xi1>, vector<8x128xf32>
        %broadcast_in_dim3A_893 = vector.shape_cast %select_n3A_881 : vector<8x1xf32> to vector<8x1xf32>
        %broadcast_in_dim3A_894 = vector.broadcast %broadcast_in_dim3A_893 : vector<8x1xf32> to vector<8x128xf32>
        %select_n3A_895 = arith.select %eq3A_886, %broadcast_in_dim3A_894, %select_n3A_341 : vector<8x128xi1>, vector<8x128xf32>
        %broadcast_in_dim3A_896 = vector.shape_cast %select_n3A_882 : vector<8x1xf32> to vector<8x1xf32>
        %broadcast_in_dim3A_897 = vector.broadcast %broadcast_in_dim3A_896 : vector<8x1xf32> to vector<8x128xf32>
        %select_n3A_898 = arith.select %eq3A_886, %broadcast_in_dim3A_897, %select_n3A_344 : vector<8x128xi1>, vector<8x128xf32>
        %broadcast_in_dim3A_899 = arith.constant -1.000000e+00 : f32
        %broadcast_in_dim3A_900 = vector.broadcast %broadcast_in_dim3A_899 : f32 to vector<8x1xf32>
        %broadcast_in_dim3A_901 = arith.constant 0.000000e+00 : f32
        %broadcast_in_dim3A_902 = vector.broadcast %broadcast_in_dim3A_901 : f32 to vector<8x1xf32>
        %broadcast_in_dim3A_903 = arith.constant 0.000000e+00 : f32
        %broadcast_in_dim3A_904 = vector.broadcast %broadcast_in_dim3A_903 : f32 to vector<8x1xf32>
        %broadcast_in_dim3A_905 = arith.constant 0.000000e+00 : f32
        %broadcast_in_dim3A_906 = vector.broadcast %broadcast_in_dim3A_905 : f32 to vector<8x1xf32>
        %get3A_907 = arith.constant 0 : index
        %get3A_908 = arith.constant 0 : index
        %get3A_909 = vector.load %arg0[%get3A_907, %get3A_908] : memref<8x8192xf32, #tpu.memory_space<vmem>>, vector<8x1024xf32>
        %get3A_910 = arith.constant 0 : index
        %get3A_911 = arith.constant 0 : index
        %get3A_912 = vector.load %arg1[%get3A_910, %get3A_911] : memref<8x8192xf32, #tpu.memory_space<vmem>>, vector<8x1024xf32>
        %get3A_913 = arith.constant 0 : index
        %get3A_914 = arith.constant 0 : index
        %get3A_915 = vector.load %arg2[%get3A_913, %get3A_914] : memref<8x8192xf32, #tpu.memory_space<vmem>>, vector<8x1024xf32>
        %sub3A_916 = vector.broadcast %select_n3A_880 : vector<8x1xf32> to vector<8x1024xf32>
        %sub3A_917 = arith.subf %get3A_909, %sub3A_916 : vector<8x1024xf32>
        %sub3A_918 = vector.broadcast %select_n3A_881 : vector<8x1xf32> to vector<8x1024xf32>
        %sub3A_919 = arith.subf %get3A_912, %sub3A_918 : vector<8x1024xf32>
        %sub3A_920 = vector.broadcast %select_n3A_882 : vector<8x1xf32> to vector<8x1024xf32>
        %sub3A_921 = arith.subf %get3A_915, %sub3A_920 : vector<8x1024xf32>
        %mul3A_922 = arith.mulf %sub3A_917, %sub3A_917 : vector<8x1024xf32>
        %mul3A_923 = arith.mulf %sub3A_921, %sub3A_921 : vector<8x1024xf32>
        %add3A_924 = arith.addf %mul3A_922, %mul3A_923 : vector<8x1024xf32>
        %mul3A_925 = arith.mulf %sub3A_919, %sub3A_919 : vector<8x1024xf32>
        %add3A_926 = arith.addf %add3A_924, %mul3A_925 : vector<8x1024xf32>
        %get3A_927 = arith.constant 0 : index
        %get3A_928 = arith.constant 0 : index
        %get3A_929 = vector.load %arg8[%get3A_927, %get3A_928] : memref<8x8192xf32, #tpu.memory_space<vmem>>, vector<8x1024xf32>
        %min3A_930 = arith.minimumf %get3A_929, %add3A_926 : vector<8x1024xf32>
        %swap3A_931 = arith.constant 0 : index
        %swap3A_932 = arith.constant 0 : index
        %swap3A_933 = vector.load %arg8[%swap3A_931, %swap3A_932] : memref<8x8192xf32, #tpu.memory_space<vmem>>, vector<8x1024xf32>
        tpu.vector_store %arg8[%swap3A_931, %swap3A_932], %min3A_930 {strides = array<i32>} : memref<8x8192xf32, #tpu.memory_space<vmem>>, vector<8x1024xf32>,
        %reduce_max3A_934 = arith.constant dense<0xFF800000> : vector<8xf32>
        %reduce_max3A_935 = vector.multi_reduction <maximumf>, %min3A_930, %reduce_max3A_934 [1] : vector<8x1024xf32> to vector<8xf32>
        %broadcast_in_dim3A_936 = vector.shape_cast %reduce_max3A_935 : vector<8xf32> to vector<8x1xf32>
        %eq3A_937 = vector.broadcast %broadcast_in_dim3A_936 : vector<8x1xf32> to vector<8x1024xf32>
        %eq3A_938 = arith.cmpf oeq, %min3A_930, %eq3A_937 : vector<8x1024xf32>
        %jit3A_939 = arith.constant 1024 : i32
        %broadcast_in_dim3A_940 = vector.broadcast %jit3A_939 : i32 to vector<8x1024xi32>
        %select_n3A_941 = arith.select %eq3A_938, %iota3A_2, %broadcast_in_dim3A_940 : vector<8x1024xi1>, vector<8x1024xi32>
        %reduce_min3A_942 = arith.constant dense<2147483647> : vector<8xi32>
        %reduce_min3A_943 = vector.multi_reduction <minsi>, %select_n3A_941, %reduce_min3A_942 [1] : vector<8x1024xi32> to vector<8xi32>
        %broadcast_in_dim3A_944 = vector.shape_cast %reduce_min3A_943 : vector<8xi32> to vector<8x1xi32>
        %eq3A_945 = vector.broadcast %broadcast_in_dim3A_944 : vector<8x1xi32> to vector<8x1024xi32>
        %eq3A_946 = arith.cmpi eq, %iota3A_2, %eq3A_945 : vector<8x1024xi32>
        %jit3A_947 = arith.constant 0.000000e+00 : f32
        %broadcast_in_dim3A_948 = vector.broadcast %jit3A_947 : f32 to vector<8x1024xf32>
        %select_n3A_949 = arith.select %eq3A_946, %get3A_909, %broadcast_in_dim3A_948 : vector<8x1024xi1>, vector<8x1024xf32>
        %reduce_sum3A_950 = arith.constant dense<0.000000e+00> : vector<8xf32>
        %reduce_sum3A_951 = vector.multi_reduction <add>, %select_n3A_949, %reduce_sum3A_950 [1] : vector<8x1024xf32> to vector<8xf32>
        %broadcast_in_dim3A_952 = vector.shape_cast %reduce_sum3A_951 : vector<8xf32> to vector<8x1xf32>
        %jit3A_953 = arith.constant 0.000000e+00 : f32
        %broadcast_in_dim3A_954 = vector.broadcast %jit3A_953 : f32 to vector<8x1024xf32>
        %select_n3A_955 = arith.select %eq3A_946, %get3A_912, %broadcast_in_dim3A_954 : vector<8x1024xi1>, vector<8x1024xf32>
        %reduce_sum3A_956 = arith.constant dense<0.000000e+00> : vector<8xf32>
        %reduce_sum3A_957 = vector.multi_reduction <add>, %select_n3A_955, %reduce_sum3A_956 [1] : vector<8x1024xf32> to vector<8xf32>
        %broadcast_in_dim3A_958 = vector.shape_cast %reduce_sum3A_957 : vector<8xf32> to vector<8x1xf32>
        %jit3A_959 = arith.constant 0.000000e+00 : f32
        %broadcast_in_dim3A_960 = vector.broadcast %jit3A_959 : f32 to vector<8x1024xf32>
        %select_n3A_961 = arith.select %eq3A_946, %get3A_915, %broadcast_in_dim3A_960 : vector<8x1024xi1>, vector<8x1024xf32>
        %reduce_sum3A_962 = arith.constant dense<0.000000e+00> : vector<8xf32>
        %reduce_sum3A_963 = vector.multi_reduction <add>, %select_n3A_961, %reduce_sum3A_962 [1] : vector<8x1024xf32> to vector<8xf32>
        %broadcast_in_dim3A_964 = vector.shape_cast %reduce_sum3A_963 : vector<8xf32> to vector<8x1xf32>
        %gt3A_965 = arith.cmpf ogt, %broadcast_in_dim3A_936, %broadcast_in_dim3A_900 : vector<8x1xf32>
        %select_n3A_966 = arith.select %gt3A_965, %broadcast_in_dim3A_936, %broadcast_in_dim3A_900 : vector<8x1xi1>, vector<8x1xf32>
        %add3A_967 = arith.constant 0 : i32
        %add3A_968 = vector.broadcast %add3A_967 : i32 to vector<8x1xi32>
        %add3A_969 = arith.addi %broadcast_in_dim3A_944, %add3A_968 : vector<8x1xi32>
        %select_n3A_970 = arith.select %gt3A_965, %add3A_969, %broadcast_in_dim3A_3 : vector<8x1xi1>, vector<8x1xi32>
        %select_n3A_971 = arith.select %gt3A_965, %broadcast_in_dim3A_952, %broadcast_in_dim3A_902 : vector<8x1xi1>, vector<8x1xf32>
        %select_n3A_972 = arith.select %gt3A_965, %broadcast_in_dim3A_958, %broadcast_in_dim3A_904 : vector<8x1xi1>, vector<8x1xf32>
        %select_n3A_973 = arith.select %gt3A_965, %broadcast_in_dim3A_964, %broadcast_in_dim3A_906 : vector<8x1xi1>, vector<8x1xf32>
        %get3A_974 = arith.constant 0 : index
        %get3A_975 = arith.constant 1024 : index
        %get3A_976 = vector.load %arg0[%get3A_974, %get3A_975] : memref<8x8192xf32, #tpu.memory_space<vmem>>, vector<8x1024xf32>
        %get3A_977 = arith.constant 0 : index
        %get3A_978 = arith.constant 1024 : index
        %get3A_979 = vector.load %arg1[%get3A_977, %get3A_978] : memref<8x8192xf32, #tpu.memory_space<vmem>>, vector<8x1024xf32>
        %get3A_980 = arith.constant 0 : index
        %get3A_981 = arith.constant 1024 : index
        %get3A_982 = vector.load %arg2[%get3A_980, %get3A_981] : memref<8x8192xf32, #tpu.memory_space<vmem>>, vector<8x1024xf32>
        %sub3A_983 = vector.broadcast %select_n3A_880 : vector<8x1xf32> to vector<8x1024xf32>
        %sub3A_984 = arith.subf %get3A_976, %sub3A_983 : vector<8x1024xf32>
        %sub3A_985 = vector.broadcast %select_n3A_881 : vector<8x1xf32> to vector<8x1024xf32>
        %sub3A_986 = arith.subf %get3A_979, %sub3A_985 : vector<8x1024xf32>
        %sub3A_987 = vector.broadcast %select_n3A_882 : vector<8x1xf32> to vector<8x1024xf32>
        %sub3A_988 = arith.subf %get3A_982, %sub3A_987 : vector<8x1024xf32>
        %mul3A_989 = arith.mulf %sub3A_984, %sub3A_984 : vector<8x1024xf32>
        %mul3A_990 = arith.mulf %sub3A_988, %sub3A_988 : vector<8x1024xf32>
        %add3A_991 = arith.addf %mul3A_989, %mul3A_990 : vector<8x1024xf32>
        %mul3A_992 = arith.mulf %sub3A_986, %sub3A_986 : vector<8x1024xf32>
        %add3A_993 = arith.addf %add3A_991, %mul3A_992 : vector<8x1024xf32>
        %get3A_994 = arith.constant 0 : index
        %get3A_995 = arith.constant 1024 : index
        %get3A_996 = vector.load %arg8[%get3A_994, %get3A_995] : memref<8x8192xf32, #tpu.memory_space<vmem>>, vector<8x1024xf32>
        %min3A_997 = arith.minimumf %get3A_996, %add3A_993 : vector<8x1024xf32>
        %swap3A_998 = arith.constant 0 : index
        %swap3A_999 = arith.constant 1024 : index
        %swap3A_1000 = vector.load %arg8[%swap3A_998, %swap3A_999] : memref<8x8192xf32, #tpu.memory_space<vmem>>, vector<8x1024xf32>
        tpu.vector_store %arg8[%swap3A_998, %swap3A_999], %min3A_997 {strides = array<i32>} : memref<8x8192xf32, #tpu.memory_space<vmem>>, vector<8x1024xf32>,
        %reduce_max3A_1001 = arith.constant dense<0xFF800000> : vector<8xf32>
        %reduce_max3A_1002 = vector.multi_reduction <maximumf>, %min3A_997, %reduce_max3A_1001 [1] : vector<8x1024xf32> to vector<8xf32>
        %broadcast_in_dim3A_1003 = vector.shape_cast %reduce_max3A_1002 : vector<8xf32> to vector<8x1xf32>
        %eq3A_1004 = vector.broadcast %broadcast_in_dim3A_1003 : vector<8x1xf32> to vector<8x1024xf32>
        %eq3A_1005 = arith.cmpf oeq, %min3A_997, %eq3A_1004 : vector<8x1024xf32>
        %jit3A_1006 = arith.constant 1024 : i32
        %broadcast_in_dim3A_1007 = vector.broadcast %jit3A_1006 : i32 to vector<8x1024xi32>
        %select_n3A_1008 = arith.select %eq3A_1005, %iota3A_2, %broadcast_in_dim3A_1007 : vector<8x1024xi1>, vector<8x1024xi32>
        %reduce_min3A_1009 = arith.constant dense<2147483647> : vector<8xi32>
        %reduce_min3A_1010 = vector.multi_reduction <minsi>, %select_n3A_1008, %reduce_min3A_1009 [1] : vector<8x1024xi32> to vector<8xi32>
        %broadcast_in_dim3A_1011 = vector.shape_cast %reduce_min3A_1010 : vector<8xi32> to vector<8x1xi32>
        %eq3A_1012 = vector.broadcast %broadcast_in_dim3A_1011 : vector<8x1xi32> to vector<8x1024xi32>
        %eq3A_1013 = arith.cmpi eq, %iota3A_2, %eq3A_1012 : vector<8x1024xi32>
        %jit3A_1014 = arith.constant 0.000000e+00 : f32
        %broadcast_in_dim3A_1015 = vector.broadcast %jit3A_1014 : f32 to vector<8x1024xf32>
        %select_n3A_1016 = arith.select %eq3A_1013, %get3A_976, %broadcast_in_dim3A_1015 : vector<8x1024xi1>, vector<8x1024xf32>
        %reduce_sum3A_1017 = arith.constant dense<0.000000e+00> : vector<8xf32>
        %reduce_sum3A_1018 = vector.multi_reduction <add>, %select_n3A_1016, %reduce_sum3A_1017 [1] : vector<8x1024xf32> to vector<8xf32>
        %broadcast_in_dim3A_1019 = vector.shape_cast %reduce_sum3A_1018 : vector<8xf32> to vector<8x1xf32>
        %jit3A_1020 = arith.constant 0.000000e+00 : f32
        %broadcast_in_dim3A_1021 = vector.broadcast %jit3A_1020 : f32 to vector<8x1024xf32>
        %select_n3A_1022 = arith.select %eq3A_1013, %get3A_979, %broadcast_in_dim3A_1021 : vector<8x1024xi1>, vector<8x1024xf32>
        %reduce_sum3A_1023 = arith.constant dense<0.000000e+00> : vector<8xf32>
        %reduce_sum3A_1024 = vector.multi_reduction <add>, %select_n3A_1022, %reduce_sum3A_1023 [1] : vector<8x1024xf32> to vector<8xf32>
        %broadcast_in_dim3A_1025 = vector.shape_cast %reduce_sum3A_1024 : vector<8xf32> to vector<8x1xf32>
        %jit3A_1026 = arith.constant 0.000000e+00 : f32
        %broadcast_in_dim3A_1027 = vector.broadcast %jit3A_1026 : f32 to vector<8x1024xf32>
        %select_n3A_1028 = arith.select %eq3A_1013, %get3A_982, %broadcast_in_dim3A_1027 : vector<8x1024xi1>, vector<8x1024xf32>
        %reduce_sum3A_1029 = arith.constant dense<0.000000e+00> : vector<8xf32>
        %reduce_sum3A_1030 = vector.multi_reduction <add>, %select_n3A_1028, %reduce_sum3A_1029 [1] : vector<8x1024xf32> to vector<8xf32>
        %broadcast_in_dim3A_1031 = vector.shape_cast %reduce_sum3A_1030 : vector<8xf32> to vector<8x1xf32>
        %gt3A_1032 = arith.cmpf ogt, %broadcast_in_dim3A_1003, %select_n3A_966 : vector<8x1xf32>
        %select_n3A_1033 = arith.select %gt3A_1032, %broadcast_in_dim3A_1003, %select_n3A_966 : vector<8x1xi1>, vector<8x1xf32>
        %add3A_1034 = arith.constant 1024 : i32
        %add3A_1035 = vector.broadcast %add3A_1034 : i32 to vector<8x1xi32>
        %add3A_1036 = arith.addi %broadcast_in_dim3A_1011, %add3A_1035 : vector<8x1xi32>
        %select_n3A_1037 = arith.select %gt3A_1032, %add3A_1036, %select_n3A_970 : vector<8x1xi1>, vector<8x1xi32>
        %select_n3A_1038 = arith.select %gt3A_1032, %broadcast_in_dim3A_1019, %select_n3A_971 : vector<8x1xi1>, vector<8x1xf32>
        %select_n3A_1039 = arith.select %gt3A_1032, %broadcast_in_dim3A_1025, %select_n3A_972 : vector<8x1xi1>, vector<8x1xf32>
        %select_n3A_1040 = arith.select %gt3A_1032, %broadcast_in_dim3A_1031, %select_n3A_973 : vector<8x1xi1>, vector<8x1xf32>
        %get3A_1041 = arith.constant 0 : index
        %get3A_1042 = arith.constant 2048 : index
        %get3A_1043 = vector.load %arg0[%get3A_1041, %get3A_1042] : memref<8x8192xf32, #tpu.memory_space<vmem>>, vector<8x1024xf32>
        %get3A_1044 = arith.constant 0 : index
        %get3A_1045 = arith.constant 2048 : index
        %get3A_1046 = vector.load %arg1[%get3A_1044, %get3A_1045] : memref<8x8192xf32, #tpu.memory_space<vmem>>, vector<8x1024xf32>
        %get3A_1047 = arith.constant 0 : index
        %get3A_1048 = arith.constant 2048 : index
        %get3A_1049 = vector.load %arg2[%get3A_1047, %get3A_1048] : memref<8x8192xf32, #tpu.memory_space<vmem>>, vector<8x1024xf32>
        %sub3A_1050 = vector.broadcast %select_n3A_880 : vector<8x1xf32> to vector<8x1024xf32>
        %sub3A_1051 = arith.subf %get3A_1043, %sub3A_1050 : vector<8x1024xf32>
        %sub3A_1052 = vector.broadcast %select_n3A_881 : vector<8x1xf32> to vector<8x1024xf32>
        %sub3A_1053 = arith.subf %get3A_1046, %sub3A_1052 : vector<8x1024xf32>
        %sub3A_1054 = vector.broadcast %select_n3A_882 : vector<8x1xf32> to vector<8x1024xf32>
        %sub3A_1055 = arith.subf %get3A_1049, %sub3A_1054 : vector<8x1024xf32>
        %mul3A_1056 = arith.mulf %sub3A_1051, %sub3A_1051 : vector<8x1024xf32>
        %mul3A_1057 = arith.mulf %sub3A_1055, %sub3A_1055 : vector<8x1024xf32>
        %add3A_1058 = arith.addf %mul3A_1056, %mul3A_1057 : vector<8x1024xf32>
        %mul3A_1059 = arith.mulf %sub3A_1053, %sub3A_1053 : vector<8x1024xf32>
        %add3A_1060 = arith.addf %add3A_1058, %mul3A_1059 : vector<8x1024xf32>
        %get3A_1061 = arith.constant 0 : index
        %get3A_1062 = arith.constant 2048 : index
        %get3A_1063 = vector.load %arg8[%get3A_1061, %get3A_1062] : memref<8x8192xf32, #tpu.memory_space<vmem>>, vector<8x1024xf32>
        %min3A_1064 = arith.minimumf %get3A_1063, %add3A_1060 : vector<8x1024xf32>
        %swap3A_1065 = arith.constant 0 : index
        %swap3A_1066 = arith.constant 2048 : index
        %swap3A_1067 = vector.load %arg8[%swap3A_1065, %swap3A_1066] : memref<8x8192xf32, #tpu.memory_space<vmem>>, vector<8x1024xf32>
        tpu.vector_store %arg8[%swap3A_1065, %swap3A_1066], %min3A_1064 {strides = array<i32>} : memref<8x8192xf32, #tpu.memory_space<vmem>>, vector<8x1024xf32>,
        %reduce_max3A_1068 = arith.constant dense<0xFF800000> : vector<8xf32>
        %reduce_max3A_1069 = vector.multi_reduction <maximumf>, %min3A_1064, %reduce_max3A_1068 [1] : vector<8x1024xf32> to vector<8xf32>
        %broadcast_in_dim3A_1070 = vector.shape_cast %reduce_max3A_1069 : vector<8xf32> to vector<8x1xf32>
        %eq3A_1071 = vector.broadcast %broadcast_in_dim3A_1070 : vector<8x1xf32> to vector<8x1024xf32>
        %eq3A_1072 = arith.cmpf oeq, %min3A_1064, %eq3A_1071 : vector<8x1024xf32>
        %jit3A_1073 = arith.constant 1024 : i32
        %broadcast_in_dim3A_1074 = vector.broadcast %jit3A_1073 : i32 to vector<8x1024xi32>
        %select_n3A_1075 = arith.select %eq3A_1072, %iota3A_2, %broadcast_in_dim3A_1074 : vector<8x1024xi1>, vector<8x1024xi32>
        %reduce_min3A_1076 = arith.constant dense<2147483647> : vector<8xi32>
        %reduce_min3A_1077 = vector.multi_reduction <minsi>, %select_n3A_1075, %reduce_min3A_1076 [1] : vector<8x1024xi32> to vector<8xi32>
        %broadcast_in_dim3A_1078 = vector.shape_cast %reduce_min3A_1077 : vector<8xi32> to vector<8x1xi32>
        %eq3A_1079 = vector.broadcast %broadcast_in_dim3A_1078 : vector<8x1xi32> to vector<8x1024xi32>
        %eq3A_1080 = arith.cmpi eq, %iota3A_2, %eq3A_1079 : vector<8x1024xi32>
        %jit3A_1081 = arith.constant 0.000000e+00 : f32
        %broadcast_in_dim3A_1082 = vector.broadcast %jit3A_1081 : f32 to vector<8x1024xf32>
        %select_n3A_1083 = arith.select %eq3A_1080, %get3A_1043, %broadcast_in_dim3A_1082 : vector<8x1024xi1>, vector<8x1024xf32>
        %reduce_sum3A_1084 = arith.constant dense<0.000000e+00> : vector<8xf32>
        %reduce_sum3A_1085 = vector.multi_reduction <add>, %select_n3A_1083, %reduce_sum3A_1084 [1] : vector<8x1024xf32> to vector<8xf32>
        %broadcast_in_dim3A_1086 = vector.shape_cast %reduce_sum3A_1085 : vector<8xf32> to vector<8x1xf32>
        %jit3A_1087 = arith.constant 0.000000e+00 : f32
        %broadcast_in_dim3A_1088 = vector.broadcast %jit3A_1087 : f32 to vector<8x1024xf32>
        %select_n3A_1089 = arith.select %eq3A_1080, %get3A_1046, %broadcast_in_dim3A_1088 : vector<8x1024xi1>, vector<8x1024xf32>
        %reduce_sum3A_1090 = arith.constant dense<0.000000e+00> : vector<8xf32>
        %reduce_sum3A_1091 = vector.multi_reduction <add>, %select_n3A_1089, %reduce_sum3A_1090 [1] : vector<8x1024xf32> to vector<8xf32>
        %broadcast_in_dim3A_1092 = vector.shape_cast %reduce_sum3A_1091 : vector<8xf32> to vector<8x1xf32>
        %jit3A_1093 = arith.constant 0.000000e+00 : f32
        %broadcast_in_dim3A_1094 = vector.broadcast %jit3A_1093 : f32 to vector<8x1024xf32>
        %select_n3A_1095 = arith.select %eq3A_1080, %get3A_1049, %broadcast_in_dim3A_1094 : vector<8x1024xi1>, vector<8x1024xf32>
        %reduce_sum3A_1096 = arith.constant dense<0.000000e+00> : vector<8xf32>
        %reduce_sum3A_1097 = vector.multi_reduction <add>, %select_n3A_1095, %reduce_sum3A_1096 [1] : vector<8x1024xf32> to vector<8xf32>
        %broadcast_in_dim3A_1098 = vector.shape_cast %reduce_sum3A_1097 : vector<8xf32> to vector<8x1xf32>
        %gt3A_1099 = arith.cmpf ogt, %broadcast_in_dim3A_1070, %select_n3A_1033 : vector<8x1xf32>
        %select_n3A_1100 = arith.select %gt3A_1099, %broadcast_in_dim3A_1070, %select_n3A_1033 : vector<8x1xi1>, vector<8x1xf32>
        %add3A_1101 = arith.constant 2048 : i32
        %add3A_1102 = vector.broadcast %add3A_1101 : i32 to vector<8x1xi32>
        %add3A_1103 = arith.addi %broadcast_in_dim3A_1078, %add3A_1102 : vector<8x1xi32>
        %select_n3A_1104 = arith.select %gt3A_1099, %add3A_1103, %select_n3A_1037 : vector<8x1xi1>, vector<8x1xi32>
        %select_n3A_1105 = arith.select %gt3A_1099, %broadcast_in_dim3A_1086, %select_n3A_1038 : vector<8x1xi1>, vector<8x1xf32>
        %select_n3A_1106 = arith.select %gt3A_1099, %broadcast_in_dim3A_1092, %select_n3A_1039 : vector<8x1xi1>, vector<8x1xf32>
        %select_n3A_1107 = arith.select %gt3A_1099, %broadcast_in_dim3A_1098, %select_n3A_1040 : vector<8x1xi1>, vector<8x1xf32>
        %get3A_1108 = arith.constant 0 : index
        %get3A_1109 = arith.constant 3072 : index
        %get3A_1110 = vector.load %arg0[%get3A_1108, %get3A_1109] : memref<8x8192xf32, #tpu.memory_space<vmem>>, vector<8x1024xf32>
        %get3A_1111 = arith.constant 0 : index
        %get3A_1112 = arith.constant 3072 : index
        %get3A_1113 = vector.load %arg1[%get3A_1111, %get3A_1112] : memref<8x8192xf32, #tpu.memory_space<vmem>>, vector<8x1024xf32>
        %get3A_1114 = arith.constant 0 : index
        %get3A_1115 = arith.constant 3072 : index
        %get3A_1116 = vector.load %arg2[%get3A_1114, %get3A_1115] : memref<8x8192xf32, #tpu.memory_space<vmem>>, vector<8x1024xf32>
        %sub3A_1117 = vector.broadcast %select_n3A_880 : vector<8x1xf32> to vector<8x1024xf32>
        %sub3A_1118 = arith.subf %get3A_1110, %sub3A_1117 : vector<8x1024xf32>
        %sub3A_1119 = vector.broadcast %select_n3A_881 : vector<8x1xf32> to vector<8x1024xf32>
        %sub3A_1120 = arith.subf %get3A_1113, %sub3A_1119 : vector<8x1024xf32>
        %sub3A_1121 = vector.broadcast %select_n3A_882 : vector<8x1xf32> to vector<8x1024xf32>
        %sub3A_1122 = arith.subf %get3A_1116, %sub3A_1121 : vector<8x1024xf32>
        %mul3A_1123 = arith.mulf %sub3A_1118, %sub3A_1118 : vector<8x1024xf32>
        %mul3A_1124 = arith.mulf %sub3A_1122, %sub3A_1122 : vector<8x1024xf32>
        %add3A_1125 = arith.addf %mul3A_1123, %mul3A_1124 : vector<8x1024xf32>
        %mul3A_1126 = arith.mulf %sub3A_1120, %sub3A_1120 : vector<8x1024xf32>
        %add3A_1127 = arith.addf %add3A_1125, %mul3A_1126 : vector<8x1024xf32>
        %get3A_1128 = arith.constant 0 : index
        %get3A_1129 = arith.constant 3072 : index
        %get3A_1130 = vector.load %arg8[%get3A_1128, %get3A_1129] : memref<8x8192xf32, #tpu.memory_space<vmem>>, vector<8x1024xf32>
        %min3A_1131 = arith.minimumf %get3A_1130, %add3A_1127 : vector<8x1024xf32>
        %swap3A_1132 = arith.constant 0 : index
        %swap3A_1133 = arith.constant 3072 : index
        %swap3A_1134 = vector.load %arg8[%swap3A_1132, %swap3A_1133] : memref<8x8192xf32, #tpu.memory_space<vmem>>, vector<8x1024xf32>
        tpu.vector_store %arg8[%swap3A_1132, %swap3A_1133], %min3A_1131 {strides = array<i32>} : memref<8x8192xf32, #tpu.memory_space<vmem>>, vector<8x1024xf32>,
        %reduce_max3A_1135 = arith.constant dense<0xFF800000> : vector<8xf32>
        %reduce_max3A_1136 = vector.multi_reduction <maximumf>, %min3A_1131, %reduce_max3A_1135 [1] : vector<8x1024xf32> to vector<8xf32>
        %broadcast_in_dim3A_1137 = vector.shape_cast %reduce_max3A_1136 : vector<8xf32> to vector<8x1xf32>
        %eq3A_1138 = vector.broadcast %broadcast_in_dim3A_1137 : vector<8x1xf32> to vector<8x1024xf32>
        %eq3A_1139 = arith.cmpf oeq, %min3A_1131, %eq3A_1138 : vector<8x1024xf32>
        %jit3A_1140 = arith.constant 1024 : i32
        %broadcast_in_dim3A_1141 = vector.broadcast %jit3A_1140 : i32 to vector<8x1024xi32>
        %select_n3A_1142 = arith.select %eq3A_1139, %iota3A_2, %broadcast_in_dim3A_1141 : vector<8x1024xi1>, vector<8x1024xi32>
        %reduce_min3A_1143 = arith.constant dense<2147483647> : vector<8xi32>
        %reduce_min3A_1144 = vector.multi_reduction <minsi>, %select_n3A_1142, %reduce_min3A_1143 [1] : vector<8x1024xi32> to vector<8xi32>
        %broadcast_in_dim3A_1145 = vector.shape_cast %reduce_min3A_1144 : vector<8xi32> to vector<8x1xi32>
        %eq3A_1146 = vector.broadcast %broadcast_in_dim3A_1145 : vector<8x1xi32> to vector<8x1024xi32>
        %eq3A_1147 = arith.cmpi eq, %iota3A_2, %eq3A_1146 : vector<8x1024xi32>
        %jit3A_1148 = arith.constant 0.000000e+00 : f32
        %broadcast_in_dim3A_1149 = vector.broadcast %jit3A_1148 : f32 to vector<8x1024xf32>
        %select_n3A_1150 = arith.select %eq3A_1147, %get3A_1110, %broadcast_in_dim3A_1149 : vector<8x1024xi1>, vector<8x1024xf32>
        %reduce_sum3A_1151 = arith.constant dense<0.000000e+00> : vector<8xf32>
        %reduce_sum3A_1152 = vector.multi_reduction <add>, %select_n3A_1150, %reduce_sum3A_1151 [1] : vector<8x1024xf32> to vector<8xf32>
        %broadcast_in_dim3A_1153 = vector.shape_cast %reduce_sum3A_1152 : vector<8xf32> to vector<8x1xf32>
        %jit3A_1154 = arith.constant 0.000000e+00 : f32
        %broadcast_in_dim3A_1155 = vector.broadcast %jit3A_1154 : f32 to vector<8x1024xf32>
        %select_n3A_1156 = arith.select %eq3A_1147, %get3A_1113, %broadcast_in_dim3A_1155 : vector<8x1024xi1>, vector<8x1024xf32>
        %reduce_sum3A_1157 = arith.constant dense<0.000000e+00> : vector<8xf32>
        %reduce_sum3A_1158 = vector.multi_reduction <add>, %select_n3A_1156, %reduce_sum3A_1157 [1] : vector<8x1024xf32> to vector<8xf32>
        %broadcast_in_dim3A_1159 = vector.shape_cast %reduce_sum3A_1158 : vector<8xf32> to vector<8x1xf32>
        %jit3A_1160 = arith.constant 0.000000e+00 : f32
        %broadcast_in_dim3A_1161 = vector.broadcast %jit3A_1160 : f32 to vector<8x1024xf32>
        %select_n3A_1162 = arith.select %eq3A_1147, %get3A_1116, %broadcast_in_dim3A_1161 : vector<8x1024xi1>, vector<8x1024xf32>
        %reduce_sum3A_1163 = arith.constant dense<0.000000e+00> : vector<8xf32>
        %reduce_sum3A_1164 = vector.multi_reduction <add>, %select_n3A_1162, %reduce_sum3A_1163 [1] : vector<8x1024xf32> to vector<8xf32>
        %broadcast_in_dim3A_1165 = vector.shape_cast %reduce_sum3A_1164 : vector<8xf32> to vector<8x1xf32>
        %gt3A_1166 = arith.cmpf ogt, %broadcast_in_dim3A_1137, %select_n3A_1100 : vector<8x1xf32>
        %select_n3A_1167 = arith.select %gt3A_1166, %broadcast_in_dim3A_1137, %select_n3A_1100 : vector<8x1xi1>, vector<8x1xf32>
        %add3A_1168 = arith.constant 3072 : i32
        %add3A_1169 = vector.broadcast %add3A_1168 : i32 to vector<8x1xi32>
        %add3A_1170 = arith.addi %broadcast_in_dim3A_1145, %add3A_1169 : vector<8x1xi32>
        %select_n3A_1171 = arith.select %gt3A_1166, %add3A_1170, %select_n3A_1104 : vector<8x1xi1>, vector<8x1xi32>
        %select_n3A_1172 = arith.select %gt3A_1166, %broadcast_in_dim3A_1153, %select_n3A_1105 : vector<8x1xi1>, vector<8x1xf32>
        %select_n3A_1173 = arith.select %gt3A_1166, %broadcast_in_dim3A_1159, %select_n3A_1106 : vector<8x1xi1>, vector<8x1xf32>
        %select_n3A_1174 = arith.select %gt3A_1166, %broadcast_in_dim3A_1165, %select_n3A_1107 : vector<8x1xi1>, vector<8x1xf32>
        %get3A_1175 = arith.constant 0 : index
        %get3A_1176 = arith.constant 4096 : index
        %get3A_1177 = vector.load %arg0[%get3A_1175, %get3A_1176] : memref<8x8192xf32, #tpu.memory_space<vmem>>, vector<8x1024xf32>
        %get3A_1178 = arith.constant 0 : index
        %get3A_1179 = arith.constant 4096 : index
        %get3A_1180 = vector.load %arg1[%get3A_1178, %get3A_1179] : memref<8x8192xf32, #tpu.memory_space<vmem>>, vector<8x1024xf32>
        %get3A_1181 = arith.constant 0 : index
        %get3A_1182 = arith.constant 4096 : index
        %get3A_1183 = vector.load %arg2[%get3A_1181, %get3A_1182] : memref<8x8192xf32, #tpu.memory_space<vmem>>, vector<8x1024xf32>
        %sub3A_1184 = vector.broadcast %select_n3A_880 : vector<8x1xf32> to vector<8x1024xf32>
        %sub3A_1185 = arith.subf %get3A_1177, %sub3A_1184 : vector<8x1024xf32>
        %sub3A_1186 = vector.broadcast %select_n3A_881 : vector<8x1xf32> to vector<8x1024xf32>
        %sub3A_1187 = arith.subf %get3A_1180, %sub3A_1186 : vector<8x1024xf32>
        %sub3A_1188 = vector.broadcast %select_n3A_882 : vector<8x1xf32> to vector<8x1024xf32>
        %sub3A_1189 = arith.subf %get3A_1183, %sub3A_1188 : vector<8x1024xf32>
        %mul3A_1190 = arith.mulf %sub3A_1185, %sub3A_1185 : vector<8x1024xf32>
        %mul3A_1191 = arith.mulf %sub3A_1189, %sub3A_1189 : vector<8x1024xf32>
        %add3A_1192 = arith.addf %mul3A_1190, %mul3A_1191 : vector<8x1024xf32>
        %mul3A_1193 = arith.mulf %sub3A_1187, %sub3A_1187 : vector<8x1024xf32>
        %add3A_1194 = arith.addf %add3A_1192, %mul3A_1193 : vector<8x1024xf32>
        %get3A_1195 = arith.constant 0 : index
        %get3A_1196 = arith.constant 4096 : index
        %get3A_1197 = vector.load %arg8[%get3A_1195, %get3A_1196] : memref<8x8192xf32, #tpu.memory_space<vmem>>, vector<8x1024xf32>
        %min3A_1198 = arith.minimumf %get3A_1197, %add3A_1194 : vector<8x1024xf32>
        %swap3A_1199 = arith.constant 0 : index
        %swap3A_1200 = arith.constant 4096 : index
        %swap3A_1201 = vector.load %arg8[%swap3A_1199, %swap3A_1200] : memref<8x8192xf32, #tpu.memory_space<vmem>>, vector<8x1024xf32>
        tpu.vector_store %arg8[%swap3A_1199, %swap3A_1200], %min3A_1198 {strides = array<i32>} : memref<8x8192xf32, #tpu.memory_space<vmem>>, vector<8x1024xf32>,
        %reduce_max3A_1202 = arith.constant dense<0xFF800000> : vector<8xf32>
        %reduce_max3A_1203 = vector.multi_reduction <maximumf>, %min3A_1198, %reduce_max3A_1202 [1] : vector<8x1024xf32> to vector<8xf32>
        %broadcast_in_dim3A_1204 = vector.shape_cast %reduce_max3A_1203 : vector<8xf32> to vector<8x1xf32>
        %eq3A_1205 = vector.broadcast %broadcast_in_dim3A_1204 : vector<8x1xf32> to vector<8x1024xf32>
        %eq3A_1206 = arith.cmpf oeq, %min3A_1198, %eq3A_1205 : vector<8x1024xf32>
        %jit3A_1207 = arith.constant 1024 : i32
        %broadcast_in_dim3A_1208 = vector.broadcast %jit3A_1207 : i32 to vector<8x1024xi32>
        %select_n3A_1209 = arith.select %eq3A_1206, %iota3A_2, %broadcast_in_dim3A_1208 : vector<8x1024xi1>, vector<8x1024xi32>
        %reduce_min3A_1210 = arith.constant dense<2147483647> : vector<8xi32>
        %reduce_min3A_1211 = vector.multi_reduction <minsi>, %select_n3A_1209, %reduce_min3A_1210 [1] : vector<8x1024xi32> to vector<8xi32>
        %broadcast_in_dim3A_1212 = vector.shape_cast %reduce_min3A_1211 : vector<8xi32> to vector<8x1xi32>
        %eq3A_1213 = vector.broadcast %broadcast_in_dim3A_1212 : vector<8x1xi32> to vector<8x1024xi32>
        %eq3A_1214 = arith.cmpi eq, %iota3A_2, %eq3A_1213 : vector<8x1024xi32>
        %jit3A_1215 = arith.constant 0.000000e+00 : f32
        %broadcast_in_dim3A_1216 = vector.broadcast %jit3A_1215 : f32 to vector<8x1024xf32>
        %select_n3A_1217 = arith.select %eq3A_1214, %get3A_1177, %broadcast_in_dim3A_1216 : vector<8x1024xi1>, vector<8x1024xf32>
        %reduce_sum3A_1218 = arith.constant dense<0.000000e+00> : vector<8xf32>
        %reduce_sum3A_1219 = vector.multi_reduction <add>, %select_n3A_1217, %reduce_sum3A_1218 [1] : vector<8x1024xf32> to vector<8xf32>
        %broadcast_in_dim3A_1220 = vector.shape_cast %reduce_sum3A_1219 : vector<8xf32> to vector<8x1xf32>
        %jit3A_1221 = arith.constant 0.000000e+00 : f32
        %broadcast_in_dim3A_1222 = vector.broadcast %jit3A_1221 : f32 to vector<8x1024xf32>
        %select_n3A_1223 = arith.select %eq3A_1214, %get3A_1180, %broadcast_in_dim3A_1222 : vector<8x1024xi1>, vector<8x1024xf32>
        %reduce_sum3A_1224 = arith.constant dense<0.000000e+00> : vector<8xf32>
        %reduce_sum3A_1225 = vector.multi_reduction <add>, %select_n3A_1223, %reduce_sum3A_1224 [1] : vector<8x1024xf32> to vector<8xf32>
        %broadcast_in_dim3A_1226 = vector.shape_cast %reduce_sum3A_1225 : vector<8xf32> to vector<8x1xf32>
        %jit3A_1227 = arith.constant 0.000000e+00 : f32
        %broadcast_in_dim3A_1228 = vector.broadcast %jit3A_1227 : f32 to vector<8x1024xf32>
        %select_n3A_1229 = arith.select %eq3A_1214, %get3A_1183, %broadcast_in_dim3A_1228 : vector<8x1024xi1>, vector<8x1024xf32>
        %reduce_sum3A_1230 = arith.constant dense<0.000000e+00> : vector<8xf32>
        %reduce_sum3A_1231 = vector.multi_reduction <add>, %select_n3A_1229, %reduce_sum3A_1230 [1] : vector<8x1024xf32> to vector<8xf32>
        %broadcast_in_dim3A_1232 = vector.shape_cast %reduce_sum3A_1231 : vector<8xf32> to vector<8x1xf32>
        %gt3A_1233 = arith.cmpf ogt, %broadcast_in_dim3A_1204, %select_n3A_1167 : vector<8x1xf32>
        %select_n3A_1234 = arith.select %gt3A_1233, %broadcast_in_dim3A_1204, %select_n3A_1167 : vector<8x1xi1>, vector<8x1xf32>
        %add3A_1235 = arith.constant 4096 : i32
        %add3A_1236 = vector.broadcast %add3A_1235 : i32 to vector<8x1xi32>
        %add3A_1237 = arith.addi %broadcast_in_dim3A_1212, %add3A_1236 : vector<8x1xi32>
        %select_n3A_1238 = arith.select %gt3A_1233, %add3A_1237, %select_n3A_1171 : vector<8x1xi1>, vector<8x1xi32>
        %select_n3A_1239 = arith.select %gt3A_1233, %broadcast_in_dim3A_1220, %select_n3A_1172 : vector<8x1xi1>, vector<8x1xf32>
        %select_n3A_1240 = arith.select %gt3A_1233, %broadcast_in_dim3A_1226, %select_n3A_1173 : vector<8x1xi1>, vector<8x1xf32>
        %select_n3A_1241 = arith.select %gt3A_1233, %broadcast_in_dim3A_1232, %select_n3A_1174 : vector<8x1xi1>, vector<8x1xf32>
        %get3A_1242 = arith.constant 0 : index
        %get3A_1243 = arith.constant 5120 : index
        %get3A_1244 = vector.load %arg0[%get3A_1242, %get3A_1243] : memref<8x8192xf32, #tpu.memory_space<vmem>>, vector<8x1024xf32>
        %get3A_1245 = arith.constant 0 : index
        %get3A_1246 = arith.constant 5120 : index
        %get3A_1247 = vector.load %arg1[%get3A_1245, %get3A_1246] : memref<8x8192xf32, #tpu.memory_space<vmem>>, vector<8x1024xf32>
        %get3A_1248 = arith.constant 0 : index
        %get3A_1249 = arith.constant 5120 : index
        %get3A_1250 = vector.load %arg2[%get3A_1248, %get3A_1249] : memref<8x8192xf32, #tpu.memory_space<vmem>>, vector<8x1024xf32>
        %sub3A_1251 = vector.broadcast %select_n3A_880 : vector<8x1xf32> to vector<8x1024xf32>
        %sub3A_1252 = arith.subf %get3A_1244, %sub3A_1251 : vector<8x1024xf32>
        %sub3A_1253 = vector.broadcast %select_n3A_881 : vector<8x1xf32> to vector<8x1024xf32>
        %sub3A_1254 = arith.subf %get3A_1247, %sub3A_1253 : vector<8x1024xf32>
        %sub3A_1255 = vector.broadcast %select_n3A_882 : vector<8x1xf32> to vector<8x1024xf32>
        %sub3A_1256 = arith.subf %get3A_1250, %sub3A_1255 : vector<8x1024xf32>
        %mul3A_1257 = arith.mulf %sub3A_1252, %sub3A_1252 : vector<8x1024xf32>
        %mul3A_1258 = arith.mulf %sub3A_1256, %sub3A_1256 : vector<8x1024xf32>
        %add3A_1259 = arith.addf %mul3A_1257, %mul3A_1258 : vector<8x1024xf32>
        %mul3A_1260 = arith.mulf %sub3A_1254, %sub3A_1254 : vector<8x1024xf32>
        %add3A_1261 = arith.addf %add3A_1259, %mul3A_1260 : vector<8x1024xf32>
        %get3A_1262 = arith.constant 0 : index
        %get3A_1263 = arith.constant 5120 : index
        %get3A_1264 = vector.load %arg8[%get3A_1262, %get3A_1263] : memref<8x8192xf32, #tpu.memory_space<vmem>>, vector<8x1024xf32>
        %min3A_1265 = arith.minimumf %get3A_1264, %add3A_1261 : vector<8x1024xf32>
        %swap3A_1266 = arith.constant 0 : index
        %swap3A_1267 = arith.constant 5120 : index
        %swap3A_1268 = vector.load %arg8[%swap3A_1266, %swap3A_1267] : memref<8x8192xf32, #tpu.memory_space<vmem>>, vector<8x1024xf32>
        tpu.vector_store %arg8[%swap3A_1266, %swap3A_1267], %min3A_1265 {strides = array<i32>} : memref<8x8192xf32, #tpu.memory_space<vmem>>, vector<8x1024xf32>,
        %reduce_max3A_1269 = arith.constant dense<0xFF800000> : vector<8xf32>
        %reduce_max3A_1270 = vector.multi_reduction <maximumf>, %min3A_1265, %reduce_max3A_1269 [1] : vector<8x1024xf32> to vector<8xf32>
        %broadcast_in_dim3A_1271 = vector.shape_cast %reduce_max3A_1270 : vector<8xf32> to vector<8x1xf32>
        %eq3A_1272 = vector.broadcast %broadcast_in_dim3A_1271 : vector<8x1xf32> to vector<8x1024xf32>
        %eq3A_1273 = arith.cmpf oeq, %min3A_1265, %eq3A_1272 : vector<8x1024xf32>
        %jit3A_1274 = arith.constant 1024 : i32
        %broadcast_in_dim3A_1275 = vector.broadcast %jit3A_1274 : i32 to vector<8x1024xi32>
        %select_n3A_1276 = arith.select %eq3A_1273, %iota3A_2, %broadcast_in_dim3A_1275 : vector<8x1024xi1>, vector<8x1024xi32>
        %reduce_min3A_1277 = arith.constant dense<2147483647> : vector<8xi32>
        %reduce_min3A_1278 = vector.multi_reduction <minsi>, %select_n3A_1276, %reduce_min3A_1277 [1] : vector<8x1024xi32> to vector<8xi32>
        %broadcast_in_dim3A_1279 = vector.shape_cast %reduce_min3A_1278 : vector<8xi32> to vector<8x1xi32>
        %eq3A_1280 = vector.broadcast %broadcast_in_dim3A_1279 : vector<8x1xi32> to vector<8x1024xi32>
        %eq3A_1281 = arith.cmpi eq, %iota3A_2, %eq3A_1280 : vector<8x1024xi32>
        %jit3A_1282 = arith.constant 0.000000e+00 : f32
        %broadcast_in_dim3A_1283 = vector.broadcast %jit3A_1282 : f32 to vector<8x1024xf32>
        %select_n3A_1284 = arith.select %eq3A_1281, %get3A_1244, %broadcast_in_dim3A_1283 : vector<8x1024xi1>, vector<8x1024xf32>
        %reduce_sum3A_1285 = arith.constant dense<0.000000e+00> : vector<8xf32>
        %reduce_sum3A_1286 = vector.multi_reduction <add>, %select_n3A_1284, %reduce_sum3A_1285 [1] : vector<8x1024xf32> to vector<8xf32>
        %broadcast_in_dim3A_1287 = vector.shape_cast %reduce_sum3A_1286 : vector<8xf32> to vector<8x1xf32>
        %jit3A_1288 = arith.constant 0.000000e+00 : f32
        %broadcast_in_dim3A_1289 = vector.broadcast %jit3A_1288 : f32 to vector<8x1024xf32>
        %select_n3A_1290 = arith.select %eq3A_1281, %get3A_1247, %broadcast_in_dim3A_1289 : vector<8x1024xi1>, vector<8x1024xf32>
        %reduce_sum3A_1291 = arith.constant dense<0.000000e+00> : vector<8xf32>
        %reduce_sum3A_1292 = vector.multi_reduction <add>, %select_n3A_1290, %reduce_sum3A_1291 [1] : vector<8x1024xf32> to vector<8xf32>
        %broadcast_in_dim3A_1293 = vector.shape_cast %reduce_sum3A_1292 : vector<8xf32> to vector<8x1xf32>
        %jit3A_1294 = arith.constant 0.000000e+00 : f32
        %broadcast_in_dim3A_1295 = vector.broadcast %jit3A_1294 : f32 to vector<8x1024xf32>
        %select_n3A_1296 = arith.select %eq3A_1281, %get3A_1250, %broadcast_in_dim3A_1295 : vector<8x1024xi1>, vector<8x1024xf32>
        %reduce_sum3A_1297 = arith.constant dense<0.000000e+00> : vector<8xf32>
        %reduce_sum3A_1298 = vector.multi_reduction <add>, %select_n3A_1296, %reduce_sum3A_1297 [1] : vector<8x1024xf32> to vector<8xf32>
        %broadcast_in_dim3A_1299 = vector.shape_cast %reduce_sum3A_1298 : vector<8xf32> to vector<8x1xf32>
        %gt3A_1300 = arith.cmpf ogt, %broadcast_in_dim3A_1271, %select_n3A_1234 : vector<8x1xf32>
        %select_n3A_1301 = arith.select %gt3A_1300, %broadcast_in_dim3A_1271, %select_n3A_1234 : vector<8x1xi1>, vector<8x1xf32>
        %add3A_1302 = arith.constant 5120 : i32
        %add3A_1303 = vector.broadcast %add3A_1302 : i32 to vector<8x1xi32>
        %add3A_1304 = arith.addi %broadcast_in_dim3A_1279, %add3A_1303 : vector<8x1xi32>
        %select_n3A_1305 = arith.select %gt3A_1300, %add3A_1304, %select_n3A_1238 : vector<8x1xi1>, vector<8x1xi32>
        %select_n3A_1306 = arith.select %gt3A_1300, %broadcast_in_dim3A_1287, %select_n3A_1239 : vector<8x1xi1>, vector<8x1xf32>
        %select_n3A_1307 = arith.select %gt3A_1300, %broadcast_in_dim3A_1293, %select_n3A_1240 : vector<8x1xi1>, vector<8x1xf32>
        %select_n3A_1308 = arith.select %gt3A_1300, %broadcast_in_dim3A_1299, %select_n3A_1241 : vector<8x1xi1>, vector<8x1xf32>
        %get3A_1309 = arith.constant 0 : index
        %get3A_1310 = arith.constant 6144 : index
        %get3A_1311 = vector.load %arg0[%get3A_1309, %get3A_1310] : memref<8x8192xf32, #tpu.memory_space<vmem>>, vector<8x1024xf32>
        %get3A_1312 = arith.constant 0 : index
        %get3A_1313 = arith.constant 6144 : index
        %get3A_1314 = vector.load %arg1[%get3A_1312, %get3A_1313] : memref<8x8192xf32, #tpu.memory_space<vmem>>, vector<8x1024xf32>
        %get3A_1315 = arith.constant 0 : index
        %get3A_1316 = arith.constant 6144 : index
        %get3A_1317 = vector.load %arg2[%get3A_1315, %get3A_1316] : memref<8x8192xf32, #tpu.memory_space<vmem>>, vector<8x1024xf32>
        %sub3A_1318 = vector.broadcast %select_n3A_880 : vector<8x1xf32> to vector<8x1024xf32>
        %sub3A_1319 = arith.subf %get3A_1311, %sub3A_1318 : vector<8x1024xf32>
        %sub3A_1320 = vector.broadcast %select_n3A_881 : vector<8x1xf32> to vector<8x1024xf32>
        %sub3A_1321 = arith.subf %get3A_1314, %sub3A_1320 : vector<8x1024xf32>
        %sub3A_1322 = vector.broadcast %select_n3A_882 : vector<8x1xf32> to vector<8x1024xf32>
        %sub3A_1323 = arith.subf %get3A_1317, %sub3A_1322 : vector<8x1024xf32>
        %mul3A_1324 = arith.mulf %sub3A_1319, %sub3A_1319 : vector<8x1024xf32>
        %mul3A_1325 = arith.mulf %sub3A_1323, %sub3A_1323 : vector<8x1024xf32>
        %add3A_1326 = arith.addf %mul3A_1324, %mul3A_1325 : vector<8x1024xf32>
        %mul3A_1327 = arith.mulf %sub3A_1321, %sub3A_1321 : vector<8x1024xf32>
        %add3A_1328 = arith.addf %add3A_1326, %mul3A_1327 : vector<8x1024xf32>
        %get3A_1329 = arith.constant 0 : index
        %get3A_1330 = arith.constant 6144 : index
        %get3A_1331 = vector.load %arg8[%get3A_1329, %get3A_1330] : memref<8x8192xf32, #tpu.memory_space<vmem>>, vector<8x1024xf32>
        %min3A_1332 = arith.minimumf %get3A_1331, %add3A_1328 : vector<8x1024xf32>
        %swap3A_1333 = arith.constant 0 : index
        %swap3A_1334 = arith.constant 6144 : index
        %swap3A_1335 = vector.load %arg8[%swap3A_1333, %swap3A_1334] : memref<8x8192xf32, #tpu.memory_space<vmem>>, vector<8x1024xf32>
        tpu.vector_store %arg8[%swap3A_1333, %swap3A_1334], %min3A_1332 {strides = array<i32>} : memref<8x8192xf32, #tpu.memory_space<vmem>>, vector<8x1024xf32>,
        %reduce_max3A_1336 = arith.constant dense<0xFF800000> : vector<8xf32>
        %reduce_max3A_1337 = vector.multi_reduction <maximumf>, %min3A_1332, %reduce_max3A_1336 [1] : vector<8x1024xf32> to vector<8xf32>
        %broadcast_in_dim3A_1338 = vector.shape_cast %reduce_max3A_1337 : vector<8xf32> to vector<8x1xf32>
        %eq3A_1339 = vector.broadcast %broadcast_in_dim3A_1338 : vector<8x1xf32> to vector<8x1024xf32>
        %eq3A_1340 = arith.cmpf oeq, %min3A_1332, %eq3A_1339 : vector<8x1024xf32>
        %jit3A_1341 = arith.constant 1024 : i32
        %broadcast_in_dim3A_1342 = vector.broadcast %jit3A_1341 : i32 to vector<8x1024xi32>
        %select_n3A_1343 = arith.select %eq3A_1340, %iota3A_2, %broadcast_in_dim3A_1342 : vector<8x1024xi1>, vector<8x1024xi32>
        %reduce_min3A_1344 = arith.constant dense<2147483647> : vector<8xi32>
        %reduce_min3A_1345 = vector.multi_reduction <minsi>, %select_n3A_1343, %reduce_min3A_1344 [1] : vector<8x1024xi32> to vector<8xi32>
        %broadcast_in_dim3A_1346 = vector.shape_cast %reduce_min3A_1345 : vector<8xi32> to vector<8x1xi32>
        %eq3A_1347 = vector.broadcast %broadcast_in_dim3A_1346 : vector<8x1xi32> to vector<8x1024xi32>
        %eq3A_1348 = arith.cmpi eq, %iota3A_2, %eq3A_1347 : vector<8x1024xi32>
        %jit3A_1349 = arith.constant 0.000000e+00 : f32
        %broadcast_in_dim3A_1350 = vector.broadcast %jit3A_1349 : f32 to vector<8x1024xf32>
        %select_n3A_1351 = arith.select %eq3A_1348, %get3A_1311, %broadcast_in_dim3A_1350 : vector<8x1024xi1>, vector<8x1024xf32>
        %reduce_sum3A_1352 = arith.constant dense<0.000000e+00> : vector<8xf32>
        %reduce_sum3A_1353 = vector.multi_reduction <add>, %select_n3A_1351, %reduce_sum3A_1352 [1] : vector<8x1024xf32> to vector<8xf32>
        %broadcast_in_dim3A_1354 = vector.shape_cast %reduce_sum3A_1353 : vector<8xf32> to vector<8x1xf32>
        %jit3A_1355 = arith.constant 0.000000e+00 : f32
        %broadcast_in_dim3A_1356 = vector.broadcast %jit3A_1355 : f32 to vector<8x1024xf32>
        %select_n3A_1357 = arith.select %eq3A_1348, %get3A_1314, %broadcast_in_dim3A_1356 : vector<8x1024xi1>, vector<8x1024xf32>
        %reduce_sum3A_1358 = arith.constant dense<0.000000e+00> : vector<8xf32>
        %reduce_sum3A_1359 = vector.multi_reduction <add>, %select_n3A_1357, %reduce_sum3A_1358 [1] : vector<8x1024xf32> to vector<8xf32>
        %broadcast_in_dim3A_1360 = vector.shape_cast %reduce_sum3A_1359 : vector<8xf32> to vector<8x1xf32>
        %jit3A_1361 = arith.constant 0.000000e+00 : f32
        %broadcast_in_dim3A_1362 = vector.broadcast %jit3A_1361 : f32 to vector<8x1024xf32>
        %select_n3A_1363 = arith.select %eq3A_1348, %get3A_1317, %broadcast_in_dim3A_1362 : vector<8x1024xi1>, vector<8x1024xf32>
        %reduce_sum3A_1364 = arith.constant dense<0.000000e+00> : vector<8xf32>
        %reduce_sum3A_1365 = vector.multi_reduction <add>, %select_n3A_1363, %reduce_sum3A_1364 [1] : vector<8x1024xf32> to vector<8xf32>
        %broadcast_in_dim3A_1366 = vector.shape_cast %reduce_sum3A_1365 : vector<8xf32> to vector<8x1xf32>
        %gt3A_1367 = arith.cmpf ogt, %broadcast_in_dim3A_1338, %select_n3A_1301 : vector<8x1xf32>
        %select_n3A_1368 = arith.select %gt3A_1367, %broadcast_in_dim3A_1338, %select_n3A_1301 : vector<8x1xi1>, vector<8x1xf32>
        %add3A_1369 = arith.constant 6144 : i32
        %add3A_1370 = vector.broadcast %add3A_1369 : i32 to vector<8x1xi32>
        %add3A_1371 = arith.addi %broadcast_in_dim3A_1346, %add3A_1370 : vector<8x1xi32>
        %select_n3A_1372 = arith.select %gt3A_1367, %add3A_1371, %select_n3A_1305 : vector<8x1xi1>, vector<8x1xi32>
        %select_n3A_1373 = arith.select %gt3A_1367, %broadcast_in_dim3A_1354, %select_n3A_1306 : vector<8x1xi1>, vector<8x1xf32>
        %select_n3A_1374 = arith.select %gt3A_1367, %broadcast_in_dim3A_1360, %select_n3A_1307 : vector<8x1xi1>, vector<8x1xf32>
        %select_n3A_1375 = arith.select %gt3A_1367, %broadcast_in_dim3A_1366, %select_n3A_1308 : vector<8x1xi1>, vector<8x1xf32>
        %get3A_1376 = arith.constant 0 : index
        %get3A_1377 = arith.constant 7168 : index
        %get3A_1378 = vector.load %arg0[%get3A_1376, %get3A_1377] : memref<8x8192xf32, #tpu.memory_space<vmem>>, vector<8x1024xf32>
        %get3A_1379 = arith.constant 0 : index
        %get3A_1380 = arith.constant 7168 : index
        %get3A_1381 = vector.load %arg1[%get3A_1379, %get3A_1380] : memref<8x8192xf32, #tpu.memory_space<vmem>>, vector<8x1024xf32>
        %get3A_1382 = arith.constant 0 : index
        %get3A_1383 = arith.constant 7168 : index
        %get3A_1384 = vector.load %arg2[%get3A_1382, %get3A_1383] : memref<8x8192xf32, #tpu.memory_space<vmem>>, vector<8x1024xf32>
        %sub3A_1385 = vector.broadcast %select_n3A_880 : vector<8x1xf32> to vector<8x1024xf32>
        %sub3A_1386 = arith.subf %get3A_1378, %sub3A_1385 : vector<8x1024xf32>
        %sub3A_1387 = vector.broadcast %select_n3A_881 : vector<8x1xf32> to vector<8x1024xf32>
        %sub3A_1388 = arith.subf %get3A_1381, %sub3A_1387 : vector<8x1024xf32>
        %sub3A_1389 = vector.broadcast %select_n3A_882 : vector<8x1xf32> to vector<8x1024xf32>
        %sub3A_1390 = arith.subf %get3A_1384, %sub3A_1389 : vector<8x1024xf32>
        %mul3A_1391 = arith.mulf %sub3A_1386, %sub3A_1386 : vector<8x1024xf32>
        %mul3A_1392 = arith.mulf %sub3A_1390, %sub3A_1390 : vector<8x1024xf32>
        %add3A_1393 = arith.addf %mul3A_1391, %mul3A_1392 : vector<8x1024xf32>
        %mul3A_1394 = arith.mulf %sub3A_1388, %sub3A_1388 : vector<8x1024xf32>
        %add3A_1395 = arith.addf %add3A_1393, %mul3A_1394 : vector<8x1024xf32>
        %get3A_1396 = arith.constant 0 : index
        %get3A_1397 = arith.constant 7168 : index
        %get3A_1398 = vector.load %arg8[%get3A_1396, %get3A_1397] : memref<8x8192xf32, #tpu.memory_space<vmem>>, vector<8x1024xf32>
        %min3A_1399 = arith.minimumf %get3A_1398, %add3A_1395 : vector<8x1024xf32>
        %swap3A_1400 = arith.constant 0 : index
        %swap3A_1401 = arith.constant 7168 : index
        %swap3A_1402 = vector.load %arg8[%swap3A_1400, %swap3A_1401] : memref<8x8192xf32, #tpu.memory_space<vmem>>, vector<8x1024xf32>
        tpu.vector_store %arg8[%swap3A_1400, %swap3A_1401], %min3A_1399 {strides = array<i32>} : memref<8x8192xf32, #tpu.memory_space<vmem>>, vector<8x1024xf32>,
        %reduce_max3A_1403 = arith.constant dense<0xFF800000> : vector<8xf32>
        %reduce_max3A_1404 = vector.multi_reduction <maximumf>, %min3A_1399, %reduce_max3A_1403 [1] : vector<8x1024xf32> to vector<8xf32>
        %broadcast_in_dim3A_1405 = vector.shape_cast %reduce_max3A_1404 : vector<8xf32> to vector<8x1xf32>
        %eq3A_1406 = vector.broadcast %broadcast_in_dim3A_1405 : vector<8x1xf32> to vector<8x1024xf32>
        %eq3A_1407 = arith.cmpf oeq, %min3A_1399, %eq3A_1406 : vector<8x1024xf32>
        %jit3A_1408 = arith.constant 1024 : i32
        %broadcast_in_dim3A_1409 = vector.broadcast %jit3A_1408 : i32 to vector<8x1024xi32>
        %select_n3A_1410 = arith.select %eq3A_1407, %iota3A_2, %broadcast_in_dim3A_1409 : vector<8x1024xi1>, vector<8x1024xi32>
        %reduce_min3A_1411 = arith.constant dense<2147483647> : vector<8xi32>
        %reduce_min3A_1412 = vector.multi_reduction <minsi>, %select_n3A_1410, %reduce_min3A_1411 [1] : vector<8x1024xi32> to vector<8xi32>
        %broadcast_in_dim3A_1413 = vector.shape_cast %reduce_min3A_1412 : vector<8xi32> to vector<8x1xi32>
        %eq3A_1414 = vector.broadcast %broadcast_in_dim3A_1413 : vector<8x1xi32> to vector<8x1024xi32>
        %eq3A_1415 = arith.cmpi eq, %iota3A_2, %eq3A_1414 : vector<8x1024xi32>
        %jit3A_1416 = arith.constant 0.000000e+00 : f32
        %broadcast_in_dim3A_1417 = vector.broadcast %jit3A_1416 : f32 to vector<8x1024xf32>
        %select_n3A_1418 = arith.select %eq3A_1415, %get3A_1378, %broadcast_in_dim3A_1417 : vector<8x1024xi1>, vector<8x1024xf32>
        %reduce_sum3A_1419 = arith.constant dense<0.000000e+00> : vector<8xf32>
        %reduce_sum3A_1420 = vector.multi_reduction <add>, %select_n3A_1418, %reduce_sum3A_1419 [1] : vector<8x1024xf32> to vector<8xf32>
        %broadcast_in_dim3A_1421 = vector.shape_cast %reduce_sum3A_1420 : vector<8xf32> to vector<8x1xf32>
        %jit3A_1422 = arith.constant 0.000000e+00 : f32
        %broadcast_in_dim3A_1423 = vector.broadcast %jit3A_1422 : f32 to vector<8x1024xf32>
        %select_n3A_1424 = arith.select %eq3A_1415, %get3A_1381, %broadcast_in_dim3A_1423 : vector<8x1024xi1>, vector<8x1024xf32>
        %reduce_sum3A_1425 = arith.constant dense<0.000000e+00> : vector<8xf32>
        %reduce_sum3A_1426 = vector.multi_reduction <add>, %select_n3A_1424, %reduce_sum3A_1425 [1] : vector<8x1024xf32> to vector<8xf32>
        %broadcast_in_dim3A_1427 = vector.shape_cast %reduce_sum3A_1426 : vector<8xf32> to vector<8x1xf32>
        %jit3A_1428 = arith.constant 0.000000e+00 : f32
        %broadcast_in_dim3A_1429 = vector.broadcast %jit3A_1428 : f32 to vector<8x1024xf32>
        %select_n3A_1430 = arith.select %eq3A_1415, %get3A_1384, %broadcast_in_dim3A_1429 : vector<8x1024xi1>, vector<8x1024xf32>
        %reduce_sum3A_1431 = arith.constant dense<0.000000e+00> : vector<8xf32>
        %reduce_sum3A_1432 = vector.multi_reduction <add>, %select_n3A_1430, %reduce_sum3A_1431 [1] : vector<8x1024xf32> to vector<8xf32>
        %broadcast_in_dim3A_1433 = vector.shape_cast %reduce_sum3A_1432 : vector<8xf32> to vector<8x1xf32>
        %gt3A_1434 = arith.cmpf ogt, %broadcast_in_dim3A_1405, %select_n3A_1368 : vector<8x1xf32>
        %add3A_1435 = arith.constant 7168 : i32
        %add3A_1436 = vector.broadcast %add3A_1435 : i32 to vector<8x1xi32>
        %add3A_1437 = arith.addi %broadcast_in_dim3A_1413, %add3A_1436 : vector<8x1xi32>
        %select_n3A_1438 = arith.select %gt3A_1434, %add3A_1437, %select_n3A_1372 : vector<8x1xi1>, vector<8x1xi32>
        %select_n3A_1439 = arith.select %gt3A_1434, %broadcast_in_dim3A_1421, %select_n3A_1373 : vector<8x1xi1>, vector<8x1xf32>
        %select_n3A_1440 = arith.select %gt3A_1434, %broadcast_in_dim3A_1427, %select_n3A_1374 : vector<8x1xi1>, vector<8x1xf32>
        %select_n3A_1441 = arith.select %gt3A_1434, %broadcast_in_dim3A_1433, %select_n3A_1375 : vector<8x1xi1>, vector<8x1xf32>
        %scan3A_1442 = arith.constant 2 : i32
        %scan3A_1443 = arith.addi %scan3A_322, %scan3A_1442 : i32
        %eq3A_1444 = vector.broadcast %scan3A_1443 : i32 to vector<8x128xi32>
        %eq3A_1445 = arith.cmpi eq, %iota3A, %eq3A_1444 : vector<8x128xi32>
        %broadcast_in_dim3A_1446 = vector.shape_cast %select_n3A_1438 : vector<8x1xi32> to vector<8x1xi32>
        %broadcast_in_dim3A_1447 = vector.broadcast %broadcast_in_dim3A_1446 : vector<8x1xi32> to vector<8x128xi32>
        %select_n3A_1448 = arith.select %eq3A_1445, %broadcast_in_dim3A_1447, %select_n3A_889 : vector<8x128xi1>, vector<8x128xi32>
        %broadcast_in_dim3A_1449 = vector.shape_cast %select_n3A_1439 : vector<8x1xf32> to vector<8x1xf32>
        %broadcast_in_dim3A_1450 = vector.broadcast %broadcast_in_dim3A_1449 : vector<8x1xf32> to vector<8x128xf32>
        %select_n3A_1451 = arith.select %eq3A_1445, %broadcast_in_dim3A_1450, %select_n3A_892 : vector<8x128xi1>, vector<8x128xf32>
        %broadcast_in_dim3A_1452 = vector.shape_cast %select_n3A_1440 : vector<8x1xf32> to vector<8x1xf32>
        %broadcast_in_dim3A_1453 = vector.broadcast %broadcast_in_dim3A_1452 : vector<8x1xf32> to vector<8x128xf32>
        %select_n3A_1454 = arith.select %eq3A_1445, %broadcast_in_dim3A_1453, %select_n3A_895 : vector<8x128xi1>, vector<8x128xf32>
        %broadcast_in_dim3A_1455 = vector.shape_cast %select_n3A_1441 : vector<8x1xf32> to vector<8x1xf32>
        %broadcast_in_dim3A_1456 = vector.broadcast %broadcast_in_dim3A_1455 : vector<8x1xf32> to vector<8x128xf32>
        %select_n3A_1457 = arith.select %eq3A_1445, %broadcast_in_dim3A_1456, %select_n3A_898 : vector<8x128xi1>, vector<8x128xf32>
        %broadcast_in_dim3A_1458 = arith.constant -1.000000e+00 : f32
        %broadcast_in_dim3A_1459 = vector.broadcast %broadcast_in_dim3A_1458 : f32 to vector<8x1xf32>
        %broadcast_in_dim3A_1460 = arith.constant 0.000000e+00 : f32
        %broadcast_in_dim3A_1461 = vector.broadcast %broadcast_in_dim3A_1460 : f32 to vector<8x1xf32>
        %broadcast_in_dim3A_1462 = arith.constant 0.000000e+00 : f32
        %broadcast_in_dim3A_1463 = vector.broadcast %broadcast_in_dim3A_1462 : f32 to vector<8x1xf32>
        %broadcast_in_dim3A_1464 = arith.constant 0.000000e+00 : f32
        %broadcast_in_dim3A_1465 = vector.broadcast %broadcast_in_dim3A_1464 : f32 to vector<8x1xf32>
        %get3A_1466 = arith.constant 0 : index
        %get3A_1467 = arith.constant 0 : index
        %get3A_1468 = vector.load %arg0[%get3A_1466, %get3A_1467] : memref<8x8192xf32, #tpu.memory_space<vmem>>, vector<8x1024xf32>
        %get3A_1469 = arith.constant 0 : index
        %get3A_1470 = arith.constant 0 : index
        %get3A_1471 = vector.load %arg1[%get3A_1469, %get3A_1470] : memref<8x8192xf32, #tpu.memory_space<vmem>>, vector<8x1024xf32>
        %get3A_1472 = arith.constant 0 : index
        %get3A_1473 = arith.constant 0 : index
        %get3A_1474 = vector.load %arg2[%get3A_1472, %get3A_1473] : memref<8x8192xf32, #tpu.memory_space<vmem>>, vector<8x1024xf32>
        %sub3A_1475 = vector.broadcast %select_n3A_1439 : vector<8x1xf32> to vector<8x1024xf32>
        %sub3A_1476 = arith.subf %get3A_1468, %sub3A_1475 : vector<8x1024xf32>
        %sub3A_1477 = vector.broadcast %select_n3A_1440 : vector<8x1xf32> to vector<8x1024xf32>
        %sub3A_1478 = arith.subf %get3A_1471, %sub3A_1477 : vector<8x1024xf32>
        %sub3A_1479 = vector.broadcast %select_n3A_1441 : vector<8x1xf32> to vector<8x1024xf32>
        %sub3A_1480 = arith.subf %get3A_1474, %sub3A_1479 : vector<8x1024xf32>
        %mul3A_1481 = arith.mulf %sub3A_1476, %sub3A_1476 : vector<8x1024xf32>
        %mul3A_1482 = arith.mulf %sub3A_1480, %sub3A_1480 : vector<8x1024xf32>
        %add3A_1483 = arith.addf %mul3A_1481, %mul3A_1482 : vector<8x1024xf32>
        %mul3A_1484 = arith.mulf %sub3A_1478, %sub3A_1478 : vector<8x1024xf32>
        %add3A_1485 = arith.addf %add3A_1483, %mul3A_1484 : vector<8x1024xf32>
        %get3A_1486 = arith.constant 0 : index
        %get3A_1487 = arith.constant 0 : index
        %get3A_1488 = vector.load %arg8[%get3A_1486, %get3A_1487] : memref<8x8192xf32, #tpu.memory_space<vmem>>, vector<8x1024xf32>
        %min3A_1489 = arith.minimumf %get3A_1488, %add3A_1485 : vector<8x1024xf32>
        %swap3A_1490 = arith.constant 0 : index
        %swap3A_1491 = arith.constant 0 : index
        %swap3A_1492 = vector.load %arg8[%swap3A_1490, %swap3A_1491] : memref<8x8192xf32, #tpu.memory_space<vmem>>, vector<8x1024xf32>
        tpu.vector_store %arg8[%swap3A_1490, %swap3A_1491], %min3A_1489 {strides = array<i32>} : memref<8x8192xf32, #tpu.memory_space<vmem>>, vector<8x1024xf32>,
        %reduce_max3A_1493 = arith.constant dense<0xFF800000> : vector<8xf32>
        %reduce_max3A_1494 = vector.multi_reduction <maximumf>, %min3A_1489, %reduce_max3A_1493 [1] : vector<8x1024xf32> to vector<8xf32>
        %broadcast_in_dim3A_1495 = vector.shape_cast %reduce_max3A_1494 : vector<8xf32> to vector<8x1xf32>
        %eq3A_1496 = vector.broadcast %broadcast_in_dim3A_1495 : vector<8x1xf32> to vector<8x1024xf32>
        %eq3A_1497 = arith.cmpf oeq, %min3A_1489, %eq3A_1496 : vector<8x1024xf32>
        %jit3A_1498 = arith.constant 1024 : i32
        %broadcast_in_dim3A_1499 = vector.broadcast %jit3A_1498 : i32 to vector<8x1024xi32>
        %select_n3A_1500 = arith.select %eq3A_1497, %iota3A_2, %broadcast_in_dim3A_1499 : vector<8x1024xi1>, vector<8x1024xi32>
        %reduce_min3A_1501 = arith.constant dense<2147483647> : vector<8xi32>
        %reduce_min3A_1502 = vector.multi_reduction <minsi>, %select_n3A_1500, %reduce_min3A_1501 [1] : vector<8x1024xi32> to vector<8xi32>
        %broadcast_in_dim3A_1503 = vector.shape_cast %reduce_min3A_1502 : vector<8xi32> to vector<8x1xi32>
        %eq3A_1504 = vector.broadcast %broadcast_in_dim3A_1503 : vector<8x1xi32> to vector<8x1024xi32>
        %eq3A_1505 = arith.cmpi eq, %iota3A_2, %eq3A_1504 : vector<8x1024xi32>
        %jit3A_1506 = arith.constant 0.000000e+00 : f32
        %broadcast_in_dim3A_1507 = vector.broadcast %jit3A_1506 : f32 to vector<8x1024xf32>
        %select_n3A_1508 = arith.select %eq3A_1505, %get3A_1468, %broadcast_in_dim3A_1507 : vector<8x1024xi1>, vector<8x1024xf32>
        %reduce_sum3A_1509 = arith.constant dense<0.000000e+00> : vector<8xf32>
        %reduce_sum3A_1510 = vector.multi_reduction <add>, %select_n3A_1508, %reduce_sum3A_1509 [1] : vector<8x1024xf32> to vector<8xf32>
        %broadcast_in_dim3A_1511 = vector.shape_cast %reduce_sum3A_1510 : vector<8xf32> to vector<8x1xf32>
        %jit3A_1512 = arith.constant 0.000000e+00 : f32
        %broadcast_in_dim3A_1513 = vector.broadcast %jit3A_1512 : f32 to vector<8x1024xf32>
        %select_n3A_1514 = arith.select %eq3A_1505, %get3A_1471, %broadcast_in_dim3A_1513 : vector<8x1024xi1>, vector<8x1024xf32>
        %reduce_sum3A_1515 = arith.constant dense<0.000000e+00> : vector<8xf32>
        %reduce_sum3A_1516 = vector.multi_reduction <add>, %select_n3A_1514, %reduce_sum3A_1515 [1] : vector<8x1024xf32> to vector<8xf32>
        %broadcast_in_dim3A_1517 = vector.shape_cast %reduce_sum3A_1516 : vector<8xf32> to vector<8x1xf32>
        %jit3A_1518 = arith.constant 0.000000e+00 : f32
        %broadcast_in_dim3A_1519 = vector.broadcast %jit3A_1518 : f32 to vector<8x1024xf32>
        %select_n3A_1520 = arith.select %eq3A_1505, %get3A_1474, %broadcast_in_dim3A_1519 : vector<8x1024xi1>, vector<8x1024xf32>
        %reduce_sum3A_1521 = arith.constant dense<0.000000e+00> : vector<8xf32>
        %reduce_sum3A_1522 = vector.multi_reduction <add>, %select_n3A_1520, %reduce_sum3A_1521 [1] : vector<8x1024xf32> to vector<8xf32>
        %broadcast_in_dim3A_1523 = vector.shape_cast %reduce_sum3A_1522 : vector<8xf32> to vector<8x1xf32>
        %gt3A_1524 = arith.cmpf ogt, %broadcast_in_dim3A_1495, %broadcast_in_dim3A_1459 : vector<8x1xf32>
        %select_n3A_1525 = arith.select %gt3A_1524, %broadcast_in_dim3A_1495, %broadcast_in_dim3A_1459 : vector<8x1xi1>, vector<8x1xf32>
        %add3A_1526 = arith.constant 0 : i32
        %add3A_1527 = vector.broadcast %add3A_1526 : i32 to vector<8x1xi32>
        %add3A_1528 = arith.addi %broadcast_in_dim3A_1503, %add3A_1527 : vector<8x1xi32>
        %select_n3A_1529 = arith.select %gt3A_1524, %add3A_1528, %broadcast_in_dim3A_3 : vector<8x1xi1>, vector<8x1xi32>
        %select_n3A_1530 = arith.select %gt3A_1524, %broadcast_in_dim3A_1511, %broadcast_in_dim3A_1461 : vector<8x1xi1>, vector<8x1xf32>
        %select_n3A_1531 = arith.select %gt3A_1524, %broadcast_in_dim3A_1517, %broadcast_in_dim3A_1463 : vector<8x1xi1>, vector<8x1xf32>
        %select_n3A_1532 = arith.select %gt3A_1524, %broadcast_in_dim3A_1523, %broadcast_in_dim3A_1465 : vector<8x1xi1>, vector<8x1xf32>
        %get3A_1533 = arith.constant 0 : index
        %get3A_1534 = arith.constant 1024 : index
        %get3A_1535 = vector.load %arg0[%get3A_1533, %get3A_1534] : memref<8x8192xf32, #tpu.memory_space<vmem>>, vector<8x1024xf32>
        %get3A_1536 = arith.constant 0 : index
        %get3A_1537 = arith.constant 1024 : index
        %get3A_1538 = vector.load %arg1[%get3A_1536, %get3A_1537] : memref<8x8192xf32, #tpu.memory_space<vmem>>, vector<8x1024xf32>
        %get3A_1539 = arith.constant 0 : index
        %get3A_1540 = arith.constant 1024 : index
        %get3A_1541 = vector.load %arg2[%get3A_1539, %get3A_1540] : memref<8x8192xf32, #tpu.memory_space<vmem>>, vector<8x1024xf32>
        %sub3A_1542 = vector.broadcast %select_n3A_1439 : vector<8x1xf32> to vector<8x1024xf32>
        %sub3A_1543 = arith.subf %get3A_1535, %sub3A_1542 : vector<8x1024xf32>
        %sub3A_1544 = vector.broadcast %select_n3A_1440 : vector<8x1xf32> to vector<8x1024xf32>
        %sub3A_1545 = arith.subf %get3A_1538, %sub3A_1544 : vector<8x1024xf32>
        %sub3A_1546 = vector.broadcast %select_n3A_1441 : vector<8x1xf32> to vector<8x1024xf32>
        %sub3A_1547 = arith.subf %get3A_1541, %sub3A_1546 : vector<8x1024xf32>
        %mul3A_1548 = arith.mulf %sub3A_1543, %sub3A_1543 : vector<8x1024xf32>
        %mul3A_1549 = arith.mulf %sub3A_1547, %sub3A_1547 : vector<8x1024xf32>
        %add3A_1550 = arith.addf %mul3A_1548, %mul3A_1549 : vector<8x1024xf32>
        %mul3A_1551 = arith.mulf %sub3A_1545, %sub3A_1545 : vector<8x1024xf32>
        %add3A_1552 = arith.addf %add3A_1550, %mul3A_1551 : vector<8x1024xf32>
        %get3A_1553 = arith.constant 0 : index
        %get3A_1554 = arith.constant 1024 : index
        %get3A_1555 = vector.load %arg8[%get3A_1553, %get3A_1554] : memref<8x8192xf32, #tpu.memory_space<vmem>>, vector<8x1024xf32>
        %min3A_1556 = arith.minimumf %get3A_1555, %add3A_1552 : vector<8x1024xf32>
        %swap3A_1557 = arith.constant 0 : index
        %swap3A_1558 = arith.constant 1024 : index
        %swap3A_1559 = vector.load %arg8[%swap3A_1557, %swap3A_1558] : memref<8x8192xf32, #tpu.memory_space<vmem>>, vector<8x1024xf32>
        tpu.vector_store %arg8[%swap3A_1557, %swap3A_1558], %min3A_1556 {strides = array<i32>} : memref<8x8192xf32, #tpu.memory_space<vmem>>, vector<8x1024xf32>,
        %reduce_max3A_1560 = arith.constant dense<0xFF800000> : vector<8xf32>
        %reduce_max3A_1561 = vector.multi_reduction <maximumf>, %min3A_1556, %reduce_max3A_1560 [1] : vector<8x1024xf32> to vector<8xf32>
        %broadcast_in_dim3A_1562 = vector.shape_cast %reduce_max3A_1561 : vector<8xf32> to vector<8x1xf32>
        %eq3A_1563 = vector.broadcast %broadcast_in_dim3A_1562 : vector<8x1xf32> to vector<8x1024xf32>
        %eq3A_1564 = arith.cmpf oeq, %min3A_1556, %eq3A_1563 : vector<8x1024xf32>
        %jit3A_1565 = arith.constant 1024 : i32
        %broadcast_in_dim3A_1566 = vector.broadcast %jit3A_1565 : i32 to vector<8x1024xi32>
        %select_n3A_1567 = arith.select %eq3A_1564, %iota3A_2, %broadcast_in_dim3A_1566 : vector<8x1024xi1>, vector<8x1024xi32>
        %reduce_min3A_1568 = arith.constant dense<2147483647> : vector<8xi32>
        %reduce_min3A_1569 = vector.multi_reduction <minsi>, %select_n3A_1567, %reduce_min3A_1568 [1] : vector<8x1024xi32> to vector<8xi32>
        %broadcast_in_dim3A_1570 = vector.shape_cast %reduce_min3A_1569 : vector<8xi32> to vector<8x1xi32>
        %eq3A_1571 = vector.broadcast %broadcast_in_dim3A_1570 : vector<8x1xi32> to vector<8x1024xi32>
        %eq3A_1572 = arith.cmpi eq, %iota3A_2, %eq3A_1571 : vector<8x1024xi32>
        %jit3A_1573 = arith.constant 0.000000e+00 : f32
        %broadcast_in_dim3A_1574 = vector.broadcast %jit3A_1573 : f32 to vector<8x1024xf32>
        %select_n3A_1575 = arith.select %eq3A_1572, %get3A_1535, %broadcast_in_dim3A_1574 : vector<8x1024xi1>, vector<8x1024xf32>
        %reduce_sum3A_1576 = arith.constant dense<0.000000e+00> : vector<8xf32>
        %reduce_sum3A_1577 = vector.multi_reduction <add>, %select_n3A_1575, %reduce_sum3A_1576 [1] : vector<8x1024xf32> to vector<8xf32>
        %broadcast_in_dim3A_1578 = vector.shape_cast %reduce_sum3A_1577 : vector<8xf32> to vector<8x1xf32>
        %jit3A_1579 = arith.constant 0.000000e+00 : f32
        %broadcast_in_dim3A_1580 = vector.broadcast %jit3A_1579 : f32 to vector<8x1024xf32>
        %select_n3A_1581 = arith.select %eq3A_1572, %get3A_1538, %broadcast_in_dim3A_1580 : vector<8x1024xi1>, vector<8x1024xf32>
        %reduce_sum3A_1582 = arith.constant dense<0.000000e+00> : vector<8xf32>
        %reduce_sum3A_1583 = vector.multi_reduction <add>, %select_n3A_1581, %reduce_sum3A_1582 [1] : vector<8x1024xf32> to vector<8xf32>
        %broadcast_in_dim3A_1584 = vector.shape_cast %reduce_sum3A_1583 : vector<8xf32> to vector<8x1xf32>
        %jit3A_1585 = arith.constant 0.000000e+00 : f32
        %broadcast_in_dim3A_1586 = vector.broadcast %jit3A_1585 : f32 to vector<8x1024xf32>
        %select_n3A_1587 = arith.select %eq3A_1572, %get3A_1541, %broadcast_in_dim3A_1586 : vector<8x1024xi1>, vector<8x1024xf32>
        %reduce_sum3A_1588 = arith.constant dense<0.000000e+00> : vector<8xf32>
        %reduce_sum3A_1589 = vector.multi_reduction <add>, %select_n3A_1587, %reduce_sum3A_1588 [1] : vector<8x1024xf32> to vector<8xf32>
        %broadcast_in_dim3A_1590 = vector.shape_cast %reduce_sum3A_1589 : vector<8xf32> to vector<8x1xf32>
        %gt3A_1591 = arith.cmpf ogt, %broadcast_in_dim3A_1562, %select_n3A_1525 : vector<8x1xf32>
        %select_n3A_1592 = arith.select %gt3A_1591, %broadcast_in_dim3A_1562, %select_n3A_1525 : vector<8x1xi1>, vector<8x1xf32>
        %add3A_1593 = arith.constant 1024 : i32
        %add3A_1594 = vector.broadcast %add3A_1593 : i32 to vector<8x1xi32>
        %add3A_1595 = arith.addi %broadcast_in_dim3A_1570, %add3A_1594 : vector<8x1xi32>
        %select_n3A_1596 = arith.select %gt3A_1591, %add3A_1595, %select_n3A_1529 : vector<8x1xi1>, vector<8x1xi32>
        %select_n3A_1597 = arith.select %gt3A_1591, %broadcast_in_dim3A_1578, %select_n3A_1530 : vector<8x1xi1>, vector<8x1xf32>
        %select_n3A_1598 = arith.select %gt3A_1591, %broadcast_in_dim3A_1584, %select_n3A_1531 : vector<8x1xi1>, vector<8x1xf32>
        %select_n3A_1599 = arith.select %gt3A_1591, %broadcast_in_dim3A_1590, %select_n3A_1532 : vector<8x1xi1>, vector<8x1xf32>
        %get3A_1600 = arith.constant 0 : index
        %get3A_1601 = arith.constant 2048 : index
        %get3A_1602 = vector.load %arg0[%get3A_1600, %get3A_1601] : memref<8x8192xf32, #tpu.memory_space<vmem>>, vector<8x1024xf32>
        %get3A_1603 = arith.constant 0 : index
        %get3A_1604 = arith.constant 2048 : index
        %get3A_1605 = vector.load %arg1[%get3A_1603, %get3A_1604] : memref<8x8192xf32, #tpu.memory_space<vmem>>, vector<8x1024xf32>
        %get3A_1606 = arith.constant 0 : index
        %get3A_1607 = arith.constant 2048 : index
        %get3A_1608 = vector.load %arg2[%get3A_1606, %get3A_1607] : memref<8x8192xf32, #tpu.memory_space<vmem>>, vector<8x1024xf32>
        %sub3A_1609 = vector.broadcast %select_n3A_1439 : vector<8x1xf32> to vector<8x1024xf32>
        %sub3A_1610 = arith.subf %get3A_1602, %sub3A_1609 : vector<8x1024xf32>
        %sub3A_1611 = vector.broadcast %select_n3A_1440 : vector<8x1xf32> to vector<8x1024xf32>
        %sub3A_1612 = arith.subf %get3A_1605, %sub3A_1611 : vector<8x1024xf32>
        %sub3A_1613 = vector.broadcast %select_n3A_1441 : vector<8x1xf32> to vector<8x1024xf32>
        %sub3A_1614 = arith.subf %get3A_1608, %sub3A_1613 : vector<8x1024xf32>
        %mul3A_1615 = arith.mulf %sub3A_1610, %sub3A_1610 : vector<8x1024xf32>
        %mul3A_1616 = arith.mulf %sub3A_1614, %sub3A_1614 : vector<8x1024xf32>
        %add3A_1617 = arith.addf %mul3A_1615, %mul3A_1616 : vector<8x1024xf32>
        %mul3A_1618 = arith.mulf %sub3A_1612, %sub3A_1612 : vector<8x1024xf32>
        %add3A_1619 = arith.addf %add3A_1617, %mul3A_1618 : vector<8x1024xf32>
        %get3A_1620 = arith.constant 0 : index
        %get3A_1621 = arith.constant 2048 : index
        %get3A_1622 = vector.load %arg8[%get3A_1620, %get3A_1621] : memref<8x8192xf32, #tpu.memory_space<vmem>>, vector<8x1024xf32>
        %min3A_1623 = arith.minimumf %get3A_1622, %add3A_1619 : vector<8x1024xf32>
        %swap3A_1624 = arith.constant 0 : index
        %swap3A_1625 = arith.constant 2048 : index
        %swap3A_1626 = vector.load %arg8[%swap3A_1624, %swap3A_1625] : memref<8x8192xf32, #tpu.memory_space<vmem>>, vector<8x1024xf32>
        tpu.vector_store %arg8[%swap3A_1624, %swap3A_1625], %min3A_1623 {strides = array<i32>} : memref<8x8192xf32, #tpu.memory_space<vmem>>, vector<8x1024xf32>,
        %reduce_max3A_1627 = arith.constant dense<0xFF800000> : vector<8xf32>
        %reduce_max3A_1628 = vector.multi_reduction <maximumf>, %min3A_1623, %reduce_max3A_1627 [1] : vector<8x1024xf32> to vector<8xf32>
        %broadcast_in_dim3A_1629 = vector.shape_cast %reduce_max3A_1628 : vector<8xf32> to vector<8x1xf32>
        %eq3A_1630 = vector.broadcast %broadcast_in_dim3A_1629 : vector<8x1xf32> to vector<8x1024xf32>
        %eq3A_1631 = arith.cmpf oeq, %min3A_1623, %eq3A_1630 : vector<8x1024xf32>
        %jit3A_1632 = arith.constant 1024 : i32
        %broadcast_in_dim3A_1633 = vector.broadcast %jit3A_1632 : i32 to vector<8x1024xi32>
        %select_n3A_1634 = arith.select %eq3A_1631, %iota3A_2, %broadcast_in_dim3A_1633 : vector<8x1024xi1>, vector<8x1024xi32>
        %reduce_min3A_1635 = arith.constant dense<2147483647> : vector<8xi32>
        %reduce_min3A_1636 = vector.multi_reduction <minsi>, %select_n3A_1634, %reduce_min3A_1635 [1] : vector<8x1024xi32> to vector<8xi32>
        %broadcast_in_dim3A_1637 = vector.shape_cast %reduce_min3A_1636 : vector<8xi32> to vector<8x1xi32>
        %eq3A_1638 = vector.broadcast %broadcast_in_dim3A_1637 : vector<8x1xi32> to vector<8x1024xi32>
        %eq3A_1639 = arith.cmpi eq, %iota3A_2, %eq3A_1638 : vector<8x1024xi32>
        %jit3A_1640 = arith.constant 0.000000e+00 : f32
        %broadcast_in_dim3A_1641 = vector.broadcast %jit3A_1640 : f32 to vector<8x1024xf32>
        %select_n3A_1642 = arith.select %eq3A_1639, %get3A_1602, %broadcast_in_dim3A_1641 : vector<8x1024xi1>, vector<8x1024xf32>
        %reduce_sum3A_1643 = arith.constant dense<0.000000e+00> : vector<8xf32>
        %reduce_sum3A_1644 = vector.multi_reduction <add>, %select_n3A_1642, %reduce_sum3A_1643 [1] : vector<8x1024xf32> to vector<8xf32>
        %broadcast_in_dim3A_1645 = vector.shape_cast %reduce_sum3A_1644 : vector<8xf32> to vector<8x1xf32>
        %jit3A_1646 = arith.constant 0.000000e+00 : f32
        %broadcast_in_dim3A_1647 = vector.broadcast %jit3A_1646 : f32 to vector<8x1024xf32>
        %select_n3A_1648 = arith.select %eq3A_1639, %get3A_1605, %broadcast_in_dim3A_1647 : vector<8x1024xi1>, vector<8x1024xf32>
        %reduce_sum3A_1649 = arith.constant dense<0.000000e+00> : vector<8xf32>
        %reduce_sum3A_1650 = vector.multi_reduction <add>, %select_n3A_1648, %reduce_sum3A_1649 [1] : vector<8x1024xf32> to vector<8xf32>
        %broadcast_in_dim3A_1651 = vector.shape_cast %reduce_sum3A_1650 : vector<8xf32> to vector<8x1xf32>
        %jit3A_1652 = arith.constant 0.000000e+00 : f32
        %broadcast_in_dim3A_1653 = vector.broadcast %jit3A_1652 : f32 to vector<8x1024xf32>
        %select_n3A_1654 = arith.select %eq3A_1639, %get3A_1608, %broadcast_in_dim3A_1653 : vector<8x1024xi1>, vector<8x1024xf32>
        %reduce_sum3A_1655 = arith.constant dense<0.000000e+00> : vector<8xf32>
        %reduce_sum3A_1656 = vector.multi_reduction <add>, %select_n3A_1654, %reduce_sum3A_1655 [1] : vector<8x1024xf32> to vector<8xf32>
        %broadcast_in_dim3A_1657 = vector.shape_cast %reduce_sum3A_1656 : vector<8xf32> to vector<8x1xf32>
        %gt3A_1658 = arith.cmpf ogt, %broadcast_in_dim3A_1629, %select_n3A_1592 : vector<8x1xf32>
        %select_n3A_1659 = arith.select %gt3A_1658, %broadcast_in_dim3A_1629, %select_n3A_1592 : vector<8x1xi1>, vector<8x1xf32>
        %add3A_1660 = arith.constant 2048 : i32
        %add3A_1661 = vector.broadcast %add3A_1660 : i32 to vector<8x1xi32>
        %add3A_1662 = arith.addi %broadcast_in_dim3A_1637, %add3A_1661 : vector<8x1xi32>
        %select_n3A_1663 = arith.select %gt3A_1658, %add3A_1662, %select_n3A_1596 : vector<8x1xi1>, vector<8x1xi32>
        %select_n3A_1664 = arith.select %gt3A_1658, %broadcast_in_dim3A_1645, %select_n3A_1597 : vector<8x1xi1>, vector<8x1xf32>
        %select_n3A_1665 = arith.select %gt3A_1658, %broadcast_in_dim3A_1651, %select_n3A_1598 : vector<8x1xi1>, vector<8x1xf32>
        %select_n3A_1666 = arith.select %gt3A_1658, %broadcast_in_dim3A_1657, %select_n3A_1599 : vector<8x1xi1>, vector<8x1xf32>
        %get3A_1667 = arith.constant 0 : index
        %get3A_1668 = arith.constant 3072 : index
        %get3A_1669 = vector.load %arg0[%get3A_1667, %get3A_1668] : memref<8x8192xf32, #tpu.memory_space<vmem>>, vector<8x1024xf32>
        %get3A_1670 = arith.constant 0 : index
        %get3A_1671 = arith.constant 3072 : index
        %get3A_1672 = vector.load %arg1[%get3A_1670, %get3A_1671] : memref<8x8192xf32, #tpu.memory_space<vmem>>, vector<8x1024xf32>
        %get3A_1673 = arith.constant 0 : index
        %get3A_1674 = arith.constant 3072 : index
        %get3A_1675 = vector.load %arg2[%get3A_1673, %get3A_1674] : memref<8x8192xf32, #tpu.memory_space<vmem>>, vector<8x1024xf32>
        %sub3A_1676 = vector.broadcast %select_n3A_1439 : vector<8x1xf32> to vector<8x1024xf32>
        %sub3A_1677 = arith.subf %get3A_1669, %sub3A_1676 : vector<8x1024xf32>
        %sub3A_1678 = vector.broadcast %select_n3A_1440 : vector<8x1xf32> to vector<8x1024xf32>
        %sub3A_1679 = arith.subf %get3A_1672, %sub3A_1678 : vector<8x1024xf32>
        %sub3A_1680 = vector.broadcast %select_n3A_1441 : vector<8x1xf32> to vector<8x1024xf32>
        %sub3A_1681 = arith.subf %get3A_1675, %sub3A_1680 : vector<8x1024xf32>
        %mul3A_1682 = arith.mulf %sub3A_1677, %sub3A_1677 : vector<8x1024xf32>
        %mul3A_1683 = arith.mulf %sub3A_1681, %sub3A_1681 : vector<8x1024xf32>
        %add3A_1684 = arith.addf %mul3A_1682, %mul3A_1683 : vector<8x1024xf32>
        %mul3A_1685 = arith.mulf %sub3A_1679, %sub3A_1679 : vector<8x1024xf32>
        %add3A_1686 = arith.addf %add3A_1684, %mul3A_1685 : vector<8x1024xf32>
        %get3A_1687 = arith.constant 0 : index
        %get3A_1688 = arith.constant 3072 : index
        %get3A_1689 = vector.load %arg8[%get3A_1687, %get3A_1688] : memref<8x8192xf32, #tpu.memory_space<vmem>>, vector<8x1024xf32>
        %min3A_1690 = arith.minimumf %get3A_1689, %add3A_1686 : vector<8x1024xf32>
        %swap3A_1691 = arith.constant 0 : index
        %swap3A_1692 = arith.constant 3072 : index
        %swap3A_1693 = vector.load %arg8[%swap3A_1691, %swap3A_1692] : memref<8x8192xf32, #tpu.memory_space<vmem>>, vector<8x1024xf32>
        tpu.vector_store %arg8[%swap3A_1691, %swap3A_1692], %min3A_1690 {strides = array<i32>} : memref<8x8192xf32, #tpu.memory_space<vmem>>, vector<8x1024xf32>,
        %reduce_max3A_1694 = arith.constant dense<0xFF800000> : vector<8xf32>
        %reduce_max3A_1695 = vector.multi_reduction <maximumf>, %min3A_1690, %reduce_max3A_1694 [1] : vector<8x1024xf32> to vector<8xf32>
        %broadcast_in_dim3A_1696 = vector.shape_cast %reduce_max3A_1695 : vector<8xf32> to vector<8x1xf32>
        %eq3A_1697 = vector.broadcast %broadcast_in_dim3A_1696 : vector<8x1xf32> to vector<8x1024xf32>
        %eq3A_1698 = arith.cmpf oeq, %min3A_1690, %eq3A_1697 : vector<8x1024xf32>
        %jit3A_1699 = arith.constant 1024 : i32
        %broadcast_in_dim3A_1700 = vector.broadcast %jit3A_1699 : i32 to vector<8x1024xi32>
        %select_n3A_1701 = arith.select %eq3A_1698, %iota3A_2, %broadcast_in_dim3A_1700 : vector<8x1024xi1>, vector<8x1024xi32>
        %reduce_min3A_1702 = arith.constant dense<2147483647> : vector<8xi32>
        %reduce_min3A_1703 = vector.multi_reduction <minsi>, %select_n3A_1701, %reduce_min3A_1702 [1] : vector<8x1024xi32> to vector<8xi32>
        %broadcast_in_dim3A_1704 = vector.shape_cast %reduce_min3A_1703 : vector<8xi32> to vector<8x1xi32>
        %eq3A_1705 = vector.broadcast %broadcast_in_dim3A_1704 : vector<8x1xi32> to vector<8x1024xi32>
        %eq3A_1706 = arith.cmpi eq, %iota3A_2, %eq3A_1705 : vector<8x1024xi32>
        %jit3A_1707 = arith.constant 0.000000e+00 : f32
        %broadcast_in_dim3A_1708 = vector.broadcast %jit3A_1707 : f32 to vector<8x1024xf32>
        %select_n3A_1709 = arith.select %eq3A_1706, %get3A_1669, %broadcast_in_dim3A_1708 : vector<8x1024xi1>, vector<8x1024xf32>
        %reduce_sum3A_1710 = arith.constant dense<0.000000e+00> : vector<8xf32>
        %reduce_sum3A_1711 = vector.multi_reduction <add>, %select_n3A_1709, %reduce_sum3A_1710 [1] : vector<8x1024xf32> to vector<8xf32>
        %broadcast_in_dim3A_1712 = vector.shape_cast %reduce_sum3A_1711 : vector<8xf32> to vector<8x1xf32>
        %jit3A_1713 = arith.constant 0.000000e+00 : f32
        %broadcast_in_dim3A_1714 = vector.broadcast %jit3A_1713 : f32 to vector<8x1024xf32>
        %select_n3A_1715 = arith.select %eq3A_1706, %get3A_1672, %broadcast_in_dim3A_1714 : vector<8x1024xi1>, vector<8x1024xf32>
        %reduce_sum3A_1716 = arith.constant dense<0.000000e+00> : vector<8xf32>
        %reduce_sum3A_1717 = vector.multi_reduction <add>, %select_n3A_1715, %reduce_sum3A_1716 [1] : vector<8x1024xf32> to vector<8xf32>
        %broadcast_in_dim3A_1718 = vector.shape_cast %reduce_sum3A_1717 : vector<8xf32> to vector<8x1xf32>
        %jit3A_1719 = arith.constant 0.000000e+00 : f32
        %broadcast_in_dim3A_1720 = vector.broadcast %jit3A_1719 : f32 to vector<8x1024xf32>
        %select_n3A_1721 = arith.select %eq3A_1706, %get3A_1675, %broadcast_in_dim3A_1720 : vector<8x1024xi1>, vector<8x1024xf32>
        %reduce_sum3A_1722 = arith.constant dense<0.000000e+00> : vector<8xf32>
        %reduce_sum3A_1723 = vector.multi_reduction <add>, %select_n3A_1721, %reduce_sum3A_1722 [1] : vector<8x1024xf32> to vector<8xf32>
        %broadcast_in_dim3A_1724 = vector.shape_cast %reduce_sum3A_1723 : vector<8xf32> to vector<8x1xf32>
        %gt3A_1725 = arith.cmpf ogt, %broadcast_in_dim3A_1696, %select_n3A_1659 : vector<8x1xf32>
        %select_n3A_1726 = arith.select %gt3A_1725, %broadcast_in_dim3A_1696, %select_n3A_1659 : vector<8x1xi1>, vector<8x1xf32>
        %add3A_1727 = arith.constant 3072 : i32
        %add3A_1728 = vector.broadcast %add3A_1727 : i32 to vector<8x1xi32>
        %add3A_1729 = arith.addi %broadcast_in_dim3A_1704, %add3A_1728 : vector<8x1xi32>
        %select_n3A_1730 = arith.select %gt3A_1725, %add3A_1729, %select_n3A_1663 : vector<8x1xi1>, vector<8x1xi32>
        %select_n3A_1731 = arith.select %gt3A_1725, %broadcast_in_dim3A_1712, %select_n3A_1664 : vector<8x1xi1>, vector<8x1xf32>
        %select_n3A_1732 = arith.select %gt3A_1725, %broadcast_in_dim3A_1718, %select_n3A_1665 : vector<8x1xi1>, vector<8x1xf32>
        %select_n3A_1733 = arith.select %gt3A_1725, %broadcast_in_dim3A_1724, %select_n3A_1666 : vector<8x1xi1>, vector<8x1xf32>
        %get3A_1734 = arith.constant 0 : index
        %get3A_1735 = arith.constant 4096 : index
        %get3A_1736 = vector.load %arg0[%get3A_1734, %get3A_1735] : memref<8x8192xf32, #tpu.memory_space<vmem>>, vector<8x1024xf32>
        %get3A_1737 = arith.constant 0 : index
        %get3A_1738 = arith.constant 4096 : index
        %get3A_1739 = vector.load %arg1[%get3A_1737, %get3A_1738] : memref<8x8192xf32, #tpu.memory_space<vmem>>, vector<8x1024xf32>
        %get3A_1740 = arith.constant 0 : index
        %get3A_1741 = arith.constant 4096 : index
        %get3A_1742 = vector.load %arg2[%get3A_1740, %get3A_1741] : memref<8x8192xf32, #tpu.memory_space<vmem>>, vector<8x1024xf32>
        %sub3A_1743 = vector.broadcast %select_n3A_1439 : vector<8x1xf32> to vector<8x1024xf32>
        %sub3A_1744 = arith.subf %get3A_1736, %sub3A_1743 : vector<8x1024xf32>
        %sub3A_1745 = vector.broadcast %select_n3A_1440 : vector<8x1xf32> to vector<8x1024xf32>
        %sub3A_1746 = arith.subf %get3A_1739, %sub3A_1745 : vector<8x1024xf32>
        %sub3A_1747 = vector.broadcast %select_n3A_1441 : vector<8x1xf32> to vector<8x1024xf32>
        %sub3A_1748 = arith.subf %get3A_1742, %sub3A_1747 : vector<8x1024xf32>
        %mul3A_1749 = arith.mulf %sub3A_1744, %sub3A_1744 : vector<8x1024xf32>
        %mul3A_1750 = arith.mulf %sub3A_1748, %sub3A_1748 : vector<8x1024xf32>
        %add3A_1751 = arith.addf %mul3A_1749, %mul3A_1750 : vector<8x1024xf32>
        %mul3A_1752 = arith.mulf %sub3A_1746, %sub3A_1746 : vector<8x1024xf32>
        %add3A_1753 = arith.addf %add3A_1751, %mul3A_1752 : vector<8x1024xf32>
        %get3A_1754 = arith.constant 0 : index
        %get3A_1755 = arith.constant 4096 : index
        %get3A_1756 = vector.load %arg8[%get3A_1754, %get3A_1755] : memref<8x8192xf32, #tpu.memory_space<vmem>>, vector<8x1024xf32>
        %min3A_1757 = arith.minimumf %get3A_1756, %add3A_1753 : vector<8x1024xf32>
        %swap3A_1758 = arith.constant 0 : index
        %swap3A_1759 = arith.constant 4096 : index
        %swap3A_1760 = vector.load %arg8[%swap3A_1758, %swap3A_1759] : memref<8x8192xf32, #tpu.memory_space<vmem>>, vector<8x1024xf32>
        tpu.vector_store %arg8[%swap3A_1758, %swap3A_1759], %min3A_1757 {strides = array<i32>} : memref<8x8192xf32, #tpu.memory_space<vmem>>, vector<8x1024xf32>,
        %reduce_max3A_1761 = arith.constant dense<0xFF800000> : vector<8xf32>
        %reduce_max3A_1762 = vector.multi_reduction <maximumf>, %min3A_1757, %reduce_max3A_1761 [1] : vector<8x1024xf32> to vector<8xf32>
        %broadcast_in_dim3A_1763 = vector.shape_cast %reduce_max3A_1762 : vector<8xf32> to vector<8x1xf32>
        %eq3A_1764 = vector.broadcast %broadcast_in_dim3A_1763 : vector<8x1xf32> to vector<8x1024xf32>
        %eq3A_1765 = arith.cmpf oeq, %min3A_1757, %eq3A_1764 : vector<8x1024xf32>
        %jit3A_1766 = arith.constant 1024 : i32
        %broadcast_in_dim3A_1767 = vector.broadcast %jit3A_1766 : i32 to vector<8x1024xi32>
        %select_n3A_1768 = arith.select %eq3A_1765, %iota3A_2, %broadcast_in_dim3A_1767 : vector<8x1024xi1>, vector<8x1024xi32>
        %reduce_min3A_1769 = arith.constant dense<2147483647> : vector<8xi32>
        %reduce_min3A_1770 = vector.multi_reduction <minsi>, %select_n3A_1768, %reduce_min3A_1769 [1] : vector<8x1024xi32> to vector<8xi32>
        %broadcast_in_dim3A_1771 = vector.shape_cast %reduce_min3A_1770 : vector<8xi32> to vector<8x1xi32>
        %eq3A_1772 = vector.broadcast %broadcast_in_dim3A_1771 : vector<8x1xi32> to vector<8x1024xi32>
        %eq3A_1773 = arith.cmpi eq, %iota3A_2, %eq3A_1772 : vector<8x1024xi32>
        %jit3A_1774 = arith.constant 0.000000e+00 : f32
        %broadcast_in_dim3A_1775 = vector.broadcast %jit3A_1774 : f32 to vector<8x1024xf32>
        %select_n3A_1776 = arith.select %eq3A_1773, %get3A_1736, %broadcast_in_dim3A_1775 : vector<8x1024xi1>, vector<8x1024xf32>
        %reduce_sum3A_1777 = arith.constant dense<0.000000e+00> : vector<8xf32>
        %reduce_sum3A_1778 = vector.multi_reduction <add>, %select_n3A_1776, %reduce_sum3A_1777 [1] : vector<8x1024xf32> to vector<8xf32>
        %broadcast_in_dim3A_1779 = vector.shape_cast %reduce_sum3A_1778 : vector<8xf32> to vector<8x1xf32>
        %jit3A_1780 = arith.constant 0.000000e+00 : f32
        %broadcast_in_dim3A_1781 = vector.broadcast %jit3A_1780 : f32 to vector<8x1024xf32>
        %select_n3A_1782 = arith.select %eq3A_1773, %get3A_1739, %broadcast_in_dim3A_1781 : vector<8x1024xi1>, vector<8x1024xf32>
        %reduce_sum3A_1783 = arith.constant dense<0.000000e+00> : vector<8xf32>
        %reduce_sum3A_1784 = vector.multi_reduction <add>, %select_n3A_1782, %reduce_sum3A_1783 [1] : vector<8x1024xf32> to vector<8xf32>
        %broadcast_in_dim3A_1785 = vector.shape_cast %reduce_sum3A_1784 : vector<8xf32> to vector<8x1xf32>
        %jit3A_1786 = arith.constant 0.000000e+00 : f32
        %broadcast_in_dim3A_1787 = vector.broadcast %jit3A_1786 : f32 to vector<8x1024xf32>
        %select_n3A_1788 = arith.select %eq3A_1773, %get3A_1742, %broadcast_in_dim3A_1787 : vector<8x1024xi1>, vector<8x1024xf32>
        %reduce_sum3A_1789 = arith.constant dense<0.000000e+00> : vector<8xf32>
        %reduce_sum3A_1790 = vector.multi_reduction <add>, %select_n3A_1788, %reduce_sum3A_1789 [1] : vector<8x1024xf32> to vector<8xf32>
        %broadcast_in_dim3A_1791 = vector.shape_cast %reduce_sum3A_1790 : vector<8xf32> to vector<8x1xf32>
        %gt3A_1792 = arith.cmpf ogt, %broadcast_in_dim3A_1763, %select_n3A_1726 : vector<8x1xf32>
        %select_n3A_1793 = arith.select %gt3A_1792, %broadcast_in_dim3A_1763, %select_n3A_1726 : vector<8x1xi1>, vector<8x1xf32>
        %add3A_1794 = arith.constant 4096 : i32
        %add3A_1795 = vector.broadcast %add3A_1794 : i32 to vector<8x1xi32>
        %add3A_1796 = arith.addi %broadcast_in_dim3A_1771, %add3A_1795 : vector<8x1xi32>
        %select_n3A_1797 = arith.select %gt3A_1792, %add3A_1796, %select_n3A_1730 : vector<8x1xi1>, vector<8x1xi32>
        %select_n3A_1798 = arith.select %gt3A_1792, %broadcast_in_dim3A_1779, %select_n3A_1731 : vector<8x1xi1>, vector<8x1xf32>
        %select_n3A_1799 = arith.select %gt3A_1792, %broadcast_in_dim3A_1785, %select_n3A_1732 : vector<8x1xi1>, vector<8x1xf32>
        %select_n3A_1800 = arith.select %gt3A_1792, %broadcast_in_dim3A_1791, %select_n3A_1733 : vector<8x1xi1>, vector<8x1xf32>
        %get3A_1801 = arith.constant 0 : index
        %get3A_1802 = arith.constant 5120 : index
        %get3A_1803 = vector.load %arg0[%get3A_1801, %get3A_1802] : memref<8x8192xf32, #tpu.memory_space<vmem>>, vector<8x1024xf32>
        %get3A_1804 = arith.constant 0 : index
        %get3A_1805 = arith.constant 5120 : index
        %get3A_1806 = vector.load %arg1[%get3A_1804, %get3A_1805] : memref<8x8192xf32, #tpu.memory_space<vmem>>, vector<8x1024xf32>
        %get3A_1807 = arith.constant 0 : index
        %get3A_1808 = arith.constant 5120 : index
        %get3A_1809 = vector.load %arg2[%get3A_1807, %get3A_1808] : memref<8x8192xf32, #tpu.memory_space<vmem>>, vector<8x1024xf32>
        %sub3A_1810 = vector.broadcast %select_n3A_1439 : vector<8x1xf32> to vector<8x1024xf32>
        %sub3A_1811 = arith.subf %get3A_1803, %sub3A_1810 : vector<8x1024xf32>
        %sub3A_1812 = vector.broadcast %select_n3A_1440 : vector<8x1xf32> to vector<8x1024xf32>
        %sub3A_1813 = arith.subf %get3A_1806, %sub3A_1812 : vector<8x1024xf32>
        %sub3A_1814 = vector.broadcast %select_n3A_1441 : vector<8x1xf32> to vector<8x1024xf32>
        %sub3A_1815 = arith.subf %get3A_1809, %sub3A_1814 : vector<8x1024xf32>
        %mul3A_1816 = arith.mulf %sub3A_1811, %sub3A_1811 : vector<8x1024xf32>
        %mul3A_1817 = arith.mulf %sub3A_1815, %sub3A_1815 : vector<8x1024xf32>
        %add3A_1818 = arith.addf %mul3A_1816, %mul3A_1817 : vector<8x1024xf32>
        %mul3A_1819 = arith.mulf %sub3A_1813, %sub3A_1813 : vector<8x1024xf32>
        %add3A_1820 = arith.addf %add3A_1818, %mul3A_1819 : vector<8x1024xf32>
        %get3A_1821 = arith.constant 0 : index
        %get3A_1822 = arith.constant 5120 : index
        %get3A_1823 = vector.load %arg8[%get3A_1821, %get3A_1822] : memref<8x8192xf32, #tpu.memory_space<vmem>>, vector<8x1024xf32>
        %min3A_1824 = arith.minimumf %get3A_1823, %add3A_1820 : vector<8x1024xf32>
        %swap3A_1825 = arith.constant 0 : index
        %swap3A_1826 = arith.constant 5120 : index
        %swap3A_1827 = vector.load %arg8[%swap3A_1825, %swap3A_1826] : memref<8x8192xf32, #tpu.memory_space<vmem>>, vector<8x1024xf32>
        tpu.vector_store %arg8[%swap3A_1825, %swap3A_1826], %min3A_1824 {strides = array<i32>} : memref<8x8192xf32, #tpu.memory_space<vmem>>, vector<8x1024xf32>,
        %reduce_max3A_1828 = arith.constant dense<0xFF800000> : vector<8xf32>
        %reduce_max3A_1829 = vector.multi_reduction <maximumf>, %min3A_1824, %reduce_max3A_1828 [1] : vector<8x1024xf32> to vector<8xf32>
        %broadcast_in_dim3A_1830 = vector.shape_cast %reduce_max3A_1829 : vector<8xf32> to vector<8x1xf32>
        %eq3A_1831 = vector.broadcast %broadcast_in_dim3A_1830 : vector<8x1xf32> to vector<8x1024xf32>
        %eq3A_1832 = arith.cmpf oeq, %min3A_1824, %eq3A_1831 : vector<8x1024xf32>
        %jit3A_1833 = arith.constant 1024 : i32
        %broadcast_in_dim3A_1834 = vector.broadcast %jit3A_1833 : i32 to vector<8x1024xi32>
        %select_n3A_1835 = arith.select %eq3A_1832, %iota3A_2, %broadcast_in_dim3A_1834 : vector<8x1024xi1>, vector<8x1024xi32>
        %reduce_min3A_1836 = arith.constant dense<2147483647> : vector<8xi32>
        %reduce_min3A_1837 = vector.multi_reduction <minsi>, %select_n3A_1835, %reduce_min3A_1836 [1] : vector<8x1024xi32> to vector<8xi32>
        %broadcast_in_dim3A_1838 = vector.shape_cast %reduce_min3A_1837 : vector<8xi32> to vector<8x1xi32>
        %eq3A_1839 = vector.broadcast %broadcast_in_dim3A_1838 : vector<8x1xi32> to vector<8x1024xi32>
        %eq3A_1840 = arith.cmpi eq, %iota3A_2, %eq3A_1839 : vector<8x1024xi32>
        %jit3A_1841 = arith.constant 0.000000e+00 : f32
        %broadcast_in_dim3A_1842 = vector.broadcast %jit3A_1841 : f32 to vector<8x1024xf32>
        %select_n3A_1843 = arith.select %eq3A_1840, %get3A_1803, %broadcast_in_dim3A_1842 : vector<8x1024xi1>, vector<8x1024xf32>
        %reduce_sum3A_1844 = arith.constant dense<0.000000e+00> : vector<8xf32>
        %reduce_sum3A_1845 = vector.multi_reduction <add>, %select_n3A_1843, %reduce_sum3A_1844 [1] : vector<8x1024xf32> to vector<8xf32>
        %broadcast_in_dim3A_1846 = vector.shape_cast %reduce_sum3A_1845 : vector<8xf32> to vector<8x1xf32>
        %jit3A_1847 = arith.constant 0.000000e+00 : f32
        %broadcast_in_dim3A_1848 = vector.broadcast %jit3A_1847 : f32 to vector<8x1024xf32>
        %select_n3A_1849 = arith.select %eq3A_1840, %get3A_1806, %broadcast_in_dim3A_1848 : vector<8x1024xi1>, vector<8x1024xf32>
        %reduce_sum3A_1850 = arith.constant dense<0.000000e+00> : vector<8xf32>
        %reduce_sum3A_1851 = vector.multi_reduction <add>, %select_n3A_1849, %reduce_sum3A_1850 [1] : vector<8x1024xf32> to vector<8xf32>
        %broadcast_in_dim3A_1852 = vector.shape_cast %reduce_sum3A_1851 : vector<8xf32> to vector<8x1xf32>
        %jit3A_1853 = arith.constant 0.000000e+00 : f32
        %broadcast_in_dim3A_1854 = vector.broadcast %jit3A_1853 : f32 to vector<8x1024xf32>
        %select_n3A_1855 = arith.select %eq3A_1840, %get3A_1809, %broadcast_in_dim3A_1854 : vector<8x1024xi1>, vector<8x1024xf32>
        %reduce_sum3A_1856 = arith.constant dense<0.000000e+00> : vector<8xf32>
        %reduce_sum3A_1857 = vector.multi_reduction <add>, %select_n3A_1855, %reduce_sum3A_1856 [1] : vector<8x1024xf32> to vector<8xf32>
        %broadcast_in_dim3A_1858 = vector.shape_cast %reduce_sum3A_1857 : vector<8xf32> to vector<8x1xf32>
        %gt3A_1859 = arith.cmpf ogt, %broadcast_in_dim3A_1830, %select_n3A_1793 : vector<8x1xf32>
        %select_n3A_1860 = arith.select %gt3A_1859, %broadcast_in_dim3A_1830, %select_n3A_1793 : vector<8x1xi1>, vector<8x1xf32>
        %add3A_1861 = arith.constant 5120 : i32
        %add3A_1862 = vector.broadcast %add3A_1861 : i32 to vector<8x1xi32>
        %add3A_1863 = arith.addi %broadcast_in_dim3A_1838, %add3A_1862 : vector<8x1xi32>
        %select_n3A_1864 = arith.select %gt3A_1859, %add3A_1863, %select_n3A_1797 : vector<8x1xi1>, vector<8x1xi32>
        %select_n3A_1865 = arith.select %gt3A_1859, %broadcast_in_dim3A_1846, %select_n3A_1798 : vector<8x1xi1>, vector<8x1xf32>
        %select_n3A_1866 = arith.select %gt3A_1859, %broadcast_in_dim3A_1852, %select_n3A_1799 : vector<8x1xi1>, vector<8x1xf32>
        %select_n3A_1867 = arith.select %gt3A_1859, %broadcast_in_dim3A_1858, %select_n3A_1800 : vector<8x1xi1>, vector<8x1xf32>
        %get3A_1868 = arith.constant 0 : index
        %get3A_1869 = arith.constant 6144 : index
        %get3A_1870 = vector.load %arg0[%get3A_1868, %get3A_1869] : memref<8x8192xf32, #tpu.memory_space<vmem>>, vector<8x1024xf32>
        %get3A_1871 = arith.constant 0 : index
        %get3A_1872 = arith.constant 6144 : index
        %get3A_1873 = vector.load %arg1[%get3A_1871, %get3A_1872] : memref<8x8192xf32, #tpu.memory_space<vmem>>, vector<8x1024xf32>
        %get3A_1874 = arith.constant 0 : index
        %get3A_1875 = arith.constant 6144 : index
        %get3A_1876 = vector.load %arg2[%get3A_1874, %get3A_1875] : memref<8x8192xf32, #tpu.memory_space<vmem>>, vector<8x1024xf32>
        %sub3A_1877 = vector.broadcast %select_n3A_1439 : vector<8x1xf32> to vector<8x1024xf32>
        %sub3A_1878 = arith.subf %get3A_1870, %sub3A_1877 : vector<8x1024xf32>
        %sub3A_1879 = vector.broadcast %select_n3A_1440 : vector<8x1xf32> to vector<8x1024xf32>
        %sub3A_1880 = arith.subf %get3A_1873, %sub3A_1879 : vector<8x1024xf32>
        %sub3A_1881 = vector.broadcast %select_n3A_1441 : vector<8x1xf32> to vector<8x1024xf32>
        %sub3A_1882 = arith.subf %get3A_1876, %sub3A_1881 : vector<8x1024xf32>
        %mul3A_1883 = arith.mulf %sub3A_1878, %sub3A_1878 : vector<8x1024xf32>
        %mul3A_1884 = arith.mulf %sub3A_1882, %sub3A_1882 : vector<8x1024xf32>
        %add3A_1885 = arith.addf %mul3A_1883, %mul3A_1884 : vector<8x1024xf32>
        %mul3A_1886 = arith.mulf %sub3A_1880, %sub3A_1880 : vector<8x1024xf32>
        %add3A_1887 = arith.addf %add3A_1885, %mul3A_1886 : vector<8x1024xf32>
        %get3A_1888 = arith.constant 0 : index
        %get3A_1889 = arith.constant 6144 : index
        %get3A_1890 = vector.load %arg8[%get3A_1888, %get3A_1889] : memref<8x8192xf32, #tpu.memory_space<vmem>>, vector<8x1024xf32>
        %min3A_1891 = arith.minimumf %get3A_1890, %add3A_1887 : vector<8x1024xf32>
        %swap3A_1892 = arith.constant 0 : index
        %swap3A_1893 = arith.constant 6144 : index
        %swap3A_1894 = vector.load %arg8[%swap3A_1892, %swap3A_1893] : memref<8x8192xf32, #tpu.memory_space<vmem>>, vector<8x1024xf32>
        tpu.vector_store %arg8[%swap3A_1892, %swap3A_1893], %min3A_1891 {strides = array<i32>} : memref<8x8192xf32, #tpu.memory_space<vmem>>, vector<8x1024xf32>,
        %reduce_max3A_1895 = arith.constant dense<0xFF800000> : vector<8xf32>
        %reduce_max3A_1896 = vector.multi_reduction <maximumf>, %min3A_1891, %reduce_max3A_1895 [1] : vector<8x1024xf32> to vector<8xf32>
        %broadcast_in_dim3A_1897 = vector.shape_cast %reduce_max3A_1896 : vector<8xf32> to vector<8x1xf32>
        %eq3A_1898 = vector.broadcast %broadcast_in_dim3A_1897 : vector<8x1xf32> to vector<8x1024xf32>
        %eq3A_1899 = arith.cmpf oeq, %min3A_1891, %eq3A_1898 : vector<8x1024xf32>
        %jit3A_1900 = arith.constant 1024 : i32
        %broadcast_in_dim3A_1901 = vector.broadcast %jit3A_1900 : i32 to vector<8x1024xi32>
        %select_n3A_1902 = arith.select %eq3A_1899, %iota3A_2, %broadcast_in_dim3A_1901 : vector<8x1024xi1>, vector<8x1024xi32>
        %reduce_min3A_1903 = arith.constant dense<2147483647> : vector<8xi32>
        %reduce_min3A_1904 = vector.multi_reduction <minsi>, %select_n3A_1902, %reduce_min3A_1903 [1] : vector<8x1024xi32> to vector<8xi32>
        %broadcast_in_dim3A_1905 = vector.shape_cast %reduce_min3A_1904 : vector<8xi32> to vector<8x1xi32>
        %eq3A_1906 = vector.broadcast %broadcast_in_dim3A_1905 : vector<8x1xi32> to vector<8x1024xi32>
        %eq3A_1907 = arith.cmpi eq, %iota3A_2, %eq3A_1906 : vector<8x1024xi32>
        %jit3A_1908 = arith.constant 0.000000e+00 : f32
        %broadcast_in_dim3A_1909 = vector.broadcast %jit3A_1908 : f32 to vector<8x1024xf32>
        %select_n3A_1910 = arith.select %eq3A_1907, %get3A_1870, %broadcast_in_dim3A_1909 : vector<8x1024xi1>, vector<8x1024xf32>
        %reduce_sum3A_1911 = arith.constant dense<0.000000e+00> : vector<8xf32>
        %reduce_sum3A_1912 = vector.multi_reduction <add>, %select_n3A_1910, %reduce_sum3A_1911 [1] : vector<8x1024xf32> to vector<8xf32>
        %broadcast_in_dim3A_1913 = vector.shape_cast %reduce_sum3A_1912 : vector<8xf32> to vector<8x1xf32>
        %jit3A_1914 = arith.constant 0.000000e+00 : f32
        %broadcast_in_dim3A_1915 = vector.broadcast %jit3A_1914 : f32 to vector<8x1024xf32>
        %select_n3A_1916 = arith.select %eq3A_1907, %get3A_1873, %broadcast_in_dim3A_1915 : vector<8x1024xi1>, vector<8x1024xf32>
        %reduce_sum3A_1917 = arith.constant dense<0.000000e+00> : vector<8xf32>
        %reduce_sum3A_1918 = vector.multi_reduction <add>, %select_n3A_1916, %reduce_sum3A_1917 [1] : vector<8x1024xf32> to vector<8xf32>
        %broadcast_in_dim3A_1919 = vector.shape_cast %reduce_sum3A_1918 : vector<8xf32> to vector<8x1xf32>
        %jit3A_1920 = arith.constant 0.000000e+00 : f32
        %broadcast_in_dim3A_1921 = vector.broadcast %jit3A_1920 : f32 to vector<8x1024xf32>
        %select_n3A_1922 = arith.select %eq3A_1907, %get3A_1876, %broadcast_in_dim3A_1921 : vector<8x1024xi1>, vector<8x1024xf32>
        %reduce_sum3A_1923 = arith.constant dense<0.000000e+00> : vector<8xf32>
        %reduce_sum3A_1924 = vector.multi_reduction <add>, %select_n3A_1922, %reduce_sum3A_1923 [1] : vector<8x1024xf32> to vector<8xf32>
        %broadcast_in_dim3A_1925 = vector.shape_cast %reduce_sum3A_1924 : vector<8xf32> to vector<8x1xf32>
        %gt3A_1926 = arith.cmpf ogt, %broadcast_in_dim3A_1897, %select_n3A_1860 : vector<8x1xf32>
        %select_n3A_1927 = arith.select %gt3A_1926, %broadcast_in_dim3A_1897, %select_n3A_1860 : vector<8x1xi1>, vector<8x1xf32>
        %add3A_1928 = arith.constant 6144 : i32
        %add3A_1929 = vector.broadcast %add3A_1928 : i32 to vector<8x1xi32>
        %add3A_1930 = arith.addi %broadcast_in_dim3A_1905, %add3A_1929 : vector<8x1xi32>
        %select_n3A_1931 = arith.select %gt3A_1926, %add3A_1930, %select_n3A_1864 : vector<8x1xi1>, vector<8x1xi32>
        %select_n3A_1932 = arith.select %gt3A_1926, %broadcast_in_dim3A_1913, %select_n3A_1865 : vector<8x1xi1>, vector<8x1xf32>
        %select_n3A_1933 = arith.select %gt3A_1926, %broadcast_in_dim3A_1919, %select_n3A_1866 : vector<8x1xi1>, vector<8x1xf32>
        %select_n3A_1934 = arith.select %gt3A_1926, %broadcast_in_dim3A_1925, %select_n3A_1867 : vector<8x1xi1>, vector<8x1xf32>
        %get3A_1935 = arith.constant 0 : index
        %get3A_1936 = arith.constant 7168 : index
        %get3A_1937 = vector.load %arg0[%get3A_1935, %get3A_1936] : memref<8x8192xf32, #tpu.memory_space<vmem>>, vector<8x1024xf32>
        %get3A_1938 = arith.constant 0 : index
        %get3A_1939 = arith.constant 7168 : index
        %get3A_1940 = vector.load %arg1[%get3A_1938, %get3A_1939] : memref<8x8192xf32, #tpu.memory_space<vmem>>, vector<8x1024xf32>
        %get3A_1941 = arith.constant 0 : index
        %get3A_1942 = arith.constant 7168 : index
        %get3A_1943 = vector.load %arg2[%get3A_1941, %get3A_1942] : memref<8x8192xf32, #tpu.memory_space<vmem>>, vector<8x1024xf32>
        %sub3A_1944 = vector.broadcast %select_n3A_1439 : vector<8x1xf32> to vector<8x1024xf32>
        %sub3A_1945 = arith.subf %get3A_1937, %sub3A_1944 : vector<8x1024xf32>
        %sub3A_1946 = vector.broadcast %select_n3A_1440 : vector<8x1xf32> to vector<8x1024xf32>
        %sub3A_1947 = arith.subf %get3A_1940, %sub3A_1946 : vector<8x1024xf32>
        %sub3A_1948 = vector.broadcast %select_n3A_1441 : vector<8x1xf32> to vector<8x1024xf32>
        %sub3A_1949 = arith.subf %get3A_1943, %sub3A_1948 : vector<8x1024xf32>
        %mul3A_1950 = arith.mulf %sub3A_1945, %sub3A_1945 : vector<8x1024xf32>
        %mul3A_1951 = arith.mulf %sub3A_1949, %sub3A_1949 : vector<8x1024xf32>
        %add3A_1952 = arith.addf %mul3A_1950, %mul3A_1951 : vector<8x1024xf32>
        %mul3A_1953 = arith.mulf %sub3A_1947, %sub3A_1947 : vector<8x1024xf32>
        %add3A_1954 = arith.addf %add3A_1952, %mul3A_1953 : vector<8x1024xf32>
        %get3A_1955 = arith.constant 0 : index
        %get3A_1956 = arith.constant 7168 : index
        %get3A_1957 = vector.load %arg8[%get3A_1955, %get3A_1956] : memref<8x8192xf32, #tpu.memory_space<vmem>>, vector<8x1024xf32>
        %min3A_1958 = arith.minimumf %get3A_1957, %add3A_1954 : vector<8x1024xf32>
        %swap3A_1959 = arith.constant 0 : index
        %swap3A_1960 = arith.constant 7168 : index
        %swap3A_1961 = vector.load %arg8[%swap3A_1959, %swap3A_1960] : memref<8x8192xf32, #tpu.memory_space<vmem>>, vector<8x1024xf32>
        tpu.vector_store %arg8[%swap3A_1959, %swap3A_1960], %min3A_1958 {strides = array<i32>} : memref<8x8192xf32, #tpu.memory_space<vmem>>, vector<8x1024xf32>,
        %reduce_max3A_1962 = arith.constant dense<0xFF800000> : vector<8xf32>
        %reduce_max3A_1963 = vector.multi_reduction <maximumf>, %min3A_1958, %reduce_max3A_1962 [1] : vector<8x1024xf32> to vector<8xf32>
        %broadcast_in_dim3A_1964 = vector.shape_cast %reduce_max3A_1963 : vector<8xf32> to vector<8x1xf32>
        %eq3A_1965 = vector.broadcast %broadcast_in_dim3A_1964 : vector<8x1xf32> to vector<8x1024xf32>
        %eq3A_1966 = arith.cmpf oeq, %min3A_1958, %eq3A_1965 : vector<8x1024xf32>
        %jit3A_1967 = arith.constant 1024 : i32
        %broadcast_in_dim3A_1968 = vector.broadcast %jit3A_1967 : i32 to vector<8x1024xi32>
        %select_n3A_1969 = arith.select %eq3A_1966, %iota3A_2, %broadcast_in_dim3A_1968 : vector<8x1024xi1>, vector<8x1024xi32>
        %reduce_min3A_1970 = arith.constant dense<2147483647> : vector<8xi32>
        %reduce_min3A_1971 = vector.multi_reduction <minsi>, %select_n3A_1969, %reduce_min3A_1970 [1] : vector<8x1024xi32> to vector<8xi32>
        %broadcast_in_dim3A_1972 = vector.shape_cast %reduce_min3A_1971 : vector<8xi32> to vector<8x1xi32>
        %eq3A_1973 = vector.broadcast %broadcast_in_dim3A_1972 : vector<8x1xi32> to vector<8x1024xi32>
        %eq3A_1974 = arith.cmpi eq, %iota3A_2, %eq3A_1973 : vector<8x1024xi32>
        %jit3A_1975 = arith.constant 0.000000e+00 : f32
        %broadcast_in_dim3A_1976 = vector.broadcast %jit3A_1975 : f32 to vector<8x1024xf32>
        %select_n3A_1977 = arith.select %eq3A_1974, %get3A_1937, %broadcast_in_dim3A_1976 : vector<8x1024xi1>, vector<8x1024xf32>
        %reduce_sum3A_1978 = arith.constant dense<0.000000e+00> : vector<8xf32>
        %reduce_sum3A_1979 = vector.multi_reduction <add>, %select_n3A_1977, %reduce_sum3A_1978 [1] : vector<8x1024xf32> to vector<8xf32>
        %broadcast_in_dim3A_1980 = vector.shape_cast %reduce_sum3A_1979 : vector<8xf32> to vector<8x1xf32>
        %jit3A_1981 = arith.constant 0.000000e+00 : f32
        %broadcast_in_dim3A_1982 = vector.broadcast %jit3A_1981 : f32 to vector<8x1024xf32>
        %select_n3A_1983 = arith.select %eq3A_1974, %get3A_1940, %broadcast_in_dim3A_1982 : vector<8x1024xi1>, vector<8x1024xf32>
        %reduce_sum3A_1984 = arith.constant dense<0.000000e+00> : vector<8xf32>
        %reduce_sum3A_1985 = vector.multi_reduction <add>, %select_n3A_1983, %reduce_sum3A_1984 [1] : vector<8x1024xf32> to vector<8xf32>
        %broadcast_in_dim3A_1986 = vector.shape_cast %reduce_sum3A_1985 : vector<8xf32> to vector<8x1xf32>
        %jit3A_1987 = arith.constant 0.000000e+00 : f32
        %broadcast_in_dim3A_1988 = vector.broadcast %jit3A_1987 : f32 to vector<8x1024xf32>
        %select_n3A_1989 = arith.select %eq3A_1974, %get3A_1943, %broadcast_in_dim3A_1988 : vector<8x1024xi1>, vector<8x1024xf32>
        %reduce_sum3A_1990 = arith.constant dense<0.000000e+00> : vector<8xf32>
        %reduce_sum3A_1991 = vector.multi_reduction <add>, %select_n3A_1989, %reduce_sum3A_1990 [1] : vector<8x1024xf32> to vector<8xf32>
        %broadcast_in_dim3A_1992 = vector.shape_cast %reduce_sum3A_1991 : vector<8xf32> to vector<8x1xf32>
        %gt3A_1993 = arith.cmpf ogt, %broadcast_in_dim3A_1964, %select_n3A_1927 : vector<8x1xf32>
        %add3A_1994 = arith.constant 7168 : i32
        %add3A_1995 = vector.broadcast %add3A_1994 : i32 to vector<8x1xi32>
        %add3A_1996 = arith.addi %broadcast_in_dim3A_1972, %add3A_1995 : vector<8x1xi32>
        %select_n3A_1997 = arith.select %gt3A_1993, %add3A_1996, %select_n3A_1931 : vector<8x1xi1>, vector<8x1xi32>
        %select_n3A_1998 = arith.select %gt3A_1993, %broadcast_in_dim3A_1980, %select_n3A_1932 : vector<8x1xi1>, vector<8x1xf32>
        %select_n3A_1999 = arith.select %gt3A_1993, %broadcast_in_dim3A_1986, %select_n3A_1933 : vector<8x1xi1>, vector<8x1xf32>
        %select_n3A_2000 = arith.select %gt3A_1993, %broadcast_in_dim3A_1992, %select_n3A_1934 : vector<8x1xi1>, vector<8x1xf32>
        %scan3A_2001 = arith.constant 3 : i32
        %scan3A_2002 = arith.addi %scan3A_322, %scan3A_2001 : i32
        %eq3A_2003 = vector.broadcast %scan3A_2002 : i32 to vector<8x128xi32>
        %eq3A_2004 = arith.cmpi eq, %iota3A, %eq3A_2003 : vector<8x128xi32>
        %broadcast_in_dim3A_2005 = vector.shape_cast %select_n3A_1997 : vector<8x1xi32> to vector<8x1xi32>
        %broadcast_in_dim3A_2006 = vector.broadcast %broadcast_in_dim3A_2005 : vector<8x1xi32> to vector<8x128xi32>
        %select_n3A_2007 = arith.select %eq3A_2004, %broadcast_in_dim3A_2006, %select_n3A_1448 : vector<8x128xi1>, vector<8x128xi32>
        %broadcast_in_dim3A_2008 = vector.shape_cast %select_n3A_1998 : vector<8x1xf32> to vector<8x1xf32>
        %broadcast_in_dim3A_2009 = vector.broadcast %broadcast_in_dim3A_2008 : vector<8x1xf32> to vector<8x128xf32>
        %select_n3A_2010 = arith.select %eq3A_2004, %broadcast_in_dim3A_2009, %select_n3A_1451 : vector<8x128xi1>, vector<8x128xf32>
        %broadcast_in_dim3A_2011 = vector.shape_cast %select_n3A_1999 : vector<8x1xf32> to vector<8x1xf32>
        %broadcast_in_dim3A_2012 = vector.broadcast %broadcast_in_dim3A_2011 : vector<8x1xf32> to vector<8x128xf32>
        %select_n3A_2013 = arith.select %eq3A_2004, %broadcast_in_dim3A_2012, %select_n3A_1454 : vector<8x128xi1>, vector<8x128xf32>
        %broadcast_in_dim3A_2014 = vector.shape_cast %select_n3A_2000 : vector<8x1xf32> to vector<8x1xf32>
        %broadcast_in_dim3A_2015 = vector.broadcast %broadcast_in_dim3A_2014 : vector<8x1xf32> to vector<8x128xf32>
        %select_n3A_2016 = arith.select %eq3A_2004, %broadcast_in_dim3A_2015, %select_n3A_1457 : vector<8x128xi1>, vector<8x128xf32>
        %broadcast_in_dim3A_2017 = arith.constant -1.000000e+00 : f32
        %broadcast_in_dim3A_2018 = vector.broadcast %broadcast_in_dim3A_2017 : f32 to vector<8x1xf32>
        %broadcast_in_dim3A_2019 = arith.constant 0.000000e+00 : f32
        %broadcast_in_dim3A_2020 = vector.broadcast %broadcast_in_dim3A_2019 : f32 to vector<8x1xf32>
        %broadcast_in_dim3A_2021 = arith.constant 0.000000e+00 : f32
        %broadcast_in_dim3A_2022 = vector.broadcast %broadcast_in_dim3A_2021 : f32 to vector<8x1xf32>
        %broadcast_in_dim3A_2023 = arith.constant 0.000000e+00 : f32
        %broadcast_in_dim3A_2024 = vector.broadcast %broadcast_in_dim3A_2023 : f32 to vector<8x1xf32>
        %get3A_2025 = arith.constant 0 : index
        %get3A_2026 = arith.constant 0 : index
        %get3A_2027 = vector.load %arg0[%get3A_2025, %get3A_2026] : memref<8x8192xf32, #tpu.memory_space<vmem>>, vector<8x1024xf32>
        %get3A_2028 = arith.constant 0 : index
        %get3A_2029 = arith.constant 0 : index
        %get3A_2030 = vector.load %arg1[%get3A_2028, %get3A_2029] : memref<8x8192xf32, #tpu.memory_space<vmem>>, vector<8x1024xf32>
        %get3A_2031 = arith.constant 0 : index
        %get3A_2032 = arith.constant 0 : index
        %get3A_2033 = vector.load %arg2[%get3A_2031, %get3A_2032] : memref<8x8192xf32, #tpu.memory_space<vmem>>, vector<8x1024xf32>
        %sub3A_2034 = vector.broadcast %select_n3A_1998 : vector<8x1xf32> to vector<8x1024xf32>
        %sub3A_2035 = arith.subf %get3A_2027, %sub3A_2034 : vector<8x1024xf32>
        %sub3A_2036 = vector.broadcast %select_n3A_1999 : vector<8x1xf32> to vector<8x1024xf32>
        %sub3A_2037 = arith.subf %get3A_2030, %sub3A_2036 : vector<8x1024xf32>
        %sub3A_2038 = vector.broadcast %select_n3A_2000 : vector<8x1xf32> to vector<8x1024xf32>
        %sub3A_2039 = arith.subf %get3A_2033, %sub3A_2038 : vector<8x1024xf32>
        %mul3A_2040 = arith.mulf %sub3A_2035, %sub3A_2035 : vector<8x1024xf32>
        %mul3A_2041 = arith.mulf %sub3A_2039, %sub3A_2039 : vector<8x1024xf32>
        %add3A_2042 = arith.addf %mul3A_2040, %mul3A_2041 : vector<8x1024xf32>
        %mul3A_2043 = arith.mulf %sub3A_2037, %sub3A_2037 : vector<8x1024xf32>
        %add3A_2044 = arith.addf %add3A_2042, %mul3A_2043 : vector<8x1024xf32>
        %get3A_2045 = arith.constant 0 : index
        %get3A_2046 = arith.constant 0 : index
        %get3A_2047 = vector.load %arg8[%get3A_2045, %get3A_2046] : memref<8x8192xf32, #tpu.memory_space<vmem>>, vector<8x1024xf32>
        %min3A_2048 = arith.minimumf %get3A_2047, %add3A_2044 : vector<8x1024xf32>
        %swap3A_2049 = arith.constant 0 : index
        %swap3A_2050 = arith.constant 0 : index
        %swap3A_2051 = vector.load %arg8[%swap3A_2049, %swap3A_2050] : memref<8x8192xf32, #tpu.memory_space<vmem>>, vector<8x1024xf32>
        tpu.vector_store %arg8[%swap3A_2049, %swap3A_2050], %min3A_2048 {strides = array<i32>} : memref<8x8192xf32, #tpu.memory_space<vmem>>, vector<8x1024xf32>,
        %reduce_max3A_2052 = arith.constant dense<0xFF800000> : vector<8xf32>
        %reduce_max3A_2053 = vector.multi_reduction <maximumf>, %min3A_2048, %reduce_max3A_2052 [1] : vector<8x1024xf32> to vector<8xf32>
        %broadcast_in_dim3A_2054 = vector.shape_cast %reduce_max3A_2053 : vector<8xf32> to vector<8x1xf32>
        %eq3A_2055 = vector.broadcast %broadcast_in_dim3A_2054 : vector<8x1xf32> to vector<8x1024xf32>
        %eq3A_2056 = arith.cmpf oeq, %min3A_2048, %eq3A_2055 : vector<8x1024xf32>
        %jit3A_2057 = arith.constant 1024 : i32
        %broadcast_in_dim3A_2058 = vector.broadcast %jit3A_2057 : i32 to vector<8x1024xi32>
        %select_n3A_2059 = arith.select %eq3A_2056, %iota3A_2, %broadcast_in_dim3A_2058 : vector<8x1024xi1>, vector<8x1024xi32>
        %reduce_min3A_2060 = arith.constant dense<2147483647> : vector<8xi32>
        %reduce_min3A_2061 = vector.multi_reduction <minsi>, %select_n3A_2059, %reduce_min3A_2060 [1] : vector<8x1024xi32> to vector<8xi32>
        %broadcast_in_dim3A_2062 = vector.shape_cast %reduce_min3A_2061 : vector<8xi32> to vector<8x1xi32>
        %eq3A_2063 = vector.broadcast %broadcast_in_dim3A_2062 : vector<8x1xi32> to vector<8x1024xi32>
        %eq3A_2064 = arith.cmpi eq, %iota3A_2, %eq3A_2063 : vector<8x1024xi32>
        %jit3A_2065 = arith.constant 0.000000e+00 : f32
        %broadcast_in_dim3A_2066 = vector.broadcast %jit3A_2065 : f32 to vector<8x1024xf32>
        %select_n3A_2067 = arith.select %eq3A_2064, %get3A_2027, %broadcast_in_dim3A_2066 : vector<8x1024xi1>, vector<8x1024xf32>
        %reduce_sum3A_2068 = arith.constant dense<0.000000e+00> : vector<8xf32>
        %reduce_sum3A_2069 = vector.multi_reduction <add>, %select_n3A_2067, %reduce_sum3A_2068 [1] : vector<8x1024xf32> to vector<8xf32>
        %broadcast_in_dim3A_2070 = vector.shape_cast %reduce_sum3A_2069 : vector<8xf32> to vector<8x1xf32>
        %jit3A_2071 = arith.constant 0.000000e+00 : f32
        %broadcast_in_dim3A_2072 = vector.broadcast %jit3A_2071 : f32 to vector<8x1024xf32>
        %select_n3A_2073 = arith.select %eq3A_2064, %get3A_2030, %broadcast_in_dim3A_2072 : vector<8x1024xi1>, vector<8x1024xf32>
        %reduce_sum3A_2074 = arith.constant dense<0.000000e+00> : vector<8xf32>
        %reduce_sum3A_2075 = vector.multi_reduction <add>, %select_n3A_2073, %reduce_sum3A_2074 [1] : vector<8x1024xf32> to vector<8xf32>
        %broadcast_in_dim3A_2076 = vector.shape_cast %reduce_sum3A_2075 : vector<8xf32> to vector<8x1xf32>
        %jit3A_2077 = arith.constant 0.000000e+00 : f32
        %broadcast_in_dim3A_2078 = vector.broadcast %jit3A_2077 : f32 to vector<8x1024xf32>
        %select_n3A_2079 = arith.select %eq3A_2064, %get3A_2033, %broadcast_in_dim3A_2078 : vector<8x1024xi1>, vector<8x1024xf32>
        %reduce_sum3A_2080 = arith.constant dense<0.000000e+00> : vector<8xf32>
        %reduce_sum3A_2081 = vector.multi_reduction <add>, %select_n3A_2079, %reduce_sum3A_2080 [1] : vector<8x1024xf32> to vector<8xf32>
        %broadcast_in_dim3A_2082 = vector.shape_cast %reduce_sum3A_2081 : vector<8xf32> to vector<8x1xf32>
        %gt3A_2083 = arith.cmpf ogt, %broadcast_in_dim3A_2054, %broadcast_in_dim3A_2018 : vector<8x1xf32>
        %select_n3A_2084 = arith.select %gt3A_2083, %broadcast_in_dim3A_2054, %broadcast_in_dim3A_2018 : vector<8x1xi1>, vector<8x1xf32>
        %add3A_2085 = arith.constant 0 : i32
        %add3A_2086 = vector.broadcast %add3A_2085 : i32 to vector<8x1xi32>
        %add3A_2087 = arith.addi %broadcast_in_dim3A_2062, %add3A_2086 : vector<8x1xi32>
        %select_n3A_2088 = arith.select %gt3A_2083, %add3A_2087, %broadcast_in_dim3A_3 : vector<8x1xi1>, vector<8x1xi32>
        %select_n3A_2089 = arith.select %gt3A_2083, %broadcast_in_dim3A_2070, %broadcast_in_dim3A_2020 : vector<8x1xi1>, vector<8x1xf32>
        %select_n3A_2090 = arith.select %gt3A_2083, %broadcast_in_dim3A_2076, %broadcast_in_dim3A_2022 : vector<8x1xi1>, vector<8x1xf32>
        %select_n3A_2091 = arith.select %gt3A_2083, %broadcast_in_dim3A_2082, %broadcast_in_dim3A_2024 : vector<8x1xi1>, vector<8x1xf32>
        %get3A_2092 = arith.constant 0 : index
        %get3A_2093 = arith.constant 1024 : index
        %get3A_2094 = vector.load %arg0[%get3A_2092, %get3A_2093] : memref<8x8192xf32, #tpu.memory_space<vmem>>, vector<8x1024xf32>
        %get3A_2095 = arith.constant 0 : index
        %get3A_2096 = arith.constant 1024 : index
        %get3A_2097 = vector.load %arg1[%get3A_2095, %get3A_2096] : memref<8x8192xf32, #tpu.memory_space<vmem>>, vector<8x1024xf32>
        %get3A_2098 = arith.constant 0 : index
        %get3A_2099 = arith.constant 1024 : index
        %get3A_2100 = vector.load %arg2[%get3A_2098, %get3A_2099] : memref<8x8192xf32, #tpu.memory_space<vmem>>, vector<8x1024xf32>
        %sub3A_2101 = vector.broadcast %select_n3A_1998 : vector<8x1xf32> to vector<8x1024xf32>
        %sub3A_2102 = arith.subf %get3A_2094, %sub3A_2101 : vector<8x1024xf32>
        %sub3A_2103 = vector.broadcast %select_n3A_1999 : vector<8x1xf32> to vector<8x1024xf32>
        %sub3A_2104 = arith.subf %get3A_2097, %sub3A_2103 : vector<8x1024xf32>
        %sub3A_2105 = vector.broadcast %select_n3A_2000 : vector<8x1xf32> to vector<8x1024xf32>
        %sub3A_2106 = arith.subf %get3A_2100, %sub3A_2105 : vector<8x1024xf32>
        %mul3A_2107 = arith.mulf %sub3A_2102, %sub3A_2102 : vector<8x1024xf32>
        %mul3A_2108 = arith.mulf %sub3A_2106, %sub3A_2106 : vector<8x1024xf32>
        %add3A_2109 = arith.addf %mul3A_2107, %mul3A_2108 : vector<8x1024xf32>
        %mul3A_2110 = arith.mulf %sub3A_2104, %sub3A_2104 : vector<8x1024xf32>
        %add3A_2111 = arith.addf %add3A_2109, %mul3A_2110 : vector<8x1024xf32>
        %get3A_2112 = arith.constant 0 : index
        %get3A_2113 = arith.constant 1024 : index
        %get3A_2114 = vector.load %arg8[%get3A_2112, %get3A_2113] : memref<8x8192xf32, #tpu.memory_space<vmem>>, vector<8x1024xf32>
        %min3A_2115 = arith.minimumf %get3A_2114, %add3A_2111 : vector<8x1024xf32>
        %swap3A_2116 = arith.constant 0 : index
        %swap3A_2117 = arith.constant 1024 : index
        %swap3A_2118 = vector.load %arg8[%swap3A_2116, %swap3A_2117] : memref<8x8192xf32, #tpu.memory_space<vmem>>, vector<8x1024xf32>
        tpu.vector_store %arg8[%swap3A_2116, %swap3A_2117], %min3A_2115 {strides = array<i32>} : memref<8x8192xf32, #tpu.memory_space<vmem>>, vector<8x1024xf32>,
        %reduce_max3A_2119 = arith.constant dense<0xFF800000> : vector<8xf32>
        %reduce_max3A_2120 = vector.multi_reduction <maximumf>, %min3A_2115, %reduce_max3A_2119 [1] : vector<8x1024xf32> to vector<8xf32>
        %broadcast_in_dim3A_2121 = vector.shape_cast %reduce_max3A_2120 : vector<8xf32> to vector<8x1xf32>
        %eq3A_2122 = vector.broadcast %broadcast_in_dim3A_2121 : vector<8x1xf32> to vector<8x1024xf32>
        %eq3A_2123 = arith.cmpf oeq, %min3A_2115, %eq3A_2122 : vector<8x1024xf32>
        %jit3A_2124 = arith.constant 1024 : i32
        %broadcast_in_dim3A_2125 = vector.broadcast %jit3A_2124 : i32 to vector<8x1024xi32>
        %select_n3A_2126 = arith.select %eq3A_2123, %iota3A_2, %broadcast_in_dim3A_2125 : vector<8x1024xi1>, vector<8x1024xi32>
        %reduce_min3A_2127 = arith.constant dense<2147483647> : vector<8xi32>
        %reduce_min3A_2128 = vector.multi_reduction <minsi>, %select_n3A_2126, %reduce_min3A_2127 [1] : vector<8x1024xi32> to vector<8xi32>
        %broadcast_in_dim3A_2129 = vector.shape_cast %reduce_min3A_2128 : vector<8xi32> to vector<8x1xi32>
        %eq3A_2130 = vector.broadcast %broadcast_in_dim3A_2129 : vector<8x1xi32> to vector<8x1024xi32>
        %eq3A_2131 = arith.cmpi eq, %iota3A_2, %eq3A_2130 : vector<8x1024xi32>
        %jit3A_2132 = arith.constant 0.000000e+00 : f32
        %broadcast_in_dim3A_2133 = vector.broadcast %jit3A_2132 : f32 to vector<8x1024xf32>
        %select_n3A_2134 = arith.select %eq3A_2131, %get3A_2094, %broadcast_in_dim3A_2133 : vector<8x1024xi1>, vector<8x1024xf32>
        %reduce_sum3A_2135 = arith.constant dense<0.000000e+00> : vector<8xf32>
        %reduce_sum3A_2136 = vector.multi_reduction <add>, %select_n3A_2134, %reduce_sum3A_2135 [1] : vector<8x1024xf32> to vector<8xf32>
        %broadcast_in_dim3A_2137 = vector.shape_cast %reduce_sum3A_2136 : vector<8xf32> to vector<8x1xf32>
        %jit3A_2138 = arith.constant 0.000000e+00 : f32
        %broadcast_in_dim3A_2139 = vector.broadcast %jit3A_2138 : f32 to vector<8x1024xf32>
        %select_n3A_2140 = arith.select %eq3A_2131, %get3A_2097, %broadcast_in_dim3A_2139 : vector<8x1024xi1>, vector<8x1024xf32>
        %reduce_sum3A_2141 = arith.constant dense<0.000000e+00> : vector<8xf32>
        %reduce_sum3A_2142 = vector.multi_reduction <add>, %select_n3A_2140, %reduce_sum3A_2141 [1] : vector<8x1024xf32> to vector<8xf32>
        %broadcast_in_dim3A_2143 = vector.shape_cast %reduce_sum3A_2142 : vector<8xf32> to vector<8x1xf32>
        %jit3A_2144 = arith.constant 0.000000e+00 : f32
        %broadcast_in_dim3A_2145 = vector.broadcast %jit3A_2144 : f32 to vector<8x1024xf32>
        %select_n3A_2146 = arith.select %eq3A_2131, %get3A_2100, %broadcast_in_dim3A_2145 : vector<8x1024xi1>, vector<8x1024xf32>
        %reduce_sum3A_2147 = arith.constant dense<0.000000e+00> : vector<8xf32>
        %reduce_sum3A_2148 = vector.multi_reduction <add>, %select_n3A_2146, %reduce_sum3A_2147 [1] : vector<8x1024xf32> to vector<8xf32>
        %broadcast_in_dim3A_2149 = vector.shape_cast %reduce_sum3A_2148 : vector<8xf32> to vector<8x1xf32>
        %gt3A_2150 = arith.cmpf ogt, %broadcast_in_dim3A_2121, %select_n3A_2084 : vector<8x1xf32>
        %select_n3A_2151 = arith.select %gt3A_2150, %broadcast_in_dim3A_2121, %select_n3A_2084 : vector<8x1xi1>, vector<8x1xf32>
        %add3A_2152 = arith.constant 1024 : i32
        %add3A_2153 = vector.broadcast %add3A_2152 : i32 to vector<8x1xi32>
        %add3A_2154 = arith.addi %broadcast_in_dim3A_2129, %add3A_2153 : vector<8x1xi32>
        %select_n3A_2155 = arith.select %gt3A_2150, %add3A_2154, %select_n3A_2088 : vector<8x1xi1>, vector<8x1xi32>
        %select_n3A_2156 = arith.select %gt3A_2150, %broadcast_in_dim3A_2137, %select_n3A_2089 : vector<8x1xi1>, vector<8x1xf32>
        %select_n3A_2157 = arith.select %gt3A_2150, %broadcast_in_dim3A_2143, %select_n3A_2090 : vector<8x1xi1>, vector<8x1xf32>
        %select_n3A_2158 = arith.select %gt3A_2150, %broadcast_in_dim3A_2149, %select_n3A_2091 : vector<8x1xi1>, vector<8x1xf32>
        %get3A_2159 = arith.constant 0 : index
        %get3A_2160 = arith.constant 2048 : index
        %get3A_2161 = vector.load %arg0[%get3A_2159, %get3A_2160] : memref<8x8192xf32, #tpu.memory_space<vmem>>, vector<8x1024xf32>
        %get3A_2162 = arith.constant 0 : index
        %get3A_2163 = arith.constant 2048 : index
        %get3A_2164 = vector.load %arg1[%get3A_2162, %get3A_2163] : memref<8x8192xf32, #tpu.memory_space<vmem>>, vector<8x1024xf32>
        %get3A_2165 = arith.constant 0 : index
        %get3A_2166 = arith.constant 2048 : index
        %get3A_2167 = vector.load %arg2[%get3A_2165, %get3A_2166] : memref<8x8192xf32, #tpu.memory_space<vmem>>, vector<8x1024xf32>
        %sub3A_2168 = vector.broadcast %select_n3A_1998 : vector<8x1xf32> to vector<8x1024xf32>
        %sub3A_2169 = arith.subf %get3A_2161, %sub3A_2168 : vector<8x1024xf32>
        %sub3A_2170 = vector.broadcast %select_n3A_1999 : vector<8x1xf32> to vector<8x1024xf32>
        %sub3A_2171 = arith.subf %get3A_2164, %sub3A_2170 : vector<8x1024xf32>
        %sub3A_2172 = vector.broadcast %select_n3A_2000 : vector<8x1xf32> to vector<8x1024xf32>
        %sub3A_2173 = arith.subf %get3A_2167, %sub3A_2172 : vector<8x1024xf32>
        %mul3A_2174 = arith.mulf %sub3A_2169, %sub3A_2169 : vector<8x1024xf32>
        %mul3A_2175 = arith.mulf %sub3A_2173, %sub3A_2173 : vector<8x1024xf32>
        %add3A_2176 = arith.addf %mul3A_2174, %mul3A_2175 : vector<8x1024xf32>
        %mul3A_2177 = arith.mulf %sub3A_2171, %sub3A_2171 : vector<8x1024xf32>
        %add3A_2178 = arith.addf %add3A_2176, %mul3A_2177 : vector<8x1024xf32>
        %get3A_2179 = arith.constant 0 : index
        %get3A_2180 = arith.constant 2048 : index
        %get3A_2181 = vector.load %arg8[%get3A_2179, %get3A_2180] : memref<8x8192xf32, #tpu.memory_space<vmem>>, vector<8x1024xf32>
        %min3A_2182 = arith.minimumf %get3A_2181, %add3A_2178 : vector<8x1024xf32>
        %swap3A_2183 = arith.constant 0 : index
        %swap3A_2184 = arith.constant 2048 : index
        %swap3A_2185 = vector.load %arg8[%swap3A_2183, %swap3A_2184] : memref<8x8192xf32, #tpu.memory_space<vmem>>, vector<8x1024xf32>
        tpu.vector_store %arg8[%swap3A_2183, %swap3A_2184], %min3A_2182 {strides = array<i32>} : memref<8x8192xf32, #tpu.memory_space<vmem>>, vector<8x1024xf32>,
        %reduce_max3A_2186 = arith.constant dense<0xFF800000> : vector<8xf32>
        %reduce_max3A_2187 = vector.multi_reduction <maximumf>, %min3A_2182, %reduce_max3A_2186 [1] : vector<8x1024xf32> to vector<8xf32>
        %broadcast_in_dim3A_2188 = vector.shape_cast %reduce_max3A_2187 : vector<8xf32> to vector<8x1xf32>
        %eq3A_2189 = vector.broadcast %broadcast_in_dim3A_2188 : vector<8x1xf32> to vector<8x1024xf32>
        %eq3A_2190 = arith.cmpf oeq, %min3A_2182, %eq3A_2189 : vector<8x1024xf32>
        %jit3A_2191 = arith.constant 1024 : i32
        %broadcast_in_dim3A_2192 = vector.broadcast %jit3A_2191 : i32 to vector<8x1024xi32>
        %select_n3A_2193 = arith.select %eq3A_2190, %iota3A_2, %broadcast_in_dim3A_2192 : vector<8x1024xi1>, vector<8x1024xi32>
        %reduce_min3A_2194 = arith.constant dense<2147483647> : vector<8xi32>
        %reduce_min3A_2195 = vector.multi_reduction <minsi>, %select_n3A_2193, %reduce_min3A_2194 [1] : vector<8x1024xi32> to vector<8xi32>
        %broadcast_in_dim3A_2196 = vector.shape_cast %reduce_min3A_2195 : vector<8xi32> to vector<8x1xi32>
        %eq3A_2197 = vector.broadcast %broadcast_in_dim3A_2196 : vector<8x1xi32> to vector<8x1024xi32>
        %eq3A_2198 = arith.cmpi eq, %iota3A_2, %eq3A_2197 : vector<8x1024xi32>
        %jit3A_2199 = arith.constant 0.000000e+00 : f32
        %broadcast_in_dim3A_2200 = vector.broadcast %jit3A_2199 : f32 to vector<8x1024xf32>
        %select_n3A_2201 = arith.select %eq3A_2198, %get3A_2161, %broadcast_in_dim3A_2200 : vector<8x1024xi1>, vector<8x1024xf32>
        %reduce_sum3A_2202 = arith.constant dense<0.000000e+00> : vector<8xf32>
        %reduce_sum3A_2203 = vector.multi_reduction <add>, %select_n3A_2201, %reduce_sum3A_2202 [1] : vector<8x1024xf32> to vector<8xf32>
        %broadcast_in_dim3A_2204 = vector.shape_cast %reduce_sum3A_2203 : vector<8xf32> to vector<8x1xf32>
        %jit3A_2205 = arith.constant 0.000000e+00 : f32
        %broadcast_in_dim3A_2206 = vector.broadcast %jit3A_2205 : f32 to vector<8x1024xf32>
        %select_n3A_2207 = arith.select %eq3A_2198, %get3A_2164, %broadcast_in_dim3A_2206 : vector<8x1024xi1>, vector<8x1024xf32>
        %reduce_sum3A_2208 = arith.constant dense<0.000000e+00> : vector<8xf32>
        %reduce_sum3A_2209 = vector.multi_reduction <add>, %select_n3A_2207, %reduce_sum3A_2208 [1] : vector<8x1024xf32> to vector<8xf32>
        %broadcast_in_dim3A_2210 = vector.shape_cast %reduce_sum3A_2209 : vector<8xf32> to vector<8x1xf32>
        %jit3A_2211 = arith.constant 0.000000e+00 : f32
        %broadcast_in_dim3A_2212 = vector.broadcast %jit3A_2211 : f32 to vector<8x1024xf32>
        %select_n3A_2213 = arith.select %eq3A_2198, %get3A_2167, %broadcast_in_dim3A_2212 : vector<8x1024xi1>, vector<8x1024xf32>
        %reduce_sum3A_2214 = arith.constant dense<0.000000e+00> : vector<8xf32>
        %reduce_sum3A_2215 = vector.multi_reduction <add>, %select_n3A_2213, %reduce_sum3A_2214 [1] : vector<8x1024xf32> to vector<8xf32>
        %broadcast_in_dim3A_2216 = vector.shape_cast %reduce_sum3A_2215 : vector<8xf32> to vector<8x1xf32>
        %gt3A_2217 = arith.cmpf ogt, %broadcast_in_dim3A_2188, %select_n3A_2151 : vector<8x1xf32>
        %select_n3A_2218 = arith.select %gt3A_2217, %broadcast_in_dim3A_2188, %select_n3A_2151 : vector<8x1xi1>, vector<8x1xf32>
        %add3A_2219 = arith.constant 2048 : i32
        %add3A_2220 = vector.broadcast %add3A_2219 : i32 to vector<8x1xi32>
        %add3A_2221 = arith.addi %broadcast_in_dim3A_2196, %add3A_2220 : vector<8x1xi32>
        %select_n3A_2222 = arith.select %gt3A_2217, %add3A_2221, %select_n3A_2155 : vector<8x1xi1>, vector<8x1xi32>
        %select_n3A_2223 = arith.select %gt3A_2217, %broadcast_in_dim3A_2204, %select_n3A_2156 : vector<8x1xi1>, vector<8x1xf32>
        %select_n3A_2224 = arith.select %gt3A_2217, %broadcast_in_dim3A_2210, %select_n3A_2157 : vector<8x1xi1>, vector<8x1xf32>
        %select_n3A_2225 = arith.select %gt3A_2217, %broadcast_in_dim3A_2216, %select_n3A_2158 : vector<8x1xi1>, vector<8x1xf32>
        %get3A_2226 = arith.constant 0 : index
        %get3A_2227 = arith.constant 3072 : index
        %get3A_2228 = vector.load %arg0[%get3A_2226, %get3A_2227] : memref<8x8192xf32, #tpu.memory_space<vmem>>, vector<8x1024xf32>
        %get3A_2229 = arith.constant 0 : index
        %get3A_2230 = arith.constant 3072 : index
        %get3A_2231 = vector.load %arg1[%get3A_2229, %get3A_2230] : memref<8x8192xf32, #tpu.memory_space<vmem>>, vector<8x1024xf32>
        %get3A_2232 = arith.constant 0 : index
        %get3A_2233 = arith.constant 3072 : index
        %get3A_2234 = vector.load %arg2[%get3A_2232, %get3A_2233] : memref<8x8192xf32, #tpu.memory_space<vmem>>, vector<8x1024xf32>
        %sub3A_2235 = vector.broadcast %select_n3A_1998 : vector<8x1xf32> to vector<8x1024xf32>
        %sub3A_2236 = arith.subf %get3A_2228, %sub3A_2235 : vector<8x1024xf32>
        %sub3A_2237 = vector.broadcast %select_n3A_1999 : vector<8x1xf32> to vector<8x1024xf32>
        %sub3A_2238 = arith.subf %get3A_2231, %sub3A_2237 : vector<8x1024xf32>
        %sub3A_2239 = vector.broadcast %select_n3A_2000 : vector<8x1xf32> to vector<8x1024xf32>
        %sub3A_2240 = arith.subf %get3A_2234, %sub3A_2239 : vector<8x1024xf32>
        %mul3A_2241 = arith.mulf %sub3A_2236, %sub3A_2236 : vector<8x1024xf32>
        %mul3A_2242 = arith.mulf %sub3A_2240, %sub3A_2240 : vector<8x1024xf32>
        %add3A_2243 = arith.addf %mul3A_2241, %mul3A_2242 : vector<8x1024xf32>
        %mul3A_2244 = arith.mulf %sub3A_2238, %sub3A_2238 : vector<8x1024xf32>
        %add3A_2245 = arith.addf %add3A_2243, %mul3A_2244 : vector<8x1024xf32>
        %get3A_2246 = arith.constant 0 : index
        %get3A_2247 = arith.constant 3072 : index
        %get3A_2248 = vector.load %arg8[%get3A_2246, %get3A_2247] : memref<8x8192xf32, #tpu.memory_space<vmem>>, vector<8x1024xf32>
        %min3A_2249 = arith.minimumf %get3A_2248, %add3A_2245 : vector<8x1024xf32>
        %swap3A_2250 = arith.constant 0 : index
        %swap3A_2251 = arith.constant 3072 : index
        %swap3A_2252 = vector.load %arg8[%swap3A_2250, %swap3A_2251] : memref<8x8192xf32, #tpu.memory_space<vmem>>, vector<8x1024xf32>
        tpu.vector_store %arg8[%swap3A_2250, %swap3A_2251], %min3A_2249 {strides = array<i32>} : memref<8x8192xf32, #tpu.memory_space<vmem>>, vector<8x1024xf32>,
        %reduce_max3A_2253 = arith.constant dense<0xFF800000> : vector<8xf32>
        %reduce_max3A_2254 = vector.multi_reduction <maximumf>, %min3A_2249, %reduce_max3A_2253 [1] : vector<8x1024xf32> to vector<8xf32>
        %broadcast_in_dim3A_2255 = vector.shape_cast %reduce_max3A_2254 : vector<8xf32> to vector<8x1xf32>
        %eq3A_2256 = vector.broadcast %broadcast_in_dim3A_2255 : vector<8x1xf32> to vector<8x1024xf32>
        %eq3A_2257 = arith.cmpf oeq, %min3A_2249, %eq3A_2256 : vector<8x1024xf32>
        %jit3A_2258 = arith.constant 1024 : i32
        %broadcast_in_dim3A_2259 = vector.broadcast %jit3A_2258 : i32 to vector<8x1024xi32>
        %select_n3A_2260 = arith.select %eq3A_2257, %iota3A_2, %broadcast_in_dim3A_2259 : vector<8x1024xi1>, vector<8x1024xi32>
        %reduce_min3A_2261 = arith.constant dense<2147483647> : vector<8xi32>
        %reduce_min3A_2262 = vector.multi_reduction <minsi>, %select_n3A_2260, %reduce_min3A_2261 [1] : vector<8x1024xi32> to vector<8xi32>
        %broadcast_in_dim3A_2263 = vector.shape_cast %reduce_min3A_2262 : vector<8xi32> to vector<8x1xi32>
        %eq3A_2264 = vector.broadcast %broadcast_in_dim3A_2263 : vector<8x1xi32> to vector<8x1024xi32>
        %eq3A_2265 = arith.cmpi eq, %iota3A_2, %eq3A_2264 : vector<8x1024xi32>
        %jit3A_2266 = arith.constant 0.000000e+00 : f32
        %broadcast_in_dim3A_2267 = vector.broadcast %jit3A_2266 : f32 to vector<8x1024xf32>
        %select_n3A_2268 = arith.select %eq3A_2265, %get3A_2228, %broadcast_in_dim3A_2267 : vector<8x1024xi1>, vector<8x1024xf32>
        %reduce_sum3A_2269 = arith.constant dense<0.000000e+00> : vector<8xf32>
        %reduce_sum3A_2270 = vector.multi_reduction <add>, %select_n3A_2268, %reduce_sum3A_2269 [1] : vector<8x1024xf32> to vector<8xf32>
        %broadcast_in_dim3A_2271 = vector.shape_cast %reduce_sum3A_2270 : vector<8xf32> to vector<8x1xf32>
        %jit3A_2272 = arith.constant 0.000000e+00 : f32
        %broadcast_in_dim3A_2273 = vector.broadcast %jit3A_2272 : f32 to vector<8x1024xf32>
        %select_n3A_2274 = arith.select %eq3A_2265, %get3A_2231, %broadcast_in_dim3A_2273 : vector<8x1024xi1>, vector<8x1024xf32>
        %reduce_sum3A_2275 = arith.constant dense<0.000000e+00> : vector<8xf32>
        %reduce_sum3A_2276 = vector.multi_reduction <add>, %select_n3A_2274, %reduce_sum3A_2275 [1] : vector<8x1024xf32> to vector<8xf32>
        %broadcast_in_dim3A_2277 = vector.shape_cast %reduce_sum3A_2276 : vector<8xf32> to vector<8x1xf32>
        %jit3A_2278 = arith.constant 0.000000e+00 : f32
        %broadcast_in_dim3A_2279 = vector.broadcast %jit3A_2278 : f32 to vector<8x1024xf32>
        %select_n3A_2280 = arith.select %eq3A_2265, %get3A_2234, %broadcast_in_dim3A_2279 : vector<8x1024xi1>, vector<8x1024xf32>
        %reduce_sum3A_2281 = arith.constant dense<0.000000e+00> : vector<8xf32>
        %reduce_sum3A_2282 = vector.multi_reduction <add>, %select_n3A_2280, %reduce_sum3A_2281 [1] : vector<8x1024xf32> to vector<8xf32>
        %broadcast_in_dim3A_2283 = vector.shape_cast %reduce_sum3A_2282 : vector<8xf32> to vector<8x1xf32>
        %gt3A_2284 = arith.cmpf ogt, %broadcast_in_dim3A_2255, %select_n3A_2218 : vector<8x1xf32>
        %select_n3A_2285 = arith.select %gt3A_2284, %broadcast_in_dim3A_2255, %select_n3A_2218 : vector<8x1xi1>, vector<8x1xf32>
        %add3A_2286 = arith.constant 3072 : i32
        %add3A_2287 = vector.broadcast %add3A_2286 : i32 to vector<8x1xi32>
        %add3A_2288 = arith.addi %broadcast_in_dim3A_2263, %add3A_2287 : vector<8x1xi32>
        %select_n3A_2289 = arith.select %gt3A_2284, %add3A_2288, %select_n3A_2222 : vector<8x1xi1>, vector<8x1xi32>
        %select_n3A_2290 = arith.select %gt3A_2284, %broadcast_in_dim3A_2271, %select_n3A_2223 : vector<8x1xi1>, vector<8x1xf32>
        %select_n3A_2291 = arith.select %gt3A_2284, %broadcast_in_dim3A_2277, %select_n3A_2224 : vector<8x1xi1>, vector<8x1xf32>
        %select_n3A_2292 = arith.select %gt3A_2284, %broadcast_in_dim3A_2283, %select_n3A_2225 : vector<8x1xi1>, vector<8x1xf32>
        %get3A_2293 = arith.constant 0 : index
        %get3A_2294 = arith.constant 4096 : index
        %get3A_2295 = vector.load %arg0[%get3A_2293, %get3A_2294] : memref<8x8192xf32, #tpu.memory_space<vmem>>, vector<8x1024xf32>
        %get3A_2296 = arith.constant 0 : index
        %get3A_2297 = arith.constant 4096 : index
        %get3A_2298 = vector.load %arg1[%get3A_2296, %get3A_2297] : memref<8x8192xf32, #tpu.memory_space<vmem>>, vector<8x1024xf32>
        %get3A_2299 = arith.constant 0 : index
        %get3A_2300 = arith.constant 4096 : index
        %get3A_2301 = vector.load %arg2[%get3A_2299, %get3A_2300] : memref<8x8192xf32, #tpu.memory_space<vmem>>, vector<8x1024xf32>
        %sub3A_2302 = vector.broadcast %select_n3A_1998 : vector<8x1xf32> to vector<8x1024xf32>
        %sub3A_2303 = arith.subf %get3A_2295, %sub3A_2302 : vector<8x1024xf32>
        %sub3A_2304 = vector.broadcast %select_n3A_1999 : vector<8x1xf32> to vector<8x1024xf32>
        %sub3A_2305 = arith.subf %get3A_2298, %sub3A_2304 : vector<8x1024xf32>
        %sub3A_2306 = vector.broadcast %select_n3A_2000 : vector<8x1xf32> to vector<8x1024xf32>
        %sub3A_2307 = arith.subf %get3A_2301, %sub3A_2306 : vector<8x1024xf32>
        %mul3A_2308 = arith.mulf %sub3A_2303, %sub3A_2303 : vector<8x1024xf32>
        %mul3A_2309 = arith.mulf %sub3A_2307, %sub3A_2307 : vector<8x1024xf32>
        %add3A_2310 = arith.addf %mul3A_2308, %mul3A_2309 : vector<8x1024xf32>
        %mul3A_2311 = arith.mulf %sub3A_2305, %sub3A_2305 : vector<8x1024xf32>
        %add3A_2312 = arith.addf %add3A_2310, %mul3A_2311 : vector<8x1024xf32>
        %get3A_2313 = arith.constant 0 : index
        %get3A_2314 = arith.constant 4096 : index
        %get3A_2315 = vector.load %arg8[%get3A_2313, %get3A_2314] : memref<8x8192xf32, #tpu.memory_space<vmem>>, vector<8x1024xf32>
        %min3A_2316 = arith.minimumf %get3A_2315, %add3A_2312 : vector<8x1024xf32>
        %swap3A_2317 = arith.constant 0 : index
        %swap3A_2318 = arith.constant 4096 : index
        %swap3A_2319 = vector.load %arg8[%swap3A_2317, %swap3A_2318] : memref<8x8192xf32, #tpu.memory_space<vmem>>, vector<8x1024xf32>
        tpu.vector_store %arg8[%swap3A_2317, %swap3A_2318], %min3A_2316 {strides = array<i32>} : memref<8x8192xf32, #tpu.memory_space<vmem>>, vector<8x1024xf32>,
        %reduce_max3A_2320 = arith.constant dense<0xFF800000> : vector<8xf32>
        %reduce_max3A_2321 = vector.multi_reduction <maximumf>, %min3A_2316, %reduce_max3A_2320 [1] : vector<8x1024xf32> to vector<8xf32>
        %broadcast_in_dim3A_2322 = vector.shape_cast %reduce_max3A_2321 : vector<8xf32> to vector<8x1xf32>
        %eq3A_2323 = vector.broadcast %broadcast_in_dim3A_2322 : vector<8x1xf32> to vector<8x1024xf32>
        %eq3A_2324 = arith.cmpf oeq, %min3A_2316, %eq3A_2323 : vector<8x1024xf32>
        %jit3A_2325 = arith.constant 1024 : i32
        %broadcast_in_dim3A_2326 = vector.broadcast %jit3A_2325 : i32 to vector<8x1024xi32>
        %select_n3A_2327 = arith.select %eq3A_2324, %iota3A_2, %broadcast_in_dim3A_2326 : vector<8x1024xi1>, vector<8x1024xi32>
        %reduce_min3A_2328 = arith.constant dense<2147483647> : vector<8xi32>
        %reduce_min3A_2329 = vector.multi_reduction <minsi>, %select_n3A_2327, %reduce_min3A_2328 [1] : vector<8x1024xi32> to vector<8xi32>
        %broadcast_in_dim3A_2330 = vector.shape_cast %reduce_min3A_2329 : vector<8xi32> to vector<8x1xi32>
        %eq3A_2331 = vector.broadcast %broadcast_in_dim3A_2330 : vector<8x1xi32> to vector<8x1024xi32>
        %eq3A_2332 = arith.cmpi eq, %iota3A_2, %eq3A_2331 : vector<8x1024xi32>
        %jit3A_2333 = arith.constant 0.000000e+00 : f32
        %broadcast_in_dim3A_2334 = vector.broadcast %jit3A_2333 : f32 to vector<8x1024xf32>
        %select_n3A_2335 = arith.select %eq3A_2332, %get3A_2295, %broadcast_in_dim3A_2334 : vector<8x1024xi1>, vector<8x1024xf32>
        %reduce_sum3A_2336 = arith.constant dense<0.000000e+00> : vector<8xf32>
        %reduce_sum3A_2337 = vector.multi_reduction <add>, %select_n3A_2335, %reduce_sum3A_2336 [1] : vector<8x1024xf32> to vector<8xf32>
        %broadcast_in_dim3A_2338 = vector.shape_cast %reduce_sum3A_2337 : vector<8xf32> to vector<8x1xf32>
        %jit3A_2339 = arith.constant 0.000000e+00 : f32
        %broadcast_in_dim3A_2340 = vector.broadcast %jit3A_2339 : f32 to vector<8x1024xf32>
        %select_n3A_2341 = arith.select %eq3A_2332, %get3A_2298, %broadcast_in_dim3A_2340 : vector<8x1024xi1>, vector<8x1024xf32>
        %reduce_sum3A_2342 = arith.constant dense<0.000000e+00> : vector<8xf32>
        %reduce_sum3A_2343 = vector.multi_reduction <add>, %select_n3A_2341, %reduce_sum3A_2342 [1] : vector<8x1024xf32> to vector<8xf32>
        %broadcast_in_dim3A_2344 = vector.shape_cast %reduce_sum3A_2343 : vector<8xf32> to vector<8x1xf32>
        %jit3A_2345 = arith.constant 0.000000e+00 : f32
        %broadcast_in_dim3A_2346 = vector.broadcast %jit3A_2345 : f32 to vector<8x1024xf32>
        %select_n3A_2347 = arith.select %eq3A_2332, %get3A_2301, %broadcast_in_dim3A_2346 : vector<8x1024xi1>, vector<8x1024xf32>
        %reduce_sum3A_2348 = arith.constant dense<0.000000e+00> : vector<8xf32>
        %reduce_sum3A_2349 = vector.multi_reduction <add>, %select_n3A_2347, %reduce_sum3A_2348 [1] : vector<8x1024xf32> to vector<8xf32>
        %broadcast_in_dim3A_2350 = vector.shape_cast %reduce_sum3A_2349 : vector<8xf32> to vector<8x1xf32>
        %gt3A_2351 = arith.cmpf ogt, %broadcast_in_dim3A_2322, %select_n3A_2285 : vector<8x1xf32>
        %select_n3A_2352 = arith.select %gt3A_2351, %broadcast_in_dim3A_2322, %select_n3A_2285 : vector<8x1xi1>, vector<8x1xf32>
        %add3A_2353 = arith.constant 4096 : i32
        %add3A_2354 = vector.broadcast %add3A_2353 : i32 to vector<8x1xi32>
        %add3A_2355 = arith.addi %broadcast_in_dim3A_2330, %add3A_2354 : vector<8x1xi32>
        %select_n3A_2356 = arith.select %gt3A_2351, %add3A_2355, %select_n3A_2289 : vector<8x1xi1>, vector<8x1xi32>
        %select_n3A_2357 = arith.select %gt3A_2351, %broadcast_in_dim3A_2338, %select_n3A_2290 : vector<8x1xi1>, vector<8x1xf32>
        %select_n3A_2358 = arith.select %gt3A_2351, %broadcast_in_dim3A_2344, %select_n3A_2291 : vector<8x1xi1>, vector<8x1xf32>
        %select_n3A_2359 = arith.select %gt3A_2351, %broadcast_in_dim3A_2350, %select_n3A_2292 : vector<8x1xi1>, vector<8x1xf32>
        %get3A_2360 = arith.constant 0 : index
        %get3A_2361 = arith.constant 5120 : index
        %get3A_2362 = vector.load %arg0[%get3A_2360, %get3A_2361] : memref<8x8192xf32, #tpu.memory_space<vmem>>, vector<8x1024xf32>
        %get3A_2363 = arith.constant 0 : index
        %get3A_2364 = arith.constant 5120 : index
        %get3A_2365 = vector.load %arg1[%get3A_2363, %get3A_2364] : memref<8x8192xf32, #tpu.memory_space<vmem>>, vector<8x1024xf32>
        %get3A_2366 = arith.constant 0 : index
        %get3A_2367 = arith.constant 5120 : index
        %get3A_2368 = vector.load %arg2[%get3A_2366, %get3A_2367] : memref<8x8192xf32, #tpu.memory_space<vmem>>, vector<8x1024xf32>
        %sub3A_2369 = vector.broadcast %select_n3A_1998 : vector<8x1xf32> to vector<8x1024xf32>
        %sub3A_2370 = arith.subf %get3A_2362, %sub3A_2369 : vector<8x1024xf32>
        %sub3A_2371 = vector.broadcast %select_n3A_1999 : vector<8x1xf32> to vector<8x1024xf32>
        %sub3A_2372 = arith.subf %get3A_2365, %sub3A_2371 : vector<8x1024xf32>
        %sub3A_2373 = vector.broadcast %select_n3A_2000 : vector<8x1xf32> to vector<8x1024xf32>
        %sub3A_2374 = arith.subf %get3A_2368, %sub3A_2373 : vector<8x1024xf32>
        %mul3A_2375 = arith.mulf %sub3A_2370, %sub3A_2370 : vector<8x1024xf32>
        %mul3A_2376 = arith.mulf %sub3A_2374, %sub3A_2374 : vector<8x1024xf32>
        %add3A_2377 = arith.addf %mul3A_2375, %mul3A_2376 : vector<8x1024xf32>
        %mul3A_2378 = arith.mulf %sub3A_2372, %sub3A_2372 : vector<8x1024xf32>
        %add3A_2379 = arith.addf %add3A_2377, %mul3A_2378 : vector<8x1024xf32>
        %get3A_2380 = arith.constant 0 : index
        %get3A_2381 = arith.constant 5120 : index
        %get3A_2382 = vector.load %arg8[%get3A_2380, %get3A_2381] : memref<8x8192xf32, #tpu.memory_space<vmem>>, vector<8x1024xf32>
        %min3A_2383 = arith.minimumf %get3A_2382, %add3A_2379 : vector<8x1024xf32>
        %swap3A_2384 = arith.constant 0 : index
        %swap3A_2385 = arith.constant 5120 : index
        %swap3A_2386 = vector.load %arg8[%swap3A_2384, %swap3A_2385] : memref<8x8192xf32, #tpu.memory_space<vmem>>, vector<8x1024xf32>
        tpu.vector_store %arg8[%swap3A_2384, %swap3A_2385], %min3A_2383 {strides = array<i32>} : memref<8x8192xf32, #tpu.memory_space<vmem>>, vector<8x1024xf32>,
        %reduce_max3A_2387 = arith.constant dense<0xFF800000> : vector<8xf32>
        %reduce_max3A_2388 = vector.multi_reduction <maximumf>, %min3A_2383, %reduce_max3A_2387 [1] : vector<8x1024xf32> to vector<8xf32>
        %broadcast_in_dim3A_2389 = vector.shape_cast %reduce_max3A_2388 : vector<8xf32> to vector<8x1xf32>
        %eq3A_2390 = vector.broadcast %broadcast_in_dim3A_2389 : vector<8x1xf32> to vector<8x1024xf32>
        %eq3A_2391 = arith.cmpf oeq, %min3A_2383, %eq3A_2390 : vector<8x1024xf32>
        %jit3A_2392 = arith.constant 1024 : i32
        %broadcast_in_dim3A_2393 = vector.broadcast %jit3A_2392 : i32 to vector<8x1024xi32>
        %select_n3A_2394 = arith.select %eq3A_2391, %iota3A_2, %broadcast_in_dim3A_2393 : vector<8x1024xi1>, vector<8x1024xi32>
        %reduce_min3A_2395 = arith.constant dense<2147483647> : vector<8xi32>
        %reduce_min3A_2396 = vector.multi_reduction <minsi>, %select_n3A_2394, %reduce_min3A_2395 [1] : vector<8x1024xi32> to vector<8xi32>
        %broadcast_in_dim3A_2397 = vector.shape_cast %reduce_min3A_2396 : vector<8xi32> to vector<8x1xi32>
        %eq3A_2398 = vector.broadcast %broadcast_in_dim3A_2397 : vector<8x1xi32> to vector<8x1024xi32>
        %eq3A_2399 = arith.cmpi eq, %iota3A_2, %eq3A_2398 : vector<8x1024xi32>
        %jit3A_2400 = arith.constant 0.000000e+00 : f32
        %broadcast_in_dim3A_2401 = vector.broadcast %jit3A_2400 : f32 to vector<8x1024xf32>
        %select_n3A_2402 = arith.select %eq3A_2399, %get3A_2362, %broadcast_in_dim3A_2401 : vector<8x1024xi1>, vector<8x1024xf32>
        %reduce_sum3A_2403 = arith.constant dense<0.000000e+00> : vector<8xf32>
        %reduce_sum3A_2404 = vector.multi_reduction <add>, %select_n3A_2402, %reduce_sum3A_2403 [1] : vector<8x1024xf32> to vector<8xf32>
        %broadcast_in_dim3A_2405 = vector.shape_cast %reduce_sum3A_2404 : vector<8xf32> to vector<8x1xf32>
        %jit3A_2406 = arith.constant 0.000000e+00 : f32
        %broadcast_in_dim3A_2407 = vector.broadcast %jit3A_2406 : f32 to vector<8x1024xf32>
        %select_n3A_2408 = arith.select %eq3A_2399, %get3A_2365, %broadcast_in_dim3A_2407 : vector<8x1024xi1>, vector<8x1024xf32>
        %reduce_sum3A_2409 = arith.constant dense<0.000000e+00> : vector<8xf32>
        %reduce_sum3A_2410 = vector.multi_reduction <add>, %select_n3A_2408, %reduce_sum3A_2409 [1] : vector<8x1024xf32> to vector<8xf32>
        %broadcast_in_dim3A_2411 = vector.shape_cast %reduce_sum3A_2410 : vector<8xf32> to vector<8x1xf32>
        %jit3A_2412 = arith.constant 0.000000e+00 : f32
        %broadcast_in_dim3A_2413 = vector.broadcast %jit3A_2412 : f32 to vector<8x1024xf32>
        %select_n3A_2414 = arith.select %eq3A_2399, %get3A_2368, %broadcast_in_dim3A_2413 : vector<8x1024xi1>, vector<8x1024xf32>
        %reduce_sum3A_2415 = arith.constant dense<0.000000e+00> : vector<8xf32>
        %reduce_sum3A_2416 = vector.multi_reduction <add>, %select_n3A_2414, %reduce_sum3A_2415 [1] : vector<8x1024xf32> to vector<8xf32>
        %broadcast_in_dim3A_2417 = vector.shape_cast %reduce_sum3A_2416 : vector<8xf32> to vector<8x1xf32>
        %gt3A_2418 = arith.cmpf ogt, %broadcast_in_dim3A_2389, %select_n3A_2352 : vector<8x1xf32>
        %select_n3A_2419 = arith.select %gt3A_2418, %broadcast_in_dim3A_2389, %select_n3A_2352 : vector<8x1xi1>, vector<8x1xf32>
        %add3A_2420 = arith.constant 5120 : i32
        %add3A_2421 = vector.broadcast %add3A_2420 : i32 to vector<8x1xi32>
        %add3A_2422 = arith.addi %broadcast_in_dim3A_2397, %add3A_2421 : vector<8x1xi32>
        %select_n3A_2423 = arith.select %gt3A_2418, %add3A_2422, %select_n3A_2356 : vector<8x1xi1>, vector<8x1xi32>
        %select_n3A_2424 = arith.select %gt3A_2418, %broadcast_in_dim3A_2405, %select_n3A_2357 : vector<8x1xi1>, vector<8x1xf32>
        %select_n3A_2425 = arith.select %gt3A_2418, %broadcast_in_dim3A_2411, %select_n3A_2358 : vector<8x1xi1>, vector<8x1xf32>
        %select_n3A_2426 = arith.select %gt3A_2418, %broadcast_in_dim3A_2417, %select_n3A_2359 : vector<8x1xi1>, vector<8x1xf32>
        %get3A_2427 = arith.constant 0 : index
        %get3A_2428 = arith.constant 6144 : index
        %get3A_2429 = vector.load %arg0[%get3A_2427, %get3A_2428] : memref<8x8192xf32, #tpu.memory_space<vmem>>, vector<8x1024xf32>
        %get3A_2430 = arith.constant 0 : index
        %get3A_2431 = arith.constant 6144 : index
        %get3A_2432 = vector.load %arg1[%get3A_2430, %get3A_2431] : memref<8x8192xf32, #tpu.memory_space<vmem>>, vector<8x1024xf32>
        %get3A_2433 = arith.constant 0 : index
        %get3A_2434 = arith.constant 6144 : index
        %get3A_2435 = vector.load %arg2[%get3A_2433, %get3A_2434] : memref<8x8192xf32, #tpu.memory_space<vmem>>, vector<8x1024xf32>
        %sub3A_2436 = vector.broadcast %select_n3A_1998 : vector<8x1xf32> to vector<8x1024xf32>
        %sub3A_2437 = arith.subf %get3A_2429, %sub3A_2436 : vector<8x1024xf32>
        %sub3A_2438 = vector.broadcast %select_n3A_1999 : vector<8x1xf32> to vector<8x1024xf32>
        %sub3A_2439 = arith.subf %get3A_2432, %sub3A_2438 : vector<8x1024xf32>
        %sub3A_2440 = vector.broadcast %select_n3A_2000 : vector<8x1xf32> to vector<8x1024xf32>
        %sub3A_2441 = arith.subf %get3A_2435, %sub3A_2440 : vector<8x1024xf32>
        %mul3A_2442 = arith.mulf %sub3A_2437, %sub3A_2437 : vector<8x1024xf32>
        %mul3A_2443 = arith.mulf %sub3A_2441, %sub3A_2441 : vector<8x1024xf32>
        %add3A_2444 = arith.addf %mul3A_2442, %mul3A_2443 : vector<8x1024xf32>
        %mul3A_2445 = arith.mulf %sub3A_2439, %sub3A_2439 : vector<8x1024xf32>
        %add3A_2446 = arith.addf %add3A_2444, %mul3A_2445 : vector<8x1024xf32>
        %get3A_2447 = arith.constant 0 : index
        %get3A_2448 = arith.constant 6144 : index
        %get3A_2449 = vector.load %arg8[%get3A_2447, %get3A_2448] : memref<8x8192xf32, #tpu.memory_space<vmem>>, vector<8x1024xf32>
        %min3A_2450 = arith.minimumf %get3A_2449, %add3A_2446 : vector<8x1024xf32>
        %swap3A_2451 = arith.constant 0 : index
        %swap3A_2452 = arith.constant 6144 : index
        %swap3A_2453 = vector.load %arg8[%swap3A_2451, %swap3A_2452] : memref<8x8192xf32, #tpu.memory_space<vmem>>, vector<8x1024xf32>
        tpu.vector_store %arg8[%swap3A_2451, %swap3A_2452], %min3A_2450 {strides = array<i32>} : memref<8x8192xf32, #tpu.memory_space<vmem>>, vector<8x1024xf32>,
        %reduce_max3A_2454 = arith.constant dense<0xFF800000> : vector<8xf32>
        %reduce_max3A_2455 = vector.multi_reduction <maximumf>, %min3A_2450, %reduce_max3A_2454 [1] : vector<8x1024xf32> to vector<8xf32>
        %broadcast_in_dim3A_2456 = vector.shape_cast %reduce_max3A_2455 : vector<8xf32> to vector<8x1xf32>
        %eq3A_2457 = vector.broadcast %broadcast_in_dim3A_2456 : vector<8x1xf32> to vector<8x1024xf32>
        %eq3A_2458 = arith.cmpf oeq, %min3A_2450, %eq3A_2457 : vector<8x1024xf32>
        %jit3A_2459 = arith.constant 1024 : i32
        %broadcast_in_dim3A_2460 = vector.broadcast %jit3A_2459 : i32 to vector<8x1024xi32>
        %select_n3A_2461 = arith.select %eq3A_2458, %iota3A_2, %broadcast_in_dim3A_2460 : vector<8x1024xi1>, vector<8x1024xi32>
        %reduce_min3A_2462 = arith.constant dense<2147483647> : vector<8xi32>
        %reduce_min3A_2463 = vector.multi_reduction <minsi>, %select_n3A_2461, %reduce_min3A_2462 [1] : vector<8x1024xi32> to vector<8xi32>
        %broadcast_in_dim3A_2464 = vector.shape_cast %reduce_min3A_2463 : vector<8xi32> to vector<8x1xi32>
        %eq3A_2465 = vector.broadcast %broadcast_in_dim3A_2464 : vector<8x1xi32> to vector<8x1024xi32>
        %eq3A_2466 = arith.cmpi eq, %iota3A_2, %eq3A_2465 : vector<8x1024xi32>
        %jit3A_2467 = arith.constant 0.000000e+00 : f32
        %broadcast_in_dim3A_2468 = vector.broadcast %jit3A_2467 : f32 to vector<8x1024xf32>
        %select_n3A_2469 = arith.select %eq3A_2466, %get3A_2429, %broadcast_in_dim3A_2468 : vector<8x1024xi1>, vector<8x1024xf32>
        %reduce_sum3A_2470 = arith.constant dense<0.000000e+00> : vector<8xf32>
        %reduce_sum3A_2471 = vector.multi_reduction <add>, %select_n3A_2469, %reduce_sum3A_2470 [1] : vector<8x1024xf32> to vector<8xf32>
        %broadcast_in_dim3A_2472 = vector.shape_cast %reduce_sum3A_2471 : vector<8xf32> to vector<8x1xf32>
        %jit3A_2473 = arith.constant 0.000000e+00 : f32
        %broadcast_in_dim3A_2474 = vector.broadcast %jit3A_2473 : f32 to vector<8x1024xf32>
        %select_n3A_2475 = arith.select %eq3A_2466, %get3A_2432, %broadcast_in_dim3A_2474 : vector<8x1024xi1>, vector<8x1024xf32>
        %reduce_sum3A_2476 = arith.constant dense<0.000000e+00> : vector<8xf32>
        %reduce_sum3A_2477 = vector.multi_reduction <add>, %select_n3A_2475, %reduce_sum3A_2476 [1] : vector<8x1024xf32> to vector<8xf32>
        %broadcast_in_dim3A_2478 = vector.shape_cast %reduce_sum3A_2477 : vector<8xf32> to vector<8x1xf32>
        %jit3A_2479 = arith.constant 0.000000e+00 : f32
        %broadcast_in_dim3A_2480 = vector.broadcast %jit3A_2479 : f32 to vector<8x1024xf32>
        %select_n3A_2481 = arith.select %eq3A_2466, %get3A_2435, %broadcast_in_dim3A_2480 : vector<8x1024xi1>, vector<8x1024xf32>
        %reduce_sum3A_2482 = arith.constant dense<0.000000e+00> : vector<8xf32>
        %reduce_sum3A_2483 = vector.multi_reduction <add>, %select_n3A_2481, %reduce_sum3A_2482 [1] : vector<8x1024xf32> to vector<8xf32>
        %broadcast_in_dim3A_2484 = vector.shape_cast %reduce_sum3A_2483 : vector<8xf32> to vector<8x1xf32>
        %gt3A_2485 = arith.cmpf ogt, %broadcast_in_dim3A_2456, %select_n3A_2419 : vector<8x1xf32>
        %select_n3A_2486 = arith.select %gt3A_2485, %broadcast_in_dim3A_2456, %select_n3A_2419 : vector<8x1xi1>, vector<8x1xf32>
        %add3A_2487 = arith.constant 6144 : i32
        %add3A_2488 = vector.broadcast %add3A_2487 : i32 to vector<8x1xi32>
        %add3A_2489 = arith.addi %broadcast_in_dim3A_2464, %add3A_2488 : vector<8x1xi32>
        %select_n3A_2490 = arith.select %gt3A_2485, %add3A_2489, %select_n3A_2423 : vector<8x1xi1>, vector<8x1xi32>
        %select_n3A_2491 = arith.select %gt3A_2485, %broadcast_in_dim3A_2472, %select_n3A_2424 : vector<8x1xi1>, vector<8x1xf32>
        %select_n3A_2492 = arith.select %gt3A_2485, %broadcast_in_dim3A_2478, %select_n3A_2425 : vector<8x1xi1>, vector<8x1xf32>
        %select_n3A_2493 = arith.select %gt3A_2485, %broadcast_in_dim3A_2484, %select_n3A_2426 : vector<8x1xi1>, vector<8x1xf32>
        %get3A_2494 = arith.constant 0 : index
        %get3A_2495 = arith.constant 7168 : index
        %get3A_2496 = vector.load %arg0[%get3A_2494, %get3A_2495] : memref<8x8192xf32, #tpu.memory_space<vmem>>, vector<8x1024xf32>
        %get3A_2497 = arith.constant 0 : index
        %get3A_2498 = arith.constant 7168 : index
        %get3A_2499 = vector.load %arg1[%get3A_2497, %get3A_2498] : memref<8x8192xf32, #tpu.memory_space<vmem>>, vector<8x1024xf32>
        %get3A_2500 = arith.constant 0 : index
        %get3A_2501 = arith.constant 7168 : index
        %get3A_2502 = vector.load %arg2[%get3A_2500, %get3A_2501] : memref<8x8192xf32, #tpu.memory_space<vmem>>, vector<8x1024xf32>
        %sub3A_2503 = vector.broadcast %select_n3A_1998 : vector<8x1xf32> to vector<8x1024xf32>
        %sub3A_2504 = arith.subf %get3A_2496, %sub3A_2503 : vector<8x1024xf32>
        %sub3A_2505 = vector.broadcast %select_n3A_1999 : vector<8x1xf32> to vector<8x1024xf32>
        %sub3A_2506 = arith.subf %get3A_2499, %sub3A_2505 : vector<8x1024xf32>
        %sub3A_2507 = vector.broadcast %select_n3A_2000 : vector<8x1xf32> to vector<8x1024xf32>
        %sub3A_2508 = arith.subf %get3A_2502, %sub3A_2507 : vector<8x1024xf32>
        %mul3A_2509 = arith.mulf %sub3A_2504, %sub3A_2504 : vector<8x1024xf32>
        %mul3A_2510 = arith.mulf %sub3A_2508, %sub3A_2508 : vector<8x1024xf32>
        %add3A_2511 = arith.addf %mul3A_2509, %mul3A_2510 : vector<8x1024xf32>
        %mul3A_2512 = arith.mulf %sub3A_2506, %sub3A_2506 : vector<8x1024xf32>
        %add3A_2513 = arith.addf %add3A_2511, %mul3A_2512 : vector<8x1024xf32>
        %get3A_2514 = arith.constant 0 : index
        %get3A_2515 = arith.constant 7168 : index
        %get3A_2516 = vector.load %arg8[%get3A_2514, %get3A_2515] : memref<8x8192xf32, #tpu.memory_space<vmem>>, vector<8x1024xf32>
        %min3A_2517 = arith.minimumf %get3A_2516, %add3A_2513 : vector<8x1024xf32>
        %swap3A_2518 = arith.constant 0 : index
        %swap3A_2519 = arith.constant 7168 : index
        %swap3A_2520 = vector.load %arg8[%swap3A_2518, %swap3A_2519] : memref<8x8192xf32, #tpu.memory_space<vmem>>, vector<8x1024xf32>
        tpu.vector_store %arg8[%swap3A_2518, %swap3A_2519], %min3A_2517 {strides = array<i32>} : memref<8x8192xf32, #tpu.memory_space<vmem>>, vector<8x1024xf32>,
        %reduce_max3A_2521 = arith.constant dense<0xFF800000> : vector<8xf32>
        %reduce_max3A_2522 = vector.multi_reduction <maximumf>, %min3A_2517, %reduce_max3A_2521 [1] : vector<8x1024xf32> to vector<8xf32>
        %broadcast_in_dim3A_2523 = vector.shape_cast %reduce_max3A_2522 : vector<8xf32> to vector<8x1xf32>
        %eq3A_2524 = vector.broadcast %broadcast_in_dim3A_2523 : vector<8x1xf32> to vector<8x1024xf32>
        %eq3A_2525 = arith.cmpf oeq, %min3A_2517, %eq3A_2524 : vector<8x1024xf32>
        %jit3A_2526 = arith.constant 1024 : i32
        %broadcast_in_dim3A_2527 = vector.broadcast %jit3A_2526 : i32 to vector<8x1024xi32>
        %select_n3A_2528 = arith.select %eq3A_2525, %iota3A_2, %broadcast_in_dim3A_2527 : vector<8x1024xi1>, vector<8x1024xi32>
        %reduce_min3A_2529 = arith.constant dense<2147483647> : vector<8xi32>
        %reduce_min3A_2530 = vector.multi_reduction <minsi>, %select_n3A_2528, %reduce_min3A_2529 [1] : vector<8x1024xi32> to vector<8xi32>
        %broadcast_in_dim3A_2531 = vector.shape_cast %reduce_min3A_2530 : vector<8xi32> to vector<8x1xi32>
        %eq3A_2532 = vector.broadcast %broadcast_in_dim3A_2531 : vector<8x1xi32> to vector<8x1024xi32>
        %eq3A_2533 = arith.cmpi eq, %iota3A_2, %eq3A_2532 : vector<8x1024xi32>
        %jit3A_2534 = arith.constant 0.000000e+00 : f32
        %broadcast_in_dim3A_2535 = vector.broadcast %jit3A_2534 : f32 to vector<8x1024xf32>
        %select_n3A_2536 = arith.select %eq3A_2533, %get3A_2496, %broadcast_in_dim3A_2535 : vector<8x1024xi1>, vector<8x1024xf32>
        %reduce_sum3A_2537 = arith.constant dense<0.000000e+00> : vector<8xf32>
        %reduce_sum3A_2538 = vector.multi_reduction <add>, %select_n3A_2536, %reduce_sum3A_2537 [1] : vector<8x1024xf32> to vector<8xf32>
        %broadcast_in_dim3A_2539 = vector.shape_cast %reduce_sum3A_2538 : vector<8xf32> to vector<8x1xf32>
        %jit3A_2540 = arith.constant 0.000000e+00 : f32
        %broadcast_in_dim3A_2541 = vector.broadcast %jit3A_2540 : f32 to vector<8x1024xf32>
        %select_n3A_2542 = arith.select %eq3A_2533, %get3A_2499, %broadcast_in_dim3A_2541 : vector<8x1024xi1>, vector<8x1024xf32>
        %reduce_sum3A_2543 = arith.constant dense<0.000000e+00> : vector<8xf32>
        %reduce_sum3A_2544 = vector.multi_reduction <add>, %select_n3A_2542, %reduce_sum3A_2543 [1] : vector<8x1024xf32> to vector<8xf32>
        %broadcast_in_dim3A_2545 = vector.shape_cast %reduce_sum3A_2544 : vector<8xf32> to vector<8x1xf32>
        %jit3A_2546 = arith.constant 0.000000e+00 : f32
        %broadcast_in_dim3A_2547 = vector.broadcast %jit3A_2546 : f32 to vector<8x1024xf32>
        %select_n3A_2548 = arith.select %eq3A_2533, %get3A_2502, %broadcast_in_dim3A_2547 : vector<8x1024xi1>, vector<8x1024xf32>
        %reduce_sum3A_2549 = arith.constant dense<0.000000e+00> : vector<8xf32>
        %reduce_sum3A_2550 = vector.multi_reduction <add>, %select_n3A_2548, %reduce_sum3A_2549 [1] : vector<8x1024xf32> to vector<8xf32>
        %broadcast_in_dim3A_2551 = vector.shape_cast %reduce_sum3A_2550 : vector<8xf32> to vector<8x1xf32>
        %gt3A_2552 = arith.cmpf ogt, %broadcast_in_dim3A_2523, %select_n3A_2486 : vector<8x1xf32>
        %add3A_2553 = arith.constant 7168 : i32
        %add3A_2554 = vector.broadcast %add3A_2553 : i32 to vector<8x1xi32>
        %add3A_2555 = arith.addi %broadcast_in_dim3A_2531, %add3A_2554 : vector<8x1xi32>
        %select_n3A_2556 = arith.select %gt3A_2552, %add3A_2555, %select_n3A_2490 : vector<8x1xi1>, vector<8x1xi32>
        %select_n3A_2557 = arith.select %gt3A_2552, %broadcast_in_dim3A_2539, %select_n3A_2491 : vector<8x1xi1>, vector<8x1xf32>
        %select_n3A_2558 = arith.select %gt3A_2552, %broadcast_in_dim3A_2545, %select_n3A_2492 : vector<8x1xi1>, vector<8x1xf32>
        %select_n3A_2559 = arith.select %gt3A_2552, %broadcast_in_dim3A_2551, %select_n3A_2493 : vector<8x1xi1>, vector<8x1xf32>
        scf.yield %select_n3A_2556, %select_n3A_2557, %select_n3A_2558, %select_n3A_2559, %select_n3A_2007, %select_n3A_2010, %select_n3A_2013, %select_n3A_2016 : vector<8x1xi32>, vector<8x1xf32>, vector<8x1xf32>, vector<8x1xf32>, vector<8x128xi32>, vector<8x128xf32>, vector<8x128xf32>, vector<8x128xf32>
      }
      %scan3A_308 = arith.constant 128 : i32
      %mul3A = arith.constant 128 : i32
      %mul3A_309 = arith.muli %scan3A_294, %mul3A : i32
      %multiple_of3A = tpu.assume_multiple %mul3A_309, 128 : i32
      %swap3A_310 = arith.constant 0 : index
      %swap3A_311 = arith.index_cast %multiple_of3A : i32 to index
      %swap3A_312 = vector.load %arg4[%swap3A_310, %swap3A_311] : memref<8x2048xi32, #tpu.memory_space<vmem>>, vector<8x128xi32>
      tpu.vector_store %arg4[%swap3A_310, %swap3A_311], %scan3A_307#4 {strides = array<i32>} : memref<8x2048xi32, #tpu.memory_space<vmem>>, vector<8x128xi32>,
      %swap3A_313 = arith.constant 0 : index
      %swap3A_314 = arith.index_cast %multiple_of3A : i32 to index
      %swap3A_315 = vector.load %arg5[%swap3A_313, %swap3A_314] : memref<8x2048xf32, #tpu.memory_space<vmem>>, vector<8x128xf32>
      tpu.vector_store %arg5[%swap3A_313, %swap3A_314], %scan3A_307#5 {strides = array<i32>} : memref<8x2048xf32, #tpu.memory_space<vmem>>, vector<8x128xf32>,
      %swap3A_316 = arith.constant 0 : index
      %swap3A_317 = arith.index_cast %multiple_of3A : i32 to index
      %swap3A_318 = vector.load %arg6[%swap3A_316, %swap3A_317] : memref<8x2048xf32, #tpu.memory_space<vmem>>, vector<8x128xf32>
      tpu.vector_store %arg6[%swap3A_316, %swap3A_317], %scan3A_307#6 {strides = array<i32>} : memref<8x2048xf32, #tpu.memory_space<vmem>>, vector<8x128xf32>,
      %swap3A_319 = arith.constant 0 : index
      %swap3A_320 = arith.index_cast %multiple_of3A : i32 to index
      %swap3A_321 = vector.load %arg7[%swap3A_319, %swap3A_320] : memref<8x2048xf32, #tpu.memory_space<vmem>>, vector<8x128xf32>
      tpu.vector_store %arg7[%swap3A_319, %swap3A_320], %scan3A_307#7 {strides = array<i32>} : memref<8x2048xf32, #tpu.memory_space<vmem>>, vector<8x128xf32>,
      scf.yield %scan3A_307#0, %scan3A_307#1, %scan3A_307#2, %scan3A_307#3 : vector<8x1xi32>, vector<8x1xf32>, vector<8x1xf32>, vector<8x1xf32>
    }
    %scan3A_293 = arith.constant 16 : i32
    return
  }
}

</mosaic_0001>

<sc_bundles>
// kernel: kernel.4.cloned.1.call-start
scs
__scs_entry_jumppad:
0x0: {  	(pc) =	sbr.rel $0x88, $3  }
0x1: {  	(tag) =	ssettag $0x0;
	lr =	simm.s32 $0x1  }
0x2: {  	[smem:$0x3F9F] =	sst lr;
	_ =	strace $0xD0000000  }
0x3: {  	_ = 	snop  }
0x4: {  	_ = 	snop  }
0x5: {  	_ = 	snop  }
0x6: {  	_ = 	snop  }
0x7: {  	_ = 	snop  }
__scs_overlays_trampoline_lowered:
0x8: {  	[smem:$0x3FAE] =	sst s0  }
0x9: {  	[smem:$0x3FAF] =	sst s1  }
0xa: {  	[smem:$0x3FB0] =	sst s2  }
0xb: {  	[smem:$0x3FB1] =	sst s3  }
0xc: {  	[smem:$0x3FB2] =	sst s4  }
0xd: {  	[smem:$0x3FB3] =	sst s5  }
0xe: {  	[smem:$0x3FB4] =	sst s6  }
0xf: {  	[smem:$0x3FB5] =	sst s7  }
0x10: {  	[smem:$0x3FB6] =	sst s8  }
0x11: {  	[smem:$0x3FB7] =	sst s9;
	s0 =	simm.s32 @!p0 $0x0  }
0x12: {  	s1 =	sld [smem:$0x3F9D];
	s0 =	simm.s32 @p0 $0x1  }
0x13: {  	[smem:$0x3FB8] =	sst s0;
	s0 =	simm.s32 @!p1 $0x0  }
0x14: {  	s2 =	sld [smem:$0x3F9C];
	s0 =	simm.s32 @p1 $0x1  }
0x15: {  	[smem:$0x3FB9] =	sst s0;
	s0 =	simm.s32 @!p2 $0x0  }
0x16: {  	s3 =	sld [smem:$0x3FDB];
	s0 =	simm.s32 @p2 $0x1  }
0x17: {  	s4 =	simm.s32 $0x1BF5;
	[smem:$0x3FBB] =	sst s0  }
0x18: {  	s0 =	sld [smem:$0x3F9E];
	_ =	swait.ge [sflag:s4], $0x0  }
0x19: {  	s7 =	sld [smem:$0x3F9F]  }
0x1a: {  	s8 =	sadd.s32 $0xFFFFE003, lr  }
0x1b: {  	s9 =	sadd.s32 $0xFFFFFEF7, lr;
	s5 =	simm.s32 $0xFFFFFFFF;
	p2 =	slt.u32 s8, $0xFFFFF086  }
0x1c: {  	p1 =	slt.u32 s9, $0xF7A;
	s5 =	simm.s32 @!p2 $0x0  }
0x1d: {  	s5 =	simm.s32 @p1 $0x1;
	p0 =	seq.s32 s7, s2  }
0x1e: {  	s7 =	smul.u32 @!p0 $0xF7A, s2;
	p2 =	seq.s32 @!p0 s5, $0x0  }
0x1f: {  	s9 =	smul.u32 $0xF7A, s1;
	s8 =	simm.s32 @!p0 $0x1BF5;
	p2 =	por !p2, p0  }
0x20: {  	[sflag:s8] =	ssyncset.s32 @!p0 $0xFFFFF086;
	s6 =	sadd.s32 @!p0 s3, s7;
	s7 =	simm.s32 @!p0 $0x108  }
0x21: {  	s3 =	sadd.s32 s3, s9;
	s6 =	sadd.s32 @!p0 $0x88, s6;
	s7 =	simm.s32 @p2 $0x1082  }
0x22: {  	[simem:s7], [sflag:s8] =	dma.local @!p0 [hbm:s6], $0xF7A  }
0x23: {  	s9 =	sor.u32 $0xD0000000, s2;
	s6 =	simm.s32 $0x108;
	_ =	swait.ge @!p0 [sflag:s8], $0x0  }
0x24: {  	s3 =	sadd.s32 $0x88, s3;
	s6 =	simm.s32 @!p1 $0x1082;
	[sflag:s4] =	ssyncset.s32 $0xFFFFF086  }
0x25: {  	[simem:s6], [sflag:s4] =	dma.local [hbm:s3], $0xF7A  }
0x26: {  	[smem:$0x3F9F] =	sst s1;
	(tag) =	ssettag s2;
	_ =	strace s9  }
0x27: {  	s1 =	sld [smem:$0x3FAF]  }
0x28: {  	s2 =	sld [smem:$0x3FB0]  }
0x29: {  	s4 =	sld [smem:$0x3FB2]  }
0x2a: {  	p0 =	seq.s32 s5, $0x0;
	s5 =	sld [smem:$0x3FB3]  }
0x2b: {  	s6 =	sld [smem:$0x3FB4]  }
0x2c: {  	s7 =	sld [smem:$0x3FB5]  }
0x2d: {  	s3 =	simm.s32 $0x108;
	s8 =	sld [smem:$0x3FB6]  }
0x2e: {  	s3 =	simm.s32 @!p0 $0x1082;
	s9 =	sld [smem:$0x3FB7]  }
0x2f: {  	lr =	sadd.s32 s0, s3;
	s0 =	sld [smem:$0x3FAE]  }
0x30: {  	s3 =	sld [smem:$0x3FB1]  }
0x31: {  	[smem:$0x3FBA] =	sst s10  }
0x32: {  	s10 =	sld [smem:$0x3FB8];
	_ =	sdelay $0x3  }
0x33: {  	p0 =	seq.s32 s10, $0x1;
	s10 =	sld [smem:$0x3FBA];
	_ =	sdelay $0x3  }
0x34: {  	[smem:$0x3FBA] =	sst s10  }
0x35: {  	s10 =	sld [smem:$0x3FB9];
	_ =	sdelay $0x3  }
0x36: {  	p1 =	seq.s32 s10, $0x1;
	s10 =	sld [smem:$0x3FBA];
	_ =	sdelay $0x3  }
0x37: {  	[smem:$0x3FBA] =	sst s10  }
0x38: {  	s10 =	sld [smem:$0x3FBB]  }
0x39: {  	_ = 	snop;
	(pc) =	sbr.ind lr, $3  }
0x3a: {  	_ = 	snop  }
0x3b: {  	_ = 	snop  }
0x3c: {  	p2 =	seq.s32 s10, $0x1;
	s10 =	sld [smem:$0x3FBA]  }
0x3d: {  	_ =	shalt  }
0x3e: {  	_ =	shalt  }
0x3f: {  	_ =	shalt  }
0x40: {  	_ =	shalt  }
0x41: {  	_ =	shalt  }
0x42: {  	_ =	shalt  }
0x43: {  	_ =	shalt  }
0x44: {  	_ =	shalt  }
0x45: {  	_ =	shalt  }
0x46: {  	_ =	shalt  }
0x47: {  	_ =	shalt  }
0x48: {  	_ =	shalt  }
0x49: {  	_ =	shalt  }
0x4a: {  	_ =	shalt  }
0x4b: {  	_ =	shalt  }
0x4c: {  	_ =	shalt  }
0x4d: {  	_ =	shalt  }
0x4e: {  	_ =	shalt  }
0x4f: {  	_ =	shalt  }
0x50: {  	_ =	shalt  }
0x51: {  	_ =	shalt  }
0x52: {  	_ =	shalt  }
0x53: {  	_ =	shalt  }
0x54: {  	_ =	shalt  }
0x55: {  	_ =	shalt  }
0x56: {  	_ =	shalt  }
0x57: {  	_ =	shalt  }
0x58: {  	_ =	shalt  }
0x59: {  	_ =	shalt  }
0x5a: {  	_ =	shalt  }
0x5b: {  	_ =	shalt  }
0x5c: {  	_ =	shalt  }
0x5d: {  	_ =	shalt  }
0x5e: {  	_ =	shalt  }
0x5f: {  	_ =	shalt  }
0x60: {  	_ =	shalt  }
0x61: {  	_ =	shalt  }
0x62: {  	_ =	shalt  }
0x63: {  	_ =	shalt  }
0x64: {  	_ =	shalt  }
0x65: {  	_ =	shalt  }
0x66: {  	_ =	shalt  }
0x67: {  	_ =	shalt  }
0x68: {  	_ =	shalt  }
0x69: {  	_ =	shalt  }
0x6a: {  	_ =	shalt  }
0x6b: {  	_ =	shalt  }
0x6c: {  	_ =	shalt  }
0x6d: {  	_ =	shalt  }
0x6e: {  	_ =	shalt  }
0x6f: {  	_ =	shalt  }
0x70: {  	_ =	shalt  }
0x71: {  	_ =	shalt  }
0x72: {  	_ =	shalt  }
0x73: {  	_ =	shalt  }
0x74: {  	_ =	shalt  }
0x75: {  	_ =	shalt  }
0x76: {  	_ =	shalt  }
0x77: {  	_ =	shalt  }
0x78: {  	_ =	shalt  }
0x79: {  	_ =	shalt  }
0x7a: {  	_ =	shalt  }
0x7b: {  	_ =	shalt  }
0x7c: {  	_ =	shalt  }
0x7d: {  	_ =	shalt  }
0x7e: {  	_ =	shalt  }
0x7f: {  	_ =	shalt  }
0x80: {  	_ =	shalt  }
0x81: {  	_ =	shalt  }
0x82: {  	_ =	shalt  }
0x83: {  	_ =	shalt  }
0x84: {  	_ =	shalt  }
0x85: {  	_ =	shalt  }
0x86: {  	_ =	shalt  }
0x87: {  	_ =	shalt  }
.Lfunc_end0:
.L_simem_size_0:
called_computation.1_lowered:
.L_overlay_start_0:
0x88: {  	s2 =	sld [smem:$0x3FD9]  }
0x89: {  	s3 =	sld [smem:$0x3FFE];
	_ =	sdelay $0x1  }
0x8a: {  	s1 =	srdreg.scid  }
0x8b: {  	s0 =	sand.u32 $0x1, s1  }
0x8c: {  	s14 =	sshll.u32 s0, $0xA;
	s2 =	sadd.s32 s3, s2  }
0x8d: {  	s2 =	sadd.s32 s2, s14  }
0x8e: {  	[smem:$0x3FC6] =	sst s2  }
0x8f: {  	_ = 	snop  }
0x90: {  	s2 =	sld [smem:$0x3FD0];
	_ =	sdelay $0x2  }
0x91: {  	s15 =	simm.s32 $0xA;
	s4 =	simm.s32 $0x10  }
0x92: {  	[smem:s4], [sflag:s15] =	dma.local [hbm:s2], $0x1  }
0x93: {  	_ =	swait.eq [sflag:s15], $0x1  }
0x94: {  	[sflag:s15] =	ssyncset.done $0x0  }
0x95: {  	[sflag:s15] =	ssyncadd.s32 $0xFFFFFFFF  }
0x96: {  	s16 =	sld [smem:$0x11];
	(tm) =	ssettm $0x1  }
0x97: {  	s17 =	sld [smem:$0x3FFB];
	_ =	sdelay $0x3  }
0x98: {  	_ =	strace s17  }
0x99: {  	s3 =	sld [smem:$0x3FFC];
	_ =	sdelay $0x3  }
0x9a: {  	_ =	strace s3  }
0x9b: {  	s3 =	sld [smem:$0x3FFD];
	_ =	sdelay $0x3  }
0x9c: {  	_ =	strace s3  }
0x9d: {  	_ =	strace $0x8FFFFFFF  }
0x9e: {  	s18 =	sld [smem:$0x3FDB];
	_ =	sdelay $0x1  }
0x9f: {  	s19 =	simm.s32 $_scs_section_size  }
0xa0: {  	s5 =	simm.s32 $_size__tile_overlayer_lowered;
	s6 =	simm.s32 $_tile_overlayer_lowered  }
0xa1: {  	s22 =	simm.s32 $0x1BFF;
	s21 =	sshll.u32 s6, $0x1;
	s3 =	sadd.s32 s19, s18  }
0xa2: {  	s7 =	simm.s32 $0x0;
	s20 =	sshll.u32 s5, $0x1;
	s5 =	sadd.s32 s21, s3  }
0xa3: {  	[timem:s7], [sflag:s22] =	dma.local [hbm:s5], s20  }
0xa4: {  	_ =	swait.ge [sflag:s22], s20  }
0xa5: {  	s4 =	ssub.s32 $0x0, s20;
	[sflag:s22] =	ssyncset.done $0x0  }
0xa6: {  	[sflag:s22] =	ssyncadd.s32 s4;
	_ =	sdelay $0x1  }
0xa7: {  	s23 =	simm.s32 $0x1B8B  }
0xa8: {  	_ =	swait.ge [sflag:s23], $0x1  }
0xa9: {  	[sflag:s23] =	ssyncset.done $0x0  }
0xaa: {  	s25 =	simm.s32 $0x1B8E;
	s24 =	sld [smem:$0x3FFE];
	[sflag:s23] =	ssyncadd.s32 $0xFFFFFFFF  }
0xab: {  	s26 =	simm.s32 $execute0_lowered;
	[smem:$0x3FD2] =	sst s25  }
0xac: {  	s5 =	sshll.u32 s26, $0x1;
	_ =	strace $0x80000049;
	[dreg:$0x1] =	wrdreg $0xFFFFFFFF  }
0xad: {  	s28 =	simm.s32 $_size_execute0_lowered;
	s3 =	sadd.s32 s3, s5;
	[dreg:$0x0] =	wrdreg $0x0  }
0xae: {  	s5 =	sshll.u32 s28, $0x1;
	[dreg:$0x2] =	wrdreg s3  }
0xaf: {  	[dreg:$0x3] =	wrdreg s5  }
0xb0: {  	[dreg:$0x4] =	wrdreg $0xC0  }
0xb1: {  	_ =	task [dreg:s7], $0x5FFFF  }
0xb2: {  	[dreg:$0x1] =	wrdreg $0xFFFFFFFF  }
0xb3: {  	[dreg:$0x0] =	wrdreg $0x60  }
0xb4: {  	[dreg:$0x2] =	wrdreg s24  }
0xb5: {  	[dreg:$0x3] =	wrdreg s16  }
0xb6: {  	[dreg:$0x4] =	wrdreg $0x9  }
0xb7: {  	_ =	task.clear_ibuf [dreg:s7], $0x5FFFF;
	_ =	strace $0x90000049  }
0xb8: {  	s29 =	simm.s32 $0x9;
	_ =	strace $0x8000004B  }
0xb9: {  	_ =	swait.ge [sflag:s29], $0x1  }
0xba: {  	[sflag:s29] =	ssyncadd.s32 $0xFFFFFFFF  }
0xbb: {  	_ =	strace $0x9000004B  }
0xbc: {  	_ =	sfence  }
0xbd: {  	s30 =	sld [smem:$0x0];
	_ =	sdelay $0x2  }
0xbe: {  	s31 =	sshll.u32 s1, $0xD;
	s1 =	sshrl.u32 s1, $0x2  }
0xbf: {  	s3 =	sand.u32 $0x4000, s31;
	s1 =	sadd.s32 s1, s30  }
0xc0: {  	s0 =	sor.u32 s3, s0;
	s1 =	sshll.u32 s1, $0x11  }
0xc1: {  	s0 =	sor.u32 s1, s0  }
0xc2: {  	s0 =	sadd.s32 $0x8F2B, s0  }
0xc3: {  	[sflag:s0] =	ssyncadd.remote.s32 $0x1  }
0xc4: {  	_ =	sfence.sel $0xFFFF  }
0xc5: {  	[dreg:$0x0] =	wrdreg $0xFFFFFFFF;
	(pc) =	sbr.abs _section_cstart, $3  }
0xc6: {  	[dreg:$0x1] =	wrdreg $0xFFFFFFFF  }
0xc7: {  	_ =	task.clear_ibuf [dreg:s7], $0x2FFFF;
	_ =	strace $0x9FFFFFFF  }
0xc8: {  	(tm) =	ssettm $0x7FFFFFFF  }
0xc9: {  	_ =	shalt  }
tec
execute0_lowered:
.L_overlay_start_1:
0x0: {  	(tag) =	ssettag $0x1  }
0x1: {  	s0 =	srdreg.scid  }
0x2: {  	s14 =	rddreg [dreg:$0x0];
	s15 =	sand.u32 $0x1, s0  }
0x3: {  	s3 =	rddreg [dreg:$0x1];
	s1 =	stileid.u32;
	s2 =	sshll.u32 s15, $0x4  }
0x4: {  	s0 =	rddreg [dreg:$0x2];
	s4 =	sshll.u32 s1, $0x6;
	s16 =	sor.u32 s1, s2  }
0x5: {  	s4 =	sand.u32 $0x40, s4;
	s2 =	simm.s32 $0x0;
	s5 =	sshll.u32 s16, $0x6  }
0x6: {  	s3 =	sadd.s32 s3, s4;
	[smem:$0x7FF] =	sst s2;
	s5 =	sand.u32 $0x780, s5  }
0x7: {  	_ =	strace $0x8000004A;
	s4 =	sadd.s32 s5, s3;
	s3 =	simm.s32 $0x2  }
0x8: {  	[tilespmem:s2], [sflag:$0x2] =	stream.linear.gather [hbm4b:s4+s2], $0x200, $0x38;
	[tilespmem:$0x10200] =	vst v63  }
0x9: {  	_ =	swait.ge [sflag:s3], $0x200  }
0xa: {  	s6 =	simm.s32 $0x80;
	[sflag:s3] =	ssyncset.done $0x0  }
0xb: {  	s7 =	simm.s32 $0x200;
	s5 =	sadd.s32 $0x1000, s14;
	[sflag:s3] =	ssyncadd.s32 $0xFFFFFE00  }
0xc: {  	[tilespmem:s7], [sflag:$0x1] =	stream.indirect.gather [hbm4b:s5+s6], $0x80, s2, s6, $0xb8;
	[tilespmem:$0x10200] =	vst v63  }
0xd: {  	s8 =	simm.s32 $0x4200  }
0xe: {  	[tilespmem:s8], [sflag:$0x1] =	stream.indirect.gather [hbm4b:s5+s6], $0x80, s6, s6, $0xb8;
	[tilespmem:$0x10200] =	vst v63  }
0xf: {  	s9 =	simm.s32 $0x100;
	s10 =	simm.s32 $0x8200  }
0x10: {  	[tilespmem:s10], [sflag:$0x1] =	stream.indirect.gather [hbm4b:s5+s6], $0x80, s9, s6, $0xb8;
	[tilespmem:$0x10200] =	vst v63  }
0x11: {  	s11 =	simm.s32 $0x180;
	s12 =	simm.s32 $0xC200;
	s13 =	simm.s32 $0x1  }
0x12: {  	[tilespmem:s12], [sflag:$0x1] =	stream.indirect.gather [hbm4b:s5+s6], $0x80, s11, s6, $0xb8;
	[tilespmem:$0x10200] =	vst v63  }
0x13: {  	_ =	swait.ge [sflag:s13], $0x4000  }
0x14: {  	[sflag:s13] =	ssyncset.done $0x0  }
0x15: {  	[sflag:s13] =	ssyncadd.s32 $0xFFFFC000  }
0x16: {  	_ =	swait.ge [sflag:s13], $0x4000  }
0x17: {  	[sflag:s13] =	ssyncset.done $0x0  }
0x18: {  	s15 =	ssub.s32 $0x2, s15;
	[sflag:s13] =	ssyncadd.s32 $0xFFFFC000  }
0x19: {  	s17 =	sshrl.u32 s15, $0x1;
	_ =	swait.ge [sflag:s13], $0x4000  }
0x1a: {  	s15 =	ssub.s32 s15, s17;
	[sflag:s13] =	ssyncset.done $0x0  }
0x1b: {  	s15 =	smax.u32 s15, $0x1;
	[sflag:s13] =	ssyncadd.s32 $0xFFFFC000  }
0x1c: {  	s16 =	sshll.u32 s16, $0xD;
	p0 =	sne.s32 s15, $0x1;
	_ =	swait.ge [sflag:s13], $0x4000  }
.Ltmp0:
0x1d: {  	s14 =	sadd.s32 s16, s14;
	[sflag:s13] =	ssyncset.done $0x0;
	(pc) =	sbr.rel @!p0 .LBB2_2-.Ltmp0, $4  }
0x1e: {  	s14 =	sadd.s32 $0x101000, s14;
	[sflag:s13] =	ssyncadd.s32 $0xFFFFC000  }
0x1f: {  	[hbm4b:s14+s2] =	stream.linear.scatter [tilespmem:s7], [sflag:$0x2], $0x10000, $0x38;
	[tilespmem:$0x10200] =	vst v63  }
0x20: {  	_ =	swait.ge [sflag:s3], $0x10000  }
0x21: {  	s15 =	sadd.s32 $0xFFFFFFFF, s15;
	[sflag:s3] =	ssyncset.done $0x0  }
.LBB2_1:
0x22: {  	p0 =	sne.s32 s15, $0x1;
	s15 =	sadd.s32 $0xFFFFFFFF, s15;
	[sflag:s3] =	ssyncadd.s32 $0xFFFF0000  }
0x23: {  	[tilespmem:s2], [sflag:$0x2] =	stream.linear.gather [hbm4b:s4+s2], $0x200, $0x38;
	[tilespmem:$0x10200] =	vst v63  }
0x24: {  	_ =	swait.ge [sflag:s3], $0x200  }
0x25: {  	[sflag:s3] =	ssyncset.done $0x0  }
0x26: {  	[sflag:s3] =	ssyncadd.s32 $0xFFFFFE00  }
0x27: {  	[tilespmem:s7], [sflag:$0x1] =	stream.indirect.gather [hbm4b:s5+s6], $0x80, s2, s6, $0xb8;
	[tilespmem:$0x10200] =	vst v63  }
0x28: {  	_ = 	snop  }
0x29: {  	[tilespmem:s8], [sflag:$0x1] =	stream.indirect.gather [hbm4b:s5+s6], $0x80, s6, s6, $0xb8;
	[tilespmem:$0x10200] =	vst v63  }
0x2a: {  	_ = 	snop  }
0x2b: {  	[tilespmem:s10], [sflag:$0x1] =	stream.indirect.gather [hbm4b:s5+s6], $0x80, s9, s6, $0xb8;
	[tilespmem:$0x10200] =	vst v63  }
0x2c: {  	_ = 	snop  }
0x2d: {  	[tilespmem:s12], [sflag:$0x1] =	stream.indirect.gather [hbm4b:s5+s6], $0x80, s11, s6, $0xb8;
	[tilespmem:$0x10200] =	vst v63  }
0x2e: {  	_ =	swait.ge [sflag:s13], $0x4000  }
0x2f: {  	[sflag:s13] =	ssyncset.done $0x0  }
0x30: {  	[sflag:s13] =	ssyncadd.s32 $0xFFFFC000  }
0x31: {  	_ =	swait.ge [sflag:s13], $0x4000  }
0x32: {  	[sflag:s13] =	ssyncset.done $0x0  }
0x33: {  	[sflag:s13] =	ssyncadd.s32 $0xFFFFC000  }
0x34: {  	_ =	swait.ge [sflag:s13], $0x4000  }
0x35: {  	[sflag:s13] =	ssyncset.done $0x0  }
0x36: {  	[sflag:s13] =	ssyncadd.s32 $0xFFFFC000  }
0x37: {  	_ =	swait.ge [sflag:s13], $0x4000  }
.Ltmp1:
0x38: {  	[sflag:s13] =	ssyncset.done $0x0;
	(pc) =	sbr.rel @p0 .LBB2_1-.Ltmp1, $4  }
0x39: {  	[sflag:s13] =	ssyncadd.s32 $0xFFFFC000  }
0x3a: {  	[hbm4b:s14+s2] =	stream.linear.scatter [tilespmem:s7], [sflag:$0x2], $0x10000, $0x38;
	[tilespmem:$0x10200] =	vst v63  }
0x3b: {  	_ =	swait.ge [sflag:s3], $0x10000  }
0x3c: {  	[sflag:s3] =	ssyncset.done $0x0  }
.LBB2_2:
0x3d: {  	[sflag:s3] =	ssyncadd.s32 $0xFFFF0000  }
0x3e: {  	_ =	sfence.sel $0x180000  }
0x3f: {  	[bflag:$0x0] =	sbarrier.arrive $0xFFFF  }
0x40: {  	p0 =	sne.s32 s1, $0x0;
	_ =	strace $0x9000004A  }
0x41: {  	s0 =	sadd.s32 @!p0 $0x100000, s0;
	[bflag:$0x2] =	sbarrier.arrive $0xFFFF  }
0x42: {  	[sflag:s0] =	ssyncadd.tile.s32 @!p0 $0x1;
	_ =	shalt  }
.Lfunc_end2:
_tile_overlayer_lowered:
.L_overlay_start_2:
0x43: {  	(tag) =	ssettag $0x2  }
0x44: {  	s0 =	rddreg [dreg:$0x0];
	s2 =	stileid.u32  }
0x45: {  	s1 =	rddreg [dreg:$0x1];
	p0 =	sne.s32 s2, $0x0  }
0x46: {  	s3 =	rddreg [dreg:$0x2];
	[bflag:$0x3] =	sbarrier.arrive $0xFFFF;
	s2 =	simm.s32 @!p0 $0x1C02  }
0x47: {  	[timem:s3], [sflag:s2] =	dma.local @!p0 [hbm:s0], s1  }
0x48: {  	s0 =	simm.s32 @!p0 $0x2  }
0x49: {  	_ =	swait.ge @!p0 [sflag:s0], s1  }
0x4a: {  	s1 =	ssub.s32 @!p0 $0x0, s1;
	[sflag:s0] =	ssyncset.done @!p0 $0x0  }
0x4b: {  	[sflag:s0] =	ssyncadd.s32 @!p0 s1  }
0x4c: {  	[bflag:$0x3] =	sbarrier.arrive $0xFFFF  }
0x4d: {  	_ =	shalt  }

// kernel: sparse-core-data-format-call.cloned.1.call-start
scs
called_computation_lowered:
.L_overlay_start_0:
0x0: {  	s2 =	sld [smem:$0x3FD9]  }
0x1: {  	s3 =	sld [smem:$0x3FFE];
	_ =	sdelay $0x1  }
0x2: {  	s1 =	srdreg.scid  }
0x3: {  	s0 =	sand.u32 $0x1, s1  }
0x4: {  	s18 =	sshll.u32 s0, $0xA;
	s2 =	sadd.s32 s3, s2  }
0x5: {  	s2 =	sadd.s32 s2, s18  }
0x6: {  	[smem:$0x3FC6] =	sst s2  }
0x7: {  	_ = 	snop  }
0x8: {  	s2 =	sld [smem:$0x3FC8];
	(tm) =	ssettm $0x1  }
0x9: {  	s19 =	sld [smem:$0x3FFB];
	_ =	sdelay $0x3  }
0xa: {  	_ =	strace s19  }
0xb: {  	s3 =	sld [smem:$0x3FFC];
	_ =	sdelay $0x3  }
0xc: {  	_ =	strace s3  }
0xd: {  	s3 =	sld [smem:$0x3FFD];
	_ =	sdelay $0x3  }
0xe: {  	_ =	strace s3  }
0xf: {  	_ =	strace $0x8FFFFFFF  }
0x10: {  	s20 =	sld [smem:$0x3FDB];
	_ =	sdelay $0x1  }
0x11: {  	s4 =	simm.s32 $_scs_section_size  }
0x12: {  	s5 =	simm.s32 $_size__tile_overlayer_lowered;
	s6 =	simm.s32 $_tile_overlayer_lowered  }
0x13: {  	s23 =	simm.s32 $0x1BFF;
	s22 =	sshll.u32 s6, $0x1;
	s3 =	sadd.s32 s4, s20  }
0x14: {  	s7 =	simm.s32 $0x0;
	s21 =	sshll.u32 s5, $0x1;
	s5 =	sadd.s32 s22, s3  }
0x15: {  	[timem:s7], [sflag:s23] =	dma.local [hbm:s5], s21  }
0x16: {  	_ =	swait.ge [sflag:s23], s21  }
0x17: {  	s4 =	ssub.s32 $0x0, s21;
	[sflag:s23] =	ssyncset.done $0x0  }
0x18: {  	[sflag:s23] =	ssyncadd.s32 s4;
	_ =	sdelay $0x1  }
0x19: {  	s24 =	simm.s32 $0x1B8B  }
0x1a: {  	_ =	swait.ge [sflag:s24], $0x1  }
0x1b: {  	[sflag:s24] =	ssyncset.done $0x0  }
0x1c: {  	s26 =	simm.s32 $0x1B8E;
	s25 =	sld [smem:$0x3FFE];
	[sflag:s24] =	ssyncadd.s32 $0xFFFFFFFF  }
0x1d: {  	s27 =	simm.s32 $execute0_lowered;
	[smem:$0x3FD2] =	sst s26  }
0x1e: {  	s5 =	sshll.u32 s27, $0x1;
	_ =	strace $0x80000046;
	[dreg:$0x1] =	wrdreg $0xFFFFFFFF  }
0x1f: {  	s28 =	simm.s32 $_size_execute0_lowered;
	s3 =	sadd.s32 s3, s5;
	[dreg:$0x0] =	wrdreg $0x0  }
0x20: {  	s5 =	sshll.u32 s28, $0x1;
	[dreg:$0x2] =	wrdreg s3  }
0x21: {  	[dreg:$0x3] =	wrdreg s5  }
0x22: {  	[dreg:$0x4] =	wrdreg $0xC0  }
0x23: {  	_ =	task [dreg:s7], $0x5FFFF  }
0x24: {  	[dreg:$0x1] =	wrdreg $0xFFFFFFFF  }
0x25: {  	[dreg:$0x0] =	wrdreg $0x60  }
0x26: {  	[dreg:$0x2] =	wrdreg s2  }
0x27: {  	[dreg:$0x3] =	wrdreg s25  }
0x28: {  	[dreg:$0x4] =	wrdreg $0x9  }
0x29: {  	_ =	task.clear_ibuf [dreg:s7], $0x5FFFF;
	_ =	strace $0x90000046  }
0x2a: {  	s29 =	simm.s32 $0x9;
	_ =	strace $0x80000048  }
0x2b: {  	_ =	swait.ge [sflag:s29], $0x1  }
0x2c: {  	[sflag:s29] =	ssyncadd.s32 $0xFFFFFFFF  }
0x2d: {  	_ =	strace $0x90000048  }
0x2e: {  	_ =	sfence  }
0x2f: {  	s30 =	sld [smem:$0x0];
	_ =	sdelay $0x2  }
0x30: {  	s31 =	sshll.u32 s1, $0xD;
	s1 =	sshrl.u32 s1, $0x2  }
0x31: {  	s3 =	sand.u32 $0x4000, s31;
	s1 =	sadd.s32 s1, s30  }
0x32: {  	s0 =	sor.u32 s3, s0;
	s1 =	sshll.u32 s1, $0x11  }
0x33: {  	s0 =	sor.u32 s1, s0  }
0x34: {  	s0 =	sadd.s32 $0x8F2B, s0  }
0x35: {  	[sflag:s0] =	ssyncadd.remote.s32 $0x1  }
0x36: {  	_ =	sfence.sel $0xFFFF  }
0x37: {  	[dreg:$0x0] =	wrdreg $0xFFFFFFFF;
	(pc) =	sbr.abs _section_cstart, $3  }
0x38: {  	[dreg:$0x1] =	wrdreg $0xFFFFFFFF  }
0x39: {  	_ =	task.clear_ibuf [dreg:s7], $0x2FFFF;
	_ =	strace $0x9FFFFFFF  }
0x3a: {  	(tm) =	ssettm $0x7FFFFFFF  }
0x3b: {  	_ =	shalt  }
tec
execute0_lowered:
.L_overlay_start_1:
0x0: {  	(tag) =	ssettag $0x1  }
0x1: {  	s0 =	stileid.u32  }
0x2: {  	s1 =	srdreg.scid;
	s2 =	rddreg [dreg:$0x0]  }
0x3: {  	s4 =	rddreg [dreg:$0x1];
	s7 =	simm.s32 $0x1;
	s8 =	simm.s32 $0x2  }
0x4: {  	s15 =	simm.s32 $0x0;
	s3 =	sshll.u32 s0, $0x4;
	s1 =	sshll.u32 s1, $0x8  }
0x5: {  	s13 =	simm.s32 $0x0;
	s14 =	simm.s32 $0x0;
	s1 =	sor.u32 s3, s1  }
0x6: {  	s10 =	simm.s32 $0x0;
	s12 =	simm.s32 $0x0;
	s3 =	sand.u32 $0x180, s1  }
0x7: {  	s4 =	sadd.s32 $0x1000, s4;
	s1 =	rddreg [dreg:$0x2];
	s6 =	ssub.s32 $0x2000, s3  }
.Ltmp0:
0x8: {  	_ =	strace $0x80000047;
	s5 =	sand.u32 $0x180, s6;
	(pc) =	sbr.rel .LBB1_1-.Ltmp0, $4  }
0x9: {  	s9 =	smov.u32 s3;
	p0 =	sne.s32 s5, $0x0;
	s5 =	simm.s32 $0x1  }
0xa: {  	s6 =	sshrl.u32 s6, $0x9;
	s7 =	simm.s32 @!p0 $0x0;
	[sflag:s5] =	ssyncpa.u1 $0x0  }
0xb: {  	p0 =	por $0x0, $0x0;
	s6 =	sadd.s32 s7, s6;
	s7 =	sand.u32 $0x7, s0  }
0xc: {  	[sflag:s8] =	ssyncpa.u1 $0x0;
	s8 =	sadd.s32 $0x1, s6;
	s11 =	smov.u32 s7  }
.LBB1_4:
0xd: {  	v5 =	vld [tilespmem:s19+$0xFFFFFFD0];
	[tilespmem:s18+$0x2040 ss:$0x81] =	vst.msk $0xffff, v1  }
0xe: {  	v58 =	vld [tilespmem:s19+$0xFFFFFFE0];
	[tilespmem:s18+$0x2850 ss:$0x81] =	vst.msk $0xffff, v2  }
0xf: {  	s20 =	sshra.s32 s20, $0x2;
	v59 =	vld [tilespmem:s19+$0xFFFFFFF0];
	[tilespmem:s18+$0x3060 ss:$0x81] =	vst.msk $0xffff, v3  }
0x10: {  	v60 =	vld [tilespmem:s19+$0x0];
	[tilespmem:s18+$0x0 ss:$0x81] =	vst.msk $0xffff, v0;
	s17 =	sadd.s32 s20, s17  }
0x11: {  	v61 =	vld [tilespmem:s19+$0x10];
	[tilespmem:s17+$0x3870 ss:$0x81] =	vst.msk $0xffff, v4  }
0x12: {  	v62 =	vld [tilespmem:s19+$0x20];
	s15 =	sshll.u32 s15, $0x7;
	s28 =	sshll.u32 s13, $0x3;
	[tilespmem:s17+$0x810 ss:$0x81] =	vst.msk $0xffff, v5  }
0x13: {  	v63 =	vld [tilespmem:s19+$0xFFFFFFC0];
	s29 =	sand.u32 $0xFFC00, s15;
	s18 =	sand.u32 $0xFFC00, s28;
	[tilespmem:s17+$0x1020 ss:$0x81] =	vst.msk $0xffff, v58  }
0x14: {  	s15 =	sand.u32 $0x380, s15;
	s18 =	sadd.s32 s18, s29;
	[tilespmem:s17+$0x1830 ss:$0x81] =	vst.msk $0xffff, v59  }
0x15: {  	s14 =	sshll.u32 s14, $0x11;
	s30 =	sshrl.u32 s13, $0x3;
	s15 =	sor.u32 s15, s18;
	[tilespmem:s17+$0x2040 ss:$0x81] =	vst.msk $0xffff, v60  }
0x16: {  	s14 =	sadd.s32 s4, s14;
	s18 =	sand.u32 $0xF, s30;
	s15 =	sshrl.u32 s15, $0x3;
	[tilespmem:s17+$0x2850 ss:$0x81] =	vst.msk $0xffff, v61  }
0x17: {  	s14 =	sadd.s32 s18, s14;
	[tilespmem:s17+$0x3060 ss:$0x81] =	vst.msk $0xffff, v62;
	s15 =	sand.u32 $0x1FFF0, s15  }
0x18: {  	s31 =	sand.u32 $0x7, s13;
	[tilespmem:s17+$0x0 ss:$0x81] =	vst.msk $0xffff, v63;
	s14 =	sadd.s32 s15, s14  }
0x19: {  	[hbm4b:s14+s31] =	stream.linear.scatter [tilespmem:s16], [sflag:$0x2], $0x4000, $0x20;
	[tilespmem:$0x10100] =	vst v63  }
.LBB1_5:
0x1a: {  	s16 =	sadd.s32 $0x200, s9  }
0x1b: {  	s13 =	sadd.s32 $0x80, s10;
	s17 =	smov.u32 s10;
	p2 =	sgt.s32 s16, $0x1FFF  }
0x1c: {  	s17 =	smov.u32 @p2 s13  }
0x1d: {  	s19 =	smov.u32 s11;
	s13 =	sadd.s32 $0x8, s11;
	p3 =	sgt.s32 s17, $0x7F  }
0x1e: {  	s19 =	smov.u32 @p3 s13  }
0x1f: {  	s16 =	smov.u32 @p2 s3;
	p2 =	sgt.s32 s19, $0x7  }
0x20: {  	p1 =	slt.u32 s12, $0x2;
	s19 =	smov.u32 @p2 s7;
	p2 =	sne.s32 s12, s8  }
.Ltmp1:
0x21: {  	s18 =	simm.s32 @!p1 $0x2;
	(pc) =	sbr.rel @!p2 .LBB1_6-.Ltmp1, $4  }
0x22: {  	s15 =	smov.u32 s9;
	s14 =	smov.u32 s11;
	_ =	swait.ge @!p1 [sflag:s18], $0x4000  }
0x23: {  	p0 =	por !p0, !p0;
	[sflag:s18] =	ssyncset.done @!p1 $0x0;
	s9 =	smov.u32 s16  }
0x24: {  	s17 =	simm.s32 @p3 $0x0;
	s13 =	smov.u32 s10;
	[sflag:s18] =	ssyncadd.s32 @!p1 $0xFFFFC000  }
0x25: {  	s10 =	smov.u32 s17;
	s12 =	sadd.s32 $0x1, s12;
	s11 =	smov.u32 s19  }
.LBB1_1:
0x26: {  	p1 =	sge.u32 s12, s6;
	s31 =	sadd.s32 $0xFFFFFFFF, s12  }
0x27: {  	s16 =	sxor.u32 @!p1 $0xFFFFFFFF, s12;
	s17 =	sand.u32 @!p1 $0x78, s9;
	s18 =	sshll.u32 @!p1 s10, $0xD  }
0x28: {  	s19 =	sshll.u32 @!p1 s10, $0x7;
	s20 =	sshll.u32 @!p1 s9, $0x3;
	s16 =	sshll.u32 @!p1 s16, $0xE  }
0x29: {  	s18 =	sand.u32 @!p1 $0xF0000, s18;
	s19 =	sand.u32 @!p1 $0x380, s19;
	s16 =	sand.u32 @!p1 $0x4000, s16  }
0x2a: {  	s18 =	sadd.s32 @!p1 s18, s20;
	s20 =	sand.u32 @!p1 $0x1C00, s20;
	s17 =	sor.u32 @!p1 s19, s17  }
0x2b: {  	s19 =	sshll.u32 @!p1 s11, $0x11;
	s17 =	sor.u32 @!p1 s20, s17;
	s18 =	sshrl.u32 @!p1 s18, $0x3  }
0x2c: {  	s19 =	sadd.s32 @!p1 s2, s19;
	s20 =	sand.u32 @!p1 $0x7, s9;
	s18 =	sand.u32 @!p1 $0x1FC00, s18  }
0x2d: {  	s17 =	sshrl.u32 @!p1 s17, $0x3;
	s18 =	sadd.s32 @!p1 s18, s19;
	s19 =	sshll.u32 @!p1 s20, $0x12  }
0x2e: {  	s17 =	sadd.s32 @!p1 s17, s18;
	s18 =	sor.u32 @!p1 $0x400, s19;
	s19 =	simm.s32 @!p1 $0x10000  }
0x2f: {  	[tilespmem:s16], [sflag:$0x1] =	stream.strided.gather @!p1 [hbm4b:s17+s18], $0x4000, s19, s18, $0x38;
	[tilespmem:$0x10100] =	vst v63  }
0x30: {  	p1 =	sge.u32 s31, s6  }
.Ltmp2:
0x31: {  	_ = 	snop;
	(pc) =	sbr.rel @p1 .LBB1_5-.Ltmp2, $1  }
0x32: {  	_ =	sdelay $0x3  }
0x33: {  	s16 =	simm.s32 $0x1  }
0x34: {  	_ =	swait.ge [sflag:s5], $0x4000;
	s16 =	simm.s32 @!p0 $0x0  }
0x35: {  	[sflag:s5] =	ssyncset.done $0x0;
	s17 =	sshll.u32 s16, $0xE  }
0x36: {  	[sflag:s5] =	ssyncadd.s32 $0xFFFFC000;
	s19 =	sor.u32 $0x40, s17  }
0x37: {  	s16 =	smul.u32 $0x10200, s16;
	v0 =	vld [tilespmem:s19+$0x30]  }
0x38: {  	v3 =	vld [tilespmem:s19+$0xFFFFFFD0]  }
0x39: {  	s16 =	sshrl.u32 s16, $0x2;
	v4 =	vld [tilespmem:s19+$0xFFFFFFE0]  }
0x3a: {  	v5 =	vld [tilespmem:s19+$0xFFFFFFF0];
	s17 =	sor.u32 $0x8000, s16  }
0x3b: {  	s31 =	sand.u32 $0x1, s12;
	v1 =	vld [tilespmem:s19+$0x0];
	s18 =	sadd.s32 $0x0, s17  }
0x3c: {  	v2 =	vld [tilespmem:s19+$0x10];
	s16 =	smul.u32 $0x10200, s31;
	[tilespmem:s18+$0x3870 ss:$0x81] =	vst.msk $0xffff, v0  }
0x3d: {  	[tilespmem:s18+$0x810 ss:$0x81] =	vst.msk $0xffff, v3;
	v3 =	vld [tilespmem:s19+$0x20]  }
0x3e: {  	s16 =	sshrl.u32 s16, $0x2;
	v0 =	vld [tilespmem:s19+$0xFFFFFFC0];
	[tilespmem:s18+$0x1020 ss:$0x81] =	vst.msk $0xffff, v4;
	s19 =	sadd.s32 $0x80, s19  }
0x3f: {  	s20 =	simm.s32 $0x4;
	s21 =	simm.s32 $0x8;
	s16 =	sor.u32 $0x8000, s16;
	[tilespmem:s18+$0x1830 ss:$0x81] =	vst.msk $0xffff, v5;
	v4 =	vld [tilespmem:s19+$0x30]  }
.LBB1_3:
0x40: {  	p1 =	sne.s32 s21, $0x1FC;
	v5 =	vld [tilespmem:s19+$0xFFFFFFD0];
	[tilespmem:s18+$0x2040 ss:$0x81] =	vst.msk $0xffff, v1  }
0x41: {  	v6 =	vld [tilespmem:s19+$0xFFFFFFE0];
	[tilespmem:s18+$0x2850 ss:$0x81] =	vst.msk $0xffff, v2  }
0x42: {  	s22 =	sshra.s32 s20, $0x2;
	s20 =	smov.u32 s21;
	v7 =	vld [tilespmem:s19+$0xFFFFFFF0];
	[tilespmem:s18+$0x3060 ss:$0x81] =	vst.msk $0xffff, v3  }
.Ltmp3:
0x43: {  	v1 =	vld [tilespmem:s19+$0x0];
	[tilespmem:s18+$0x0 ss:$0x81] =	vst.msk $0xffff, v0;
	s18 =	sadd.s32 s22, s17;
	(pc) =	sbr.rel @p1 .LBB1_3-.Ltmp3, $4  }
0x44: {  	v2 =	vld [tilespmem:s19+$0x10];
	[tilespmem:s18+$0x3870 ss:$0x81] =	vst.msk $0xffff, v4  }
0x45: {  	[tilespmem:s18+$0x810 ss:$0x81] =	vst.msk $0xffff, v5;
	v3 =	vld [tilespmem:s19+$0x20]  }
0x46: {  	v0 =	vld [tilespmem:s19+$0xFFFFFFC0];
	[tilespmem:s18+$0x1020 ss:$0x81] =	vst.msk $0xffff, v6;
	s19 =	sadd.s32 $0x80, s19  }
0x47: {  	s21 =	sadd.s32 $0x4, s21;
	v4 =	vld [tilespmem:s19+$0x30];
	[tilespmem:s18+$0x1830 ss:$0x81] =	vst.msk $0xffff, v7  }
.Ltmp4:
0x48: {  	_ = 	snop;
	(pc) =	sbr.rel .LBB1_4-.Ltmp4, $1  }
0x49: {  	_ =	sdelay $0x3  }
.LBB1_6:
0x4a: {  	_ =	sfence.sel $0x180000  }
0x4b: {  	s2 =	simm.s32 $0x1;
	[bflag:$0x0] =	sbarrier.arrive $0xFFFF  }
0x4c: {  	s31 =	simm.s32 $0x2;
	[sflag:s2] =	ssyncpa.u1 $0x1  }
0x4d: {  	[sflag:s31] =	ssyncpa.u1 $0x1  }
0x4e: {  	p0 =	sne.s32 s0, $0x0;
	_ =	strace $0x90000047  }
0x4f: {  	s0 =	sadd.s32 @!p0 $0x100000, s1;
	[bflag:$0x2] =	sbarrier.arrive $0xFFFF  }
0x50: {  	[sflag:s0] =	ssyncadd.tile.s32 @!p0 $0x1;
	_ =	shalt  }
.Lfunc_end1:
_tile_overlayer_lowered:
.L_overlay_start_2:
0x51: {  	(tag) =	ssettag $0x2  }
0x52: {  	s0 =	rddreg [dreg:$0x0];
	s2 =	stileid.u32  }
0x53: {  	s1 =	rddreg [dreg:$0x1];
	p0 =	sne.s32 s2, $0x0  }
0x54: {  	s3 =	rddreg [dreg:$0x2];
	[bflag:$0x3] =	sbarrier.arrive $0xFFFF;
	s2 =	simm.s32 @!p0 $0x1C01  }
0x55: {  	[timem:s3], [sflag:s2] =	dma.local @!p0 [hbm:s0], s1  }
0x56: {  	s0 =	simm.s32 @!p0 $0x1  }
0x57: {  	_ =	swait.ge @!p0 [sflag:s0], s1  }
0x58: {  	s1 =	ssub.s32 @!p0 $0x0, s1;
	[sflag:s0] =	ssyncset.done @!p0 $0x0  }
0x59: {  	[sflag:s0] =	ssyncadd.s32 @!p0 s1  }
0x5a: {  	[bflag:$0x3] =	sbarrier.arrive $0xFFFF  }
0x5b: {  	_ =	shalt  }

</sc_bundles>
